<compile_context>
chip_gen: v7x
topology: tpu7x:2x2x1
jax: 0.10.2.dev20260603
libtpu: 0.0.44.dev20260713+nightly
codegen_flags: <defaults>
</compile_context>

<pallas_src>
import functools

import jax
import jax.numpy as jnp
from jax import lax
from jax.experimental import pallas as pl
from jax.experimental.pallas import tpu as pltpu
from jax.experimental.pallas import tpu_sc as plsc

_NC = 2
_NS = 16
_NW = _NC * _NS
_LANES = 16
_CH = 64


def _first_two(Ht):
    nz = Ht > 0
    cum = jnp.cumsum(nz.astype(jnp.int32), axis=1)
    sel0 = nz & (cum == 1)
    sel1 = nz & (cum == 2)
    a0 = jnp.argmax(sel0, axis=1).astype(jnp.int32)
    a1 = jnp.argmax(sel1, axis=1).astype(jnp.int32)
    w0 = jnp.sum(jnp.where(sel0, Ht, 0.0), axis=1).astype(jnp.float32)
    w1 = jnp.sum(jnp.where(sel1, Ht, 0.0), axis=1).astype(jnp.float32)
    return a0, a1, w0, w1


def _lane_tables(H_z, H_x, qubit_rows, qubit_cols, qubit_src_idx,
                 z_stab_rows, z_stab_cols, z_stab_src_idx,
                 x_stab_rows, x_stab_cols, x_stab_src_idx, new):
    n_z = H_z.shape[0]
    cells = new * new

    za0, za1, zw0, zw1 = _first_two(H_z.T)
    xa0, xa1, xw0, xw1 = _first_two(H_x.T)
    q = qubit_src_idx

    i32 = jnp.int32
    f32 = jnp.float32
    n_st = z_stab_src_idx.shape[0] + x_stab_src_idx.shape[0]

    i0 = jnp.concatenate([
        z_stab_src_idx, x_stab_src_idx + n_z,
        za0[q], xa0[q] + n_z,
    ]).astype(i32)
    i1 = jnp.concatenate([
        jnp.zeros((n_st,), i32),
        za1[q], xa1[q] + n_z,
    ]).astype(i32)
    w0 = jnp.concatenate([
        jnp.full((n_st,), 2.0, f32),
        0.25 * zw0[q], 0.25 * xw0[q],
    ]).astype(f32)
    w1 = jnp.concatenate([
        jnp.zeros((n_st,), f32),
        0.25 * zw1[q], 0.25 * xw1[q],
    ]).astype(f32)
    bias = jnp.concatenate([
        jnp.full((n_st,), -1.0, f32),
        jnp.zeros((2 * q.shape[0],), f32),
    ]).astype(f32)
    col = jnp.concatenate([
        2 * cells + z_stab_rows * new + z_stab_cols,
        3 * cells + x_stab_rows * new + x_stab_cols,
        4 * cells + qubit_rows * new + qubit_cols,
        5 * cells + qubit_rows * new + qubit_cols,
    ]).astype(i32)

    total = i0.shape[0]
    ngrp = -(-total // _LANES)
    pad = ngrp * _LANES - total

    def padded(a, val):
        return jnp.pad(a, (0, pad), constant_values=val)

    msk = padded(jnp.ones((total,), i32), 0)
    return (padded(i0, 0), padded(i1, 0), padded(w0, 0.0), padded(w1, 0.0),
            padded(bias, 0.0), padded(col, 0), msk, ngrp)


def _make_sc_call(B, SW, out_cols, ngrp, glanes):
    rows_w = B // _NW
    nchunk = rows_w // _CH
    mesh = plsc.VectorSubcoreMesh(core_axis_name="c", subcore_axis_name="s")

    @functools.partial(
        pl.kernel,
        out_type=jax.ShapeDtypeStruct((B, out_cols), jnp.float32),
        mesh=mesh,
        compiler_params=pltpu.CompilerParams(
            use_tc_tiling_on_sc=False, needs_layout_passes=False),
        scratch_types=[
            pltpu.VMEM((rows_w, SW), jnp.float32),
            pltpu.VMEM((_CH, out_cols), jnp.float32),
            pltpu.VMEM((_CH, out_cols), jnp.float32),
            pltpu.VMEM((glanes,), jnp.int32),
            pltpu.VMEM((glanes,), jnp.int32),
            pltpu.VMEM((glanes,), jnp.float32),
            pltpu.VMEM((glanes,), jnp.float32),
            pltpu.VMEM((glanes,), jnp.float32),
            pltpu.VMEM((glanes,), jnp.int32),
            pltpu.VMEM((glanes,), jnp.int32),
            pltpu.SemaphoreType.DMA,
            pltpu.SemaphoreType.DMA,
            pltpu.SemaphoreType.DMA,
        ],
    )
    def sc_call(synd, i0_h, i1_h, w0_h, w1_h, b_h, col_h, m_h, out,
                synd_v, buf0, buf1, i0_v, i1_v, w0_v, w1_v, b_v, col_v, m_v,
                sem_in, sem_a, sem_b):
        wid = lax.axis_index("s") * _NC + lax.axis_index("c")
        base = wid * rows_w

        cp_in = pltpu.async_copy(synd.at[pl.ds(base, rows_w)], synd_v, sem_in)
        pltpu.sync_copy(i0_h, i0_v)
        pltpu.sync_copy(i1_h, i1_v)
        pltpu.sync_copy(w0_h, w0_v)
        pltpu.sync_copy(w1_h, w1_v)
        pltpu.sync_copy(b_h, b_v)
        pltpu.sync_copy(col_h, col_v)
        pltpu.sync_copy(m_h, m_v)

        zvec = jnp.zeros((_LANES,), jnp.float32)
        iota = lax.iota(jnp.int32, _LANES)
        nfull = out_cols // _LANES
        ntail = out_cols - nfull * _LANES
        tail_cols = nfull * _LANES + iota
        tail_msk = iota < ntail

        def zero_rows(buf):
            def body(r, carry):
                for i in range(nfull):
                    buf[r, pl.ds(i * _LANES, _LANES)] = zvec
                if ntail:
                    plsc.store_scatter(
                        buf, [jnp.full((_LANES,), r, jnp.int32), tail_cols],
                        zvec, mask=tail_msk)
                return carry
            lax.fori_loop(0, _CH, body, 0)

        zero_rows(buf0)
        zero_rows(buf1)

        gi0 = [i0_v[pl.ds(g * _LANES, _LANES)] for g in range(ngrp)]
        gi1 = [i1_v[pl.ds(g * _LANES, _LANES)] for g in range(ngrp)]
        gw0 = [w0_v[pl.ds(g * _LANES, _LANES)] for g in range(ngrp)]
        gw1 = [w1_v[pl.ds(g * _LANES, _LANES)] for g in range(ngrp)]
        gb = [b_v[pl.ds(g * _LANES, _LANES)] for g in range(ngrp)]
        gcol = [col_v[pl.ds(g * _LANES, _LANES)] for g in range(ngrp)]
        gmsk = [m_v[pl.ds(g * _LANES, _LANES)] != 0 for g in range(ngrp)]

        cp_in.wait()

        def do_chunk(c, buf):
            def body(r, carry):
                lr = c * _CH + r
                rsplat = jnp.full((_LANES,), r, jnp.int32)
                lrsplat = jnp.full((_LANES,), lr, jnp.int32)
                for g in range(ngrp):
                    v0 = plsc.load_gather(synd_v, [lrsplat, gi0[g]])
                    v1 = plsc.load_gather(synd_v, [lrsplat, gi1[g]])
                    val = v0 * gw0[g] + v1 * gw1[g] + gb[g]
                    plsc.store_scatter(buf, [rsplat, gcol[g]], val,
                                       mask=gmsk[g])
                return carry
            lax.fori_loop(0, _CH, body, 0)

        pending = [None, None]
        for c in range(nchunk):
            p = c & 1
            buf = buf0 if p == 0 else buf1
            sem = sem_a if p == 0 else sem_b
            if pending[p] is not None:
                pending[p].wait()
            do_chunk(c, buf)
            pending[p] = pltpu.async_copy(
                buf, out.at[pl.ds(base + c * _CH, _CH)], sem)
        for p in (0, 1):
            if pending[p] is not None:
                pending[p].wait()

    return sc_call


def kernel(syndrome, H_z, H_x, qubit_rows, qubit_cols, qubit_src_idx,
           z_stab_rows, z_stab_cols, z_stab_src_idx,
           x_stab_rows, x_stab_cols, x_stab_src_idx):
    B, SW = syndrome.shape
    NQ = H_z.shape[1]
    L = int(round(NQ ** 0.5))
    new = 2 * L - 1
    out_cols = 6 * new * new

    i0, i1, w0, w1, bias, col, msk, ngrp = _lane_tables(
        H_z, H_x, qubit_rows, qubit_cols, qubit_src_idx,
        z_stab_rows, z_stab_cols, z_stab_src_idx,
        x_stab_rows, x_stab_cols, x_stab_src_idx, new)
    glanes = ngrp * _LANES

    sc_call = _make_sc_call(B, SW, out_cols, ngrp, glanes)
    flat = sc_call(syndrome.astype(jnp.float32), i0, i1, w0, w1, bias, col,
                   msk)
    return flat.reshape(B, 6, new, new).astype(syndrome.dtype)

# --- scband reference (transcript-rebuilt; emitter-appended) ---
"""Pipeline reference for scband-diamond-grid-builder-41403484733964 (READ-ONLY COPY).

The authoritative reference and input builder live on the scoring server;
editing this copy changes nothing except your own understanding.
"""

import jax, jax.numpy as jnp
import numpy as np

L = 5
NQ = L * L
NEW = 2 * L - 1
B = 16384


def _rot(r, c):
    nr = L - 1 + (r - c) // 2
    nc = (r + c) // 2 - 1
    return max(0, nr), max(0, nc)


def _build_parity_and_maps():
    Hz_rows, Hx_rows = [], []
    for i in range(L - 1):
        for j in range(L - 1):
            row = np.zeros(NQ, dtype=np.float32)
            for q in (i * L + j, i * L + j + 1, (i + 1) * L + j, (i + 1) * L + j + 1):
                row[q] = 1.0
            (Hz_rows if (i + j) % 2 == 0 else Hx_rows).append(row)
    H_z = np.stack(Hz_rows)
    H_x = np.stack(Hx_rows)
    q_rows, q_cols, q_src = [], [], []
    for i in range(L):
        for j in range(L):
            nr, nc = _rot(2 * i + 1, 2 * j + 1)
            if nr < NEW and nc < NEW:
                q_rows.append(nr); q_cols.append(nc); q_src.append(i * L + j)

    def stab_maps(H, stype):
        rows, cols, src = [], [], []
        for s in range(H.shape[0]):
            qs = np.where(H[s] == 1)[0].tolist()
            rr = [q // L for q in qs]; cc = [q % L for q in qs]
            if len(qs) == 4:
                orr = 2 * min(rr) + 2; occ = 2 * min(cc) + 2
            elif stype == 'Z':
                occ = 0 if (min(cc) == 0 and max(cc) == 0) else 2 * L
                orr = 2 * min(rr) + 2
            else:
                orr = 0 if (min(rr) == 0 and max(rr) == 0) else 2 * L
                occ = 2 * min(cc) + 2
            nr, nc = _rot(orr, occ)
            if nr < NEW and nc < NEW:
                rows.append(nr); cols.append(nc); src.append(s)
        return rows, cols, src

    zm = stab_maps(H_z, 'Z')
    xm = stab_maps(H_x, 'X')
    return H_z, H_x, (q_rows, q_cols, q_src), zm, xm


def setup_inputs(seed: int = 0) -> dict:
    key = jax.random.key(seed)
    H_z, H_x, qm, zm, xm = _build_parity_and_maps()
    syndrome = jax.random.randint(key, (B, H_z.shape[0] + H_x.shape[0]), 0, 2).astype(jnp.float32)
    return {
        'syndrome': syndrome,
        'H_z': jnp.asarray(H_z),
        'H_x': jnp.asarray(H_x),
        'qubit_rows': jnp.asarray(qm[0], dtype=jnp.int32),
        'qubit_cols': jnp.asarray(qm[1], dtype=jnp.int32),
        'qubit_src_idx': jnp.asarray(qm[2], dtype=jnp.int32),
        'z_stab_rows': jnp.asarray(zm[0], dtype=jnp.int32),
        'z_stab_cols': jnp.asarray(zm[1], dtype=jnp.int32),
        'z_stab_src_idx': jnp.asarray(zm[2], dtype=jnp.int32),
        'x_stab_rows': jnp.asarray(xm[0], dtype=jnp.int32),
        'x_stab_cols': jnp.asarray(xm[1], dtype=jnp.int32),
        'x_stab_src_idx': jnp.asarray(xm[2], dtype=jnp.int32),
    }


def reference(syndrome, H_z, H_x, qubit_rows, qubit_cols, qubit_src_idx,
              z_stab_rows, z_stab_cols, z_stab_src_idx,
              x_stab_rows, x_stab_cols, x_stab_src_idx):
    n_z = H_z.shape[0]
    Bb = syndrome.shape[0]
    s_z = syndrome[:, :n_z]
    s_x = syndrome[:, n_z:]
    # x_error_lut / z_error_lut are None in this config -> zero channels
    lut_x_error = jnp.zeros((Bb, NQ), dtype=syndrome.dtype)
    lut_z_error = jnp.zeros((Bb, NQ), dtype=syndrome.dtype)
    z_count = jnp.matmul(s_z, H_z) / 4.0
    x_count = jnp.matmul(s_x, H_x) / 4.0
    grid = jnp.zeros((Bb, 6, NEW, NEW), dtype=syndrome.dtype)
    grid = grid.at[:, 0, qubit_rows, qubit_cols].set(lut_x_error[:, qubit_src_idx])
    grid = grid.at[:, 1, qubit_rows, qubit_cols].set(lut_z_error[:, qubit_src_idx])
    s_z_encoded = s_z * 2.0 - 1.0
    grid = grid.at[:, 2, z_stab_rows, z_stab_cols].set(s_z_encoded[:, z_stab_src_idx])
    s_x_encoded = s_x * 2.0 - 1.0
    grid = grid.at[:, 3, x_stab_rows, x_stab_cols].set(s_x_encoded[:, x_stab_src_idx])
    grid = grid.at[:, 4, qubit_rows, qubit_cols].set(z_count[:, qubit_src_idx])
    grid = grid.at[:, 5, qubit_rows, qubit_cols].set(x_count[:, qubit_src_idx])
    return grid

if __name__ == "__main__":
    import jax
    _d = setup_inputs()
    print(jax.jit(kernel)(*tuple(_d.values())))

</pallas_src>

<mosaic_0001>
#map = affine_map<(d0, d1) -> (0, 0)>
#map1 = affine_map<(d0, d1) -> (0)>
module attributes {stable_mosaic.version = 14 : i64} {
  func.func @sc_call(%arg0: i32, %arg1: i32, %arg2: memref<16384x16xf32, #tpu.memory_space<hbm>>, %arg3: memref<80xi32, #tpu.memory_space<hbm>>, %arg4: memref<80xi32, #tpu.memory_space<hbm>>, %arg5: memref<80xf32, #tpu.memory_space<hbm>>, %arg6: memref<80xf32, #tpu.memory_space<hbm>>, %arg7: memref<80xf32, #tpu.memory_space<hbm>>, %arg8: memref<80xi32, #tpu.memory_space<hbm>>, %arg9: memref<80xi32, #tpu.memory_space<hbm>>, %arg10: memref<16384x486xf32, #tpu.memory_space<hbm>>, %arg11: memref<512x16xf32, #tpu.memory_space<vmem>>, %arg12: memref<64x486xf32, #tpu.memory_space<vmem>>, %arg13: memref<64x486xf32, #tpu.memory_space<vmem>>, %arg14: memref<80xi32, #tpu.memory_space<vmem>>, %arg15: memref<80xi32, #tpu.memory_space<vmem>>, %arg16: memref<80xf32, #tpu.memory_space<vmem>>, %arg17: memref<80xf32, #tpu.memory_space<vmem>>, %arg18: memref<80xf32, #tpu.memory_space<vmem>>, %arg19: memref<80xi32, #tpu.memory_space<vmem>>, %arg20: memref<80xi32, #tpu.memory_space<vmem>>, %arg21: memref<!tpu.dma_semaphore, #tpu.memory_space<semaphore_mem>>, %arg22: memref<!tpu.dma_semaphore, #tpu.memory_space<semaphore_mem>>, %arg23: memref<!tpu.dma_semaphore, #tpu.memory_space<semaphore_mem>>) attributes {dimension_semantics = [#tpu.dimension_semantics<core_parallel>, #tpu.dimension_semantics<subcore_parallel>], iteration_bounds = array<i64: 2, 16>, scalar_prefetch = 0 : i64, scratch_operands = 13 : i64, tpu.core_type = #tpu.core_type<sc_vector_subcore>, window_params = [{transform_indices = #map}, {transform_indices = #map1}, {transform_indices = #map1}, {transform_indices = #map1}, {transform_indices = #map1}, {transform_indices = #map1}, {transform_indices = #map1}, {transform_indices = #map1}, {transform_indices = #map}]} {
    %mul3A = arith.constant 2 : i32
    %mul3A_0 = arith.muli %arg1, %mul3A : i32
    %add3A = arith.addi %mul3A_0, %arg0 : i32
    %mul3A_1 = arith.constant 512 : i32
    %mul3A_2 = arith.muli %add3A, %mul3A_1 : i32
    %dma_start3A = arith.constant 0 : i32
    %dma_start3A_3 = tpu.memref_slice %arg2[%mul3A_2, %dma_start3A] : memref<16384x16xf32, #tpu.memory_space<hbm>> -> memref<512x16xf32, #tpu.memory_space<hbm>>
    %dma_start3A_4 = arith.constant 0 : i32
    %dma_start3A_5 = tpu.memref_slice %arg2[%mul3A_2, %dma_start3A_4] : memref<16384x16xf32, #tpu.memory_space<hbm>> -> memref<512x16xf32, #tpu.memory_space<hbm>>
    tpu.enqueue_dma source(%dma_start3A_5 : memref<512x16xf32, #tpu.memory_space<hbm>>) target(%arg11 : memref<512x16xf32, #tpu.memory_space<vmem>>) target_semaphore(%arg21 : memref<!tpu.dma_semaphore, #tpu.memory_space<semaphore_mem>>)
    "tpu.region"() ({
      %run_scoped3A = tpu.sem_alloc : memref<!tpu.dma_semaphore, #tpu.memory_space<semaphore_mem>>
      tpu.enqueue_dma source(%arg3 : memref<80xi32, #tpu.memory_space<hbm>>) target(%arg14 : memref<80xi32, #tpu.memory_space<vmem>>) target_semaphore(%run_scoped3A : memref<!tpu.dma_semaphore, #tpu.memory_space<semaphore_mem>>)
      tpu.wait_dma2 semaphore(%run_scoped3A : memref<!tpu.dma_semaphore, #tpu.memory_space<semaphore_mem>>) src(%arg3 : memref<80xi32, #tpu.memory_space<hbm>>) dst(%arg14 : memref<80xi32, #tpu.memory_space<vmem>>)
      tpu.yield
    }) : () -> ()
    "tpu.region"() ({
      %run_scoped3A = tpu.sem_alloc : memref<!tpu.dma_semaphore, #tpu.memory_space<semaphore_mem>>
      tpu.enqueue_dma source(%arg4 : memref<80xi32, #tpu.memory_space<hbm>>) target(%arg15 : memref<80xi32, #tpu.memory_space<vmem>>) target_semaphore(%run_scoped3A : memref<!tpu.dma_semaphore, #tpu.memory_space<semaphore_mem>>)
      tpu.wait_dma2 semaphore(%run_scoped3A : memref<!tpu.dma_semaphore, #tpu.memory_space<semaphore_mem>>) src(%arg4 : memref<80xi32, #tpu.memory_space<hbm>>) dst(%arg15 : memref<80xi32, #tpu.memory_space<vmem>>)
      tpu.yield
    }) : () -> ()
    "tpu.region"() ({
      %run_scoped3A = tpu.sem_alloc : memref<!tpu.dma_semaphore, #tpu.memory_space<semaphore_mem>>
      tpu.enqueue_dma source(%arg5 : memref<80xf32, #tpu.memory_space<hbm>>) target(%arg16 : memref<80xf32, #tpu.memory_space<vmem>>) target_semaphore(%run_scoped3A : memref<!tpu.dma_semaphore, #tpu.memory_space<semaphore_mem>>)
      tpu.wait_dma2 semaphore(%run_scoped3A : memref<!tpu.dma_semaphore, #tpu.memory_space<semaphore_mem>>) src(%arg5 : memref<80xf32, #tpu.memory_space<hbm>>) dst(%arg16 : memref<80xf32, #tpu.memory_space<vmem>>)
      tpu.yield
    }) : () -> ()
    "tpu.region"() ({
      %run_scoped3A = tpu.sem_alloc : memref<!tpu.dma_semaphore, #tpu.memory_space<semaphore_mem>>
      tpu.enqueue_dma source(%arg6 : memref<80xf32, #tpu.memory_space<hbm>>) target(%arg17 : memref<80xf32, #tpu.memory_space<vmem>>) target_semaphore(%run_scoped3A : memref<!tpu.dma_semaphore, #tpu.memory_space<semaphore_mem>>)
      tpu.wait_dma2 semaphore(%run_scoped3A : memref<!tpu.dma_semaphore, #tpu.memory_space<semaphore_mem>>) src(%arg6 : memref<80xf32, #tpu.memory_space<hbm>>) dst(%arg17 : memref<80xf32, #tpu.memory_space<vmem>>)
      tpu.yield
    }) : () -> ()
    "tpu.region"() ({
      %run_scoped3A = tpu.sem_alloc : memref<!tpu.dma_semaphore, #tpu.memory_space<semaphore_mem>>
      tpu.enqueue_dma source(%arg7 : memref<80xf32, #tpu.memory_space<hbm>>) target(%arg18 : memref<80xf32, #tpu.memory_space<vmem>>) target_semaphore(%run_scoped3A : memref<!tpu.dma_semaphore, #tpu.memory_space<semaphore_mem>>)
      tpu.wait_dma2 semaphore(%run_scoped3A : memref<!tpu.dma_semaphore, #tpu.memory_space<semaphore_mem>>) src(%arg7 : memref<80xf32, #tpu.memory_space<hbm>>) dst(%arg18 : memref<80xf32, #tpu.memory_space<vmem>>)
      tpu.yield
    }) : () -> ()
    "tpu.region"() ({
      %run_scoped3A = tpu.sem_alloc : memref<!tpu.dma_semaphore, #tpu.memory_space<semaphore_mem>>
      tpu.enqueue_dma source(%arg8 : memref<80xi32, #tpu.memory_space<hbm>>) target(%arg19 : memref<80xi32, #tpu.memory_space<vmem>>) target_semaphore(%run_scoped3A : memref<!tpu.dma_semaphore, #tpu.memory_space<semaphore_mem>>)
      tpu.wait_dma2 semaphore(%run_scoped3A : memref<!tpu.dma_semaphore, #tpu.memory_space<semaphore_mem>>) src(%arg8 : memref<80xi32, #tpu.memory_space<hbm>>) dst(%arg19 : memref<80xi32, #tpu.memory_space<vmem>>)
      tpu.yield
    }) : () -> ()
    "tpu.region"() ({
      %run_scoped3A = tpu.sem_alloc : memref<!tpu.dma_semaphore, #tpu.memory_space<semaphore_mem>>
      tpu.enqueue_dma source(%arg9 : memref<80xi32, #tpu.memory_space<hbm>>) target(%arg20 : memref<80xi32, #tpu.memory_space<vmem>>) target_semaphore(%run_scoped3A : memref<!tpu.dma_semaphore, #tpu.memory_space<semaphore_mem>>)
      tpu.wait_dma2 semaphore(%run_scoped3A : memref<!tpu.dma_semaphore, #tpu.memory_space<semaphore_mem>>) src(%arg9 : memref<80xi32, #tpu.memory_space<hbm>>) dst(%arg20 : memref<80xi32, #tpu.memory_space<vmem>>)
      tpu.yield
    }) : () -> ()
    %broadcast_in_dim3A = arith.constant 0.000000e+00 : f32
    %broadcast_in_dim3A_6 = vector.broadcast %broadcast_in_dim3A : f32 to vector<16xf32>
    %iota3A = tpu.iota {dimensions = array<i32: 0>} : vector<16xi32>
    %add3A_7 = arith.constant 480 : i32
    %add3A_8 = vector.broadcast %add3A_7 : i32 to vector<16xi32>
    %add3A_9 = arith.addi %add3A_8, %iota3A : vector<16xi32>
    %lt3A = arith.constant 6 : i32
    %lt3A_10 = vector.broadcast %lt3A : i32 to vector<16xi32>
    %lt3A_11 = arith.cmpi slt, %iota3A, %lt3A_10 : vector<16xi32>
    %scan3A = arith.constant 0 : i32
    %scan3A_12 = arith.constant 0 : i32
    %scan3A_13 = arith.constant 64 : i32
    %scan3A_14 = arith.addi %scan3A_12, %scan3A_13 : i32
    %scan3A_15 = arith.constant 1 : i32
    scf.for %scan3A_237 = %scan3A_12 to %scan3A_14 step %scan3A_15  : i32 {
      %swap3A = arith.index_cast %scan3A_237 : i32 to index
      %swap3A_238 = arith.constant 0 : index
      %swap3A_239 = tpu.vector_load %arg12[%swap3A, %swap3A_238] {strides = array<i32>} : memref<64x486xf32, #tpu.memory_space<vmem>>, vector<16xf32>,
      tpu.vector_store %arg12[%swap3A, %swap3A_238], %broadcast_in_dim3A_6 {strides = array<i32>} : memref<64x486xf32, #tpu.memory_space<vmem>>, vector<16xf32>,
      %swap3A_240 = arith.index_cast %scan3A_237 : i32 to index
      %swap3A_241 = arith.constant 16 : index
      %swap3A_242 = tpu.vector_load %arg12[%swap3A_240, %swap3A_241] {strides = array<i32>} : memref<64x486xf32, #tpu.memory_space<vmem>>, vector<16xf32>,
      tpu.vector_store %arg12[%swap3A_240, %swap3A_241], %broadcast_in_dim3A_6 {strides = array<i32>} : memref<64x486xf32, #tpu.memory_space<vmem>>, vector<16xf32>,
      %swap3A_243 = arith.index_cast %scan3A_237 : i32 to index
      %swap3A_244 = arith.constant 32 : index
      %swap3A_245 = tpu.vector_load %arg12[%swap3A_243, %swap3A_244] {strides = array<i32>} : memref<64x486xf32, #tpu.memory_space<vmem>>, vector<16xf32>,
      tpu.vector_store %arg12[%swap3A_243, %swap3A_244], %broadcast_in_dim3A_6 {strides = array<i32>} : memref<64x486xf32, #tpu.memory_space<vmem>>, vector<16xf32>,
      %swap3A_246 = arith.index_cast %scan3A_237 : i32 to index
      %swap3A_247 = arith.constant 48 : index
      %swap3A_248 = tpu.vector_load %arg12[%swap3A_246, %swap3A_247] {strides = array<i32>} : memref<64x486xf32, #tpu.memory_space<vmem>>, vector<16xf32>,
      tpu.vector_store %arg12[%swap3A_246, %swap3A_247], %broadcast_in_dim3A_6 {strides = array<i32>} : memref<64x486xf32, #tpu.memory_space<vmem>>, vector<16xf32>,
      %swap3A_249 = arith.index_cast %scan3A_237 : i32 to index
      %swap3A_250 = arith.constant 64 : index
      %swap3A_251 = tpu.vector_load %arg12[%swap3A_249, %swap3A_250] {strides = array<i32>} : memref<64x486xf32, #tpu.memory_space<vmem>>, vector<16xf32>,
      tpu.vector_store %arg12[%swap3A_249, %swap3A_250], %broadcast_in_dim3A_6 {strides = array<i32>} : memref<64x486xf32, #tpu.memory_space<vmem>>, vector<16xf32>,
      %swap3A_252 = arith.index_cast %scan3A_237 : i32 to index
      %swap3A_253 = arith.constant 80 : index
      %swap3A_254 = tpu.vector_load %arg12[%swap3A_252, %swap3A_253] {strides = array<i32>} : memref<64x486xf32, #tpu.memory_space<vmem>>, vector<16xf32>,
      tpu.vector_store %arg12[%swap3A_252, %swap3A_253], %broadcast_in_dim3A_6 {strides = array<i32>} : memref<64x486xf32, #tpu.memory_space<vmem>>, vector<16xf32>,
      %swap3A_255 = arith.index_cast %scan3A_237 : i32 to index
      %swap3A_256 = arith.constant 96 : index
      %swap3A_257 = tpu.vector_load %arg12[%swap3A_255, %swap3A_256] {strides = array<i32>} : memref<64x486xf32, #tpu.memory_space<vmem>>, vector<16xf32>,
      tpu.vector_store %arg12[%swap3A_255, %swap3A_256], %broadcast_in_dim3A_6 {strides = array<i32>} : memref<64x486xf32, #tpu.memory_space<vmem>>, vector<16xf32>,
      %swap3A_258 = arith.index_cast %scan3A_237 : i32 to index
      %swap3A_259 = arith.constant 112 : index
      %swap3A_260 = tpu.vector_load %arg12[%swap3A_258, %swap3A_259] {strides = array<i32>} : memref<64x486xf32, #tpu.memory_space<vmem>>, vector<16xf32>,
      tpu.vector_store %arg12[%swap3A_258, %swap3A_259], %broadcast_in_dim3A_6 {strides = array<i32>} : memref<64x486xf32, #tpu.memory_space<vmem>>, vector<16xf32>,
      %swap3A_261 = arith.index_cast %scan3A_237 : i32 to index
      %swap3A_262 = arith.constant 128 : index
      %swap3A_263 = tpu.vector_load %arg12[%swap3A_261, %swap3A_262] {strides = array<i32>} : memref<64x486xf32, #tpu.memory_space<vmem>>, vector<16xf32>,
      tpu.vector_store %arg12[%swap3A_261, %swap3A_262], %broadcast_in_dim3A_6 {strides = array<i32>} : memref<64x486xf32, #tpu.memory_space<vmem>>, vector<16xf32>,
      %swap3A_264 = arith.index_cast %scan3A_237 : i32 to index
      %swap3A_265 = arith.constant 144 : index
      %swap3A_266 = tpu.vector_load %arg12[%swap3A_264, %swap3A_265] {strides = array<i32>} : memref<64x486xf32, #tpu.memory_space<vmem>>, vector<16xf32>,
      tpu.vector_store %arg12[%swap3A_264, %swap3A_265], %broadcast_in_dim3A_6 {strides = array<i32>} : memref<64x486xf32, #tpu.memory_space<vmem>>, vector<16xf32>,
      %swap3A_267 = arith.index_cast %scan3A_237 : i32 to index
      %swap3A_268 = arith.constant 160 : index
      %swap3A_269 = tpu.vector_load %arg12[%swap3A_267, %swap3A_268] {strides = array<i32>} : memref<64x486xf32, #tpu.memory_space<vmem>>, vector<16xf32>,
      tpu.vector_store %arg12[%swap3A_267, %swap3A_268], %broadcast_in_dim3A_6 {strides = array<i32>} : memref<64x486xf32, #tpu.memory_space<vmem>>, vector<16xf32>,
      %swap3A_270 = arith.index_cast %scan3A_237 : i32 to index
      %swap3A_271 = arith.constant 176 : index
      %swap3A_272 = tpu.vector_load %arg12[%swap3A_270, %swap3A_271] {strides = array<i32>} : memref<64x486xf32, #tpu.memory_space<vmem>>, vector<16xf32>,
      tpu.vector_store %arg12[%swap3A_270, %swap3A_271], %broadcast_in_dim3A_6 {strides = array<i32>} : memref<64x486xf32, #tpu.memory_space<vmem>>, vector<16xf32>,
      %swap3A_273 = arith.index_cast %scan3A_237 : i32 to index
      %swap3A_274 = arith.constant 192 : index
      %swap3A_275 = tpu.vector_load %arg12[%swap3A_273, %swap3A_274] {strides = array<i32>} : memref<64x486xf32, #tpu.memory_space<vmem>>, vector<16xf32>,
      tpu.vector_store %arg12[%swap3A_273, %swap3A_274], %broadcast_in_dim3A_6 {strides = array<i32>} : memref<64x486xf32, #tpu.memory_space<vmem>>, vector<16xf32>,
      %swap3A_276 = arith.index_cast %scan3A_237 : i32 to index
      %swap3A_277 = arith.constant 208 : index
      %swap3A_278 = tpu.vector_load %arg12[%swap3A_276, %swap3A_277] {strides = array<i32>} : memref<64x486xf32, #tpu.memory_space<vmem>>, vector<16xf32>,
      tpu.vector_store %arg12[%swap3A_276, %swap3A_277], %broadcast_in_dim3A_6 {strides = array<i32>} : memref<64x486xf32, #tpu.memory_space<vmem>>, vector<16xf32>,
      %swap3A_279 = arith.index_cast %scan3A_237 : i32 to index
      %swap3A_280 = arith.constant 224 : index
      %swap3A_281 = tpu.vector_load %arg12[%swap3A_279, %swap3A_280] {strides = array<i32>} : memref<64x486xf32, #tpu.memory_space<vmem>>, vector<16xf32>,
      tpu.vector_store %arg12[%swap3A_279, %swap3A_280], %broadcast_in_dim3A_6 {strides = array<i32>} : memref<64x486xf32, #tpu.memory_space<vmem>>, vector<16xf32>,
      %swap3A_282 = arith.index_cast %scan3A_237 : i32 to index
      %swap3A_283 = arith.constant 240 : index
      %swap3A_284 = tpu.vector_load %arg12[%swap3A_282, %swap3A_283] {strides = array<i32>} : memref<64x486xf32, #tpu.memory_space<vmem>>, vector<16xf32>,
      tpu.vector_store %arg12[%swap3A_282, %swap3A_283], %broadcast_in_dim3A_6 {strides = array<i32>} : memref<64x486xf32, #tpu.memory_space<vmem>>, vector<16xf32>,
      %swap3A_285 = arith.index_cast %scan3A_237 : i32 to index
      %swap3A_286 = arith.constant 256 : index
      %swap3A_287 = tpu.vector_load %arg12[%swap3A_285, %swap3A_286] {strides = array<i32>} : memref<64x486xf32, #tpu.memory_space<vmem>>, vector<16xf32>,
      tpu.vector_store %arg12[%swap3A_285, %swap3A_286], %broadcast_in_dim3A_6 {strides = array<i32>} : memref<64x486xf32, #tpu.memory_space<vmem>>, vector<16xf32>,
      %swap3A_288 = arith.index_cast %scan3A_237 : i32 to index
      %swap3A_289 = arith.constant 272 : index
      %swap3A_290 = tpu.vector_load %arg12[%swap3A_288, %swap3A_289] {strides = array<i32>} : memref<64x486xf32, #tpu.memory_space<vmem>>, vector<16xf32>,
      tpu.vector_store %arg12[%swap3A_288, %swap3A_289], %broadcast_in_dim3A_6 {strides = array<i32>} : memref<64x486xf32, #tpu.memory_space<vmem>>, vector<16xf32>,
      %swap3A_291 = arith.index_cast %scan3A_237 : i32 to index
      %swap3A_292 = arith.constant 288 : index
      %swap3A_293 = tpu.vector_load %arg12[%swap3A_291, %swap3A_292] {strides = array<i32>} : memref<64x486xf32, #tpu.memory_space<vmem>>, vector<16xf32>,
      tpu.vector_store %arg12[%swap3A_291, %swap3A_292], %broadcast_in_dim3A_6 {strides = array<i32>} : memref<64x486xf32, #tpu.memory_space<vmem>>, vector<16xf32>,
      %swap3A_294 = arith.index_cast %scan3A_237 : i32 to index
      %swap3A_295 = arith.constant 304 : index
      %swap3A_296 = tpu.vector_load %arg12[%swap3A_294, %swap3A_295] {strides = array<i32>} : memref<64x486xf32, #tpu.memory_space<vmem>>, vector<16xf32>,
      tpu.vector_store %arg12[%swap3A_294, %swap3A_295], %broadcast_in_dim3A_6 {strides = array<i32>} : memref<64x486xf32, #tpu.memory_space<vmem>>, vector<16xf32>,
      %swap3A_297 = arith.index_cast %scan3A_237 : i32 to index
      %swap3A_298 = arith.constant 320 : index
      %swap3A_299 = tpu.vector_load %arg12[%swap3A_297, %swap3A_298] {strides = array<i32>} : memref<64x486xf32, #tpu.memory_space<vmem>>, vector<16xf32>,
      tpu.vector_store %arg12[%swap3A_297, %swap3A_298], %broadcast_in_dim3A_6 {strides = array<i32>} : memref<64x486xf32, #tpu.memory_space<vmem>>, vector<16xf32>,
      %swap3A_300 = arith.index_cast %scan3A_237 : i32 to index
      %swap3A_301 = arith.constant 336 : index
      %swap3A_302 = tpu.vector_load %arg12[%swap3A_300, %swap3A_301] {strides = array<i32>} : memref<64x486xf32, #tpu.memory_space<vmem>>, vector<16xf32>,
      tpu.vector_store %arg12[%swap3A_300, %swap3A_301], %broadcast_in_dim3A_6 {strides = array<i32>} : memref<64x486xf32, #tpu.memory_space<vmem>>, vector<16xf32>,
      %swap3A_303 = arith.index_cast %scan3A_237 : i32 to index
      %swap3A_304 = arith.constant 352 : index
      %swap3A_305 = tpu.vector_load %arg12[%swap3A_303, %swap3A_304] {strides = array<i32>} : memref<64x486xf32, #tpu.memory_space<vmem>>, vector<16xf32>,
      tpu.vector_store %arg12[%swap3A_303, %swap3A_304], %broadcast_in_dim3A_6 {strides = array<i32>} : memref<64x486xf32, #tpu.memory_space<vmem>>, vector<16xf32>,
      %swap3A_306 = arith.index_cast %scan3A_237 : i32 to index
      %swap3A_307 = arith.constant 368 : index
      %swap3A_308 = tpu.vector_load %arg12[%swap3A_306, %swap3A_307] {strides = array<i32>} : memref<64x486xf32, #tpu.memory_space<vmem>>, vector<16xf32>,
      tpu.vector_store %arg12[%swap3A_306, %swap3A_307], %broadcast_in_dim3A_6 {strides = array<i32>} : memref<64x486xf32, #tpu.memory_space<vmem>>, vector<16xf32>,
      %swap3A_309 = arith.index_cast %scan3A_237 : i32 to index
      %swap3A_310 = arith.constant 384 : index
      %swap3A_311 = tpu.vector_load %arg12[%swap3A_309, %swap3A_310] {strides = array<i32>} : memref<64x486xf32, #tpu.memory_space<vmem>>, vector<16xf32>,
      tpu.vector_store %arg12[%swap3A_309, %swap3A_310], %broadcast_in_dim3A_6 {strides = array<i32>} : memref<64x486xf32, #tpu.memory_space<vmem>>, vector<16xf32>,
      %swap3A_312 = arith.index_cast %scan3A_237 : i32 to index
      %swap3A_313 = arith.constant 400 : index
      %swap3A_314 = tpu.vector_load %arg12[%swap3A_312, %swap3A_313] {strides = array<i32>} : memref<64x486xf32, #tpu.memory_space<vmem>>, vector<16xf32>,
      tpu.vector_store %arg12[%swap3A_312, %swap3A_313], %broadcast_in_dim3A_6 {strides = array<i32>} : memref<64x486xf32, #tpu.memory_space<vmem>>, vector<16xf32>,
      %swap3A_315 = arith.index_cast %scan3A_237 : i32 to index
      %swap3A_316 = arith.constant 416 : index
      %swap3A_317 = tpu.vector_load %arg12[%swap3A_315, %swap3A_316] {strides = array<i32>} : memref<64x486xf32, #tpu.memory_space<vmem>>, vector<16xf32>,
      tpu.vector_store %arg12[%swap3A_315, %swap3A_316], %broadcast_in_dim3A_6 {strides = array<i32>} : memref<64x486xf32, #tpu.memory_space<vmem>>, vector<16xf32>,
      %swap3A_318 = arith.index_cast %scan3A_237 : i32 to index
      %swap3A_319 = arith.constant 432 : index
      %swap3A_320 = tpu.vector_load %arg12[%swap3A_318, %swap3A_319] {strides = array<i32>} : memref<64x486xf32, #tpu.memory_space<vmem>>, vector<16xf32>,
      tpu.vector_store %arg12[%swap3A_318, %swap3A_319], %broadcast_in_dim3A_6 {strides = array<i32>} : memref<64x486xf32, #tpu.memory_space<vmem>>, vector<16xf32>,
      %swap3A_321 = arith.index_cast %scan3A_237 : i32 to index
      %swap3A_322 = arith.constant 448 : index
      %swap3A_323 = tpu.vector_load %arg12[%swap3A_321, %swap3A_322] {strides = array<i32>} : memref<64x486xf32, #tpu.memory_space<vmem>>, vector<16xf32>,
      tpu.vector_store %arg12[%swap3A_321, %swap3A_322], %broadcast_in_dim3A_6 {strides = array<i32>} : memref<64x486xf32, #tpu.memory_space<vmem>>, vector<16xf32>,
      %swap3A_324 = arith.index_cast %scan3A_237 : i32 to index
      %swap3A_325 = arith.constant 464 : index
      %swap3A_326 = tpu.vector_load %arg12[%swap3A_324, %swap3A_325] {strides = array<i32>} : memref<64x486xf32, #tpu.memory_space<vmem>>, vector<16xf32>,
      tpu.vector_store %arg12[%swap3A_324, %swap3A_325], %broadcast_in_dim3A_6 {strides = array<i32>} : memref<64x486xf32, #tpu.memory_space<vmem>>, vector<16xf32>,
      %broadcast_in_dim3A_327 = vector.broadcast %scan3A_237 : i32 to vector<16xi32>
      tpu.vector_store_idx %arg12[%broadcast_in_dim3A_327, %add3A_9], %broadcast_in_dim3A_6 masked %lt3A_11 : memref<64x486xf32, #tpu.memory_space<vmem>>[vector<16xi32>, vector<16xi32>], vector<16xf32>, vector<16xi1>
    }
    %scan3A_16 = arith.constant 64 : i32
    %scan3A_17 = arith.constant 0 : i32
    %scan3A_18 = arith.constant 0 : i32
    %scan3A_19 = arith.constant 64 : i32
    %scan3A_20 = arith.addi %scan3A_18, %scan3A_19 : i32
    %scan3A_21 = arith.constant 1 : i32
    scf.for %scan3A_237 = %scan3A_18 to %scan3A_20 step %scan3A_21  : i32 {
      %swap3A = arith.index_cast %scan3A_237 : i32 to index
      %swap3A_238 = arith.constant 0 : index
      %swap3A_239 = tpu.vector_load %arg13[%swap3A, %swap3A_238] {strides = array<i32>} : memref<64x486xf32, #tpu.memory_space<vmem>>, vector<16xf32>,
      tpu.vector_store %arg13[%swap3A, %swap3A_238], %broadcast_in_dim3A_6 {strides = array<i32>} : memref<64x486xf32, #tpu.memory_space<vmem>>, vector<16xf32>,
      %swap3A_240 = arith.index_cast %scan3A_237 : i32 to index
      %swap3A_241 = arith.constant 16 : index
      %swap3A_242 = tpu.vector_load %arg13[%swap3A_240, %swap3A_241] {strides = array<i32>} : memref<64x486xf32, #tpu.memory_space<vmem>>, vector<16xf32>,
      tpu.vector_store %arg13[%swap3A_240, %swap3A_241], %broadcast_in_dim3A_6 {strides = array<i32>} : memref<64x486xf32, #tpu.memory_space<vmem>>, vector<16xf32>,
      %swap3A_243 = arith.index_cast %scan3A_237 : i32 to index
      %swap3A_244 = arith.constant 32 : index
      %swap3A_245 = tpu.vector_load %arg13[%swap3A_243, %swap3A_244] {strides = array<i32>} : memref<64x486xf32, #tpu.memory_space<vmem>>, vector<16xf32>,
      tpu.vector_store %arg13[%swap3A_243, %swap3A_244], %broadcast_in_dim3A_6 {strides = array<i32>} : memref<64x486xf32, #tpu.memory_space<vmem>>, vector<16xf32>,
      %swap3A_246 = arith.index_cast %scan3A_237 : i32 to index
      %swap3A_247 = arith.constant 48 : index
      %swap3A_248 = tpu.vector_load %arg13[%swap3A_246, %swap3A_247] {strides = array<i32>} : memref<64x486xf32, #tpu.memory_space<vmem>>, vector<16xf32>,
      tpu.vector_store %arg13[%swap3A_246, %swap3A_247], %broadcast_in_dim3A_6 {strides = array<i32>} : memref<64x486xf32, #tpu.memory_space<vmem>>, vector<16xf32>,
      %swap3A_249 = arith.index_cast %scan3A_237 : i32 to index
      %swap3A_250 = arith.constant 64 : index
      %swap3A_251 = tpu.vector_load %arg13[%swap3A_249, %swap3A_250] {strides = array<i32>} : memref<64x486xf32, #tpu.memory_space<vmem>>, vector<16xf32>,
      tpu.vector_store %arg13[%swap3A_249, %swap3A_250], %broadcast_in_dim3A_6 {strides = array<i32>} : memref<64x486xf32, #tpu.memory_space<vmem>>, vector<16xf32>,
      %swap3A_252 = arith.index_cast %scan3A_237 : i32 to index
      %swap3A_253 = arith.constant 80 : index
      %swap3A_254 = tpu.vector_load %arg13[%swap3A_252, %swap3A_253] {strides = array<i32>} : memref<64x486xf32, #tpu.memory_space<vmem>>, vector<16xf32>,
      tpu.vector_store %arg13[%swap3A_252, %swap3A_253], %broadcast_in_dim3A_6 {strides = array<i32>} : memref<64x486xf32, #tpu.memory_space<vmem>>, vector<16xf32>,
      %swap3A_255 = arith.index_cast %scan3A_237 : i32 to index
      %swap3A_256 = arith.constant 96 : index
      %swap3A_257 = tpu.vector_load %arg13[%swap3A_255, %swap3A_256] {strides = array<i32>} : memref<64x486xf32, #tpu.memory_space<vmem>>, vector<16xf32>,
      tpu.vector_store %arg13[%swap3A_255, %swap3A_256], %broadcast_in_dim3A_6 {strides = array<i32>} : memref<64x486xf32, #tpu.memory_space<vmem>>, vector<16xf32>,
      %swap3A_258 = arith.index_cast %scan3A_237 : i32 to index
      %swap3A_259 = arith.constant 112 : index
      %swap3A_260 = tpu.vector_load %arg13[%swap3A_258, %swap3A_259] {strides = array<i32>} : memref<64x486xf32, #tpu.memory_space<vmem>>, vector<16xf32>,
      tpu.vector_store %arg13[%swap3A_258, %swap3A_259], %broadcast_in_dim3A_6 {strides = array<i32>} : memref<64x486xf32, #tpu.memory_space<vmem>>, vector<16xf32>,
      %swap3A_261 = arith.index_cast %scan3A_237 : i32 to index
      %swap3A_262 = arith.constant 128 : index
      %swap3A_263 = tpu.vector_load %arg13[%swap3A_261, %swap3A_262] {strides = array<i32>} : memref<64x486xf32, #tpu.memory_space<vmem>>, vector<16xf32>,
      tpu.vector_store %arg13[%swap3A_261, %swap3A_262], %broadcast_in_dim3A_6 {strides = array<i32>} : memref<64x486xf32, #tpu.memory_space<vmem>>, vector<16xf32>,
      %swap3A_264 = arith.index_cast %scan3A_237 : i32 to index
      %swap3A_265 = arith.constant 144 : index
      %swap3A_266 = tpu.vector_load %arg13[%swap3A_264, %swap3A_265] {strides = array<i32>} : memref<64x486xf32, #tpu.memory_space<vmem>>, vector<16xf32>,
      tpu.vector_store %arg13[%swap3A_264, %swap3A_265], %broadcast_in_dim3A_6 {strides = array<i32>} : memref<64x486xf32, #tpu.memory_space<vmem>>, vector<16xf32>,
      %swap3A_267 = arith.index_cast %scan3A_237 : i32 to index
      %swap3A_268 = arith.constant 160 : index
      %swap3A_269 = tpu.vector_load %arg13[%swap3A_267, %swap3A_268] {strides = array<i32>} : memref<64x486xf32, #tpu.memory_space<vmem>>, vector<16xf32>,
      tpu.vector_store %arg13[%swap3A_267, %swap3A_268], %broadcast_in_dim3A_6 {strides = array<i32>} : memref<64x486xf32, #tpu.memory_space<vmem>>, vector<16xf32>,
      %swap3A_270 = arith.index_cast %scan3A_237 : i32 to index
      %swap3A_271 = arith.constant 176 : index
      %swap3A_272 = tpu.vector_load %arg13[%swap3A_270, %swap3A_271] {strides = array<i32>} : memref<64x486xf32, #tpu.memory_space<vmem>>, vector<16xf32>,
      tpu.vector_store %arg13[%swap3A_270, %swap3A_271], %broadcast_in_dim3A_6 {strides = array<i32>} : memref<64x486xf32, #tpu.memory_space<vmem>>, vector<16xf32>,
      %swap3A_273 = arith.index_cast %scan3A_237 : i32 to index
      %swap3A_274 = arith.constant 192 : index
      %swap3A_275 = tpu.vector_load %arg13[%swap3A_273, %swap3A_274] {strides = array<i32>} : memref<64x486xf32, #tpu.memory_space<vmem>>, vector<16xf32>,
      tpu.vector_store %arg13[%swap3A_273, %swap3A_274], %broadcast_in_dim3A_6 {strides = array<i32>} : memref<64x486xf32, #tpu.memory_space<vmem>>, vector<16xf32>,
      %swap3A_276 = arith.index_cast %scan3A_237 : i32 to index
      %swap3A_277 = arith.constant 208 : index
      %swap3A_278 = tpu.vector_load %arg13[%swap3A_276, %swap3A_277] {strides = array<i32>} : memref<64x486xf32, #tpu.memory_space<vmem>>, vector<16xf32>,
      tpu.vector_store %arg13[%swap3A_276, %swap3A_277], %broadcast_in_dim3A_6 {strides = array<i32>} : memref<64x486xf32, #tpu.memory_space<vmem>>, vector<16xf32>,
      %swap3A_279 = arith.index_cast %scan3A_237 : i32 to index
      %swap3A_280 = arith.constant 224 : index
      %swap3A_281 = tpu.vector_load %arg13[%swap3A_279, %swap3A_280] {strides = array<i32>} : memref<64x486xf32, #tpu.memory_space<vmem>>, vector<16xf32>,
      tpu.vector_store %arg13[%swap3A_279, %swap3A_280], %broadcast_in_dim3A_6 {strides = array<i32>} : memref<64x486xf32, #tpu.memory_space<vmem>>, vector<16xf32>,
      %swap3A_282 = arith.index_cast %scan3A_237 : i32 to index
      %swap3A_283 = arith.constant 240 : index
      %swap3A_284 = tpu.vector_load %arg13[%swap3A_282, %swap3A_283] {strides = array<i32>} : memref<64x486xf32, #tpu.memory_space<vmem>>, vector<16xf32>,
      tpu.vector_store %arg13[%swap3A_282, %swap3A_283], %broadcast_in_dim3A_6 {strides = array<i32>} : memref<64x486xf32, #tpu.memory_space<vmem>>, vector<16xf32>,
      %swap3A_285 = arith.index_cast %scan3A_237 : i32 to index
      %swap3A_286 = arith.constant 256 : index
      %swap3A_287 = tpu.vector_load %arg13[%swap3A_285, %swap3A_286] {strides = array<i32>} : memref<64x486xf32, #tpu.memory_space<vmem>>, vector<16xf32>,
      tpu.vector_store %arg13[%swap3A_285, %swap3A_286], %broadcast_in_dim3A_6 {strides = array<i32>} : memref<64x486xf32, #tpu.memory_space<vmem>>, vector<16xf32>,
      %swap3A_288 = arith.index_cast %scan3A_237 : i32 to index
      %swap3A_289 = arith.constant 272 : index
      %swap3A_290 = tpu.vector_load %arg13[%swap3A_288, %swap3A_289] {strides = array<i32>} : memref<64x486xf32, #tpu.memory_space<vmem>>, vector<16xf32>,
      tpu.vector_store %arg13[%swap3A_288, %swap3A_289], %broadcast_in_dim3A_6 {strides = array<i32>} : memref<64x486xf32, #tpu.memory_space<vmem>>, vector<16xf32>,
      %swap3A_291 = arith.index_cast %scan3A_237 : i32 to index
      %swap3A_292 = arith.constant 288 : index
      %swap3A_293 = tpu.vector_load %arg13[%swap3A_291, %swap3A_292] {strides = array<i32>} : memref<64x486xf32, #tpu.memory_space<vmem>>, vector<16xf32>,
      tpu.vector_store %arg13[%swap3A_291, %swap3A_292], %broadcast_in_dim3A_6 {strides = array<i32>} : memref<64x486xf32, #tpu.memory_space<vmem>>, vector<16xf32>,
      %swap3A_294 = arith.index_cast %scan3A_237 : i32 to index
      %swap3A_295 = arith.constant 304 : index
      %swap3A_296 = tpu.vector_load %arg13[%swap3A_294, %swap3A_295] {strides = array<i32>} : memref<64x486xf32, #tpu.memory_space<vmem>>, vector<16xf32>,
      tpu.vector_store %arg13[%swap3A_294, %swap3A_295], %broadcast_in_dim3A_6 {strides = array<i32>} : memref<64x486xf32, #tpu.memory_space<vmem>>, vector<16xf32>,
      %swap3A_297 = arith.index_cast %scan3A_237 : i32 to index
      %swap3A_298 = arith.constant 320 : index
      %swap3A_299 = tpu.vector_load %arg13[%swap3A_297, %swap3A_298] {strides = array<i32>} : memref<64x486xf32, #tpu.memory_space<vmem>>, vector<16xf32>,
      tpu.vector_store %arg13[%swap3A_297, %swap3A_298], %broadcast_in_dim3A_6 {strides = array<i32>} : memref<64x486xf32, #tpu.memory_space<vmem>>, vector<16xf32>,
      %swap3A_300 = arith.index_cast %scan3A_237 : i32 to index
      %swap3A_301 = arith.constant 336 : index
      %swap3A_302 = tpu.vector_load %arg13[%swap3A_300, %swap3A_301] {strides = array<i32>} : memref<64x486xf32, #tpu.memory_space<vmem>>, vector<16xf32>,
      tpu.vector_store %arg13[%swap3A_300, %swap3A_301], %broadcast_in_dim3A_6 {strides = array<i32>} : memref<64x486xf32, #tpu.memory_space<vmem>>, vector<16xf32>,
      %swap3A_303 = arith.index_cast %scan3A_237 : i32 to index
      %swap3A_304 = arith.constant 352 : index
      %swap3A_305 = tpu.vector_load %arg13[%swap3A_303, %swap3A_304] {strides = array<i32>} : memref<64x486xf32, #tpu.memory_space<vmem>>, vector<16xf32>,
      tpu.vector_store %arg13[%swap3A_303, %swap3A_304], %broadcast_in_dim3A_6 {strides = array<i32>} : memref<64x486xf32, #tpu.memory_space<vmem>>, vector<16xf32>,
      %swap3A_306 = arith.index_cast %scan3A_237 : i32 to index
      %swap3A_307 = arith.constant 368 : index
      %swap3A_308 = tpu.vector_load %arg13[%swap3A_306, %swap3A_307] {strides = array<i32>} : memref<64x486xf32, #tpu.memory_space<vmem>>, vector<16xf32>,
      tpu.vector_store %arg13[%swap3A_306, %swap3A_307], %broadcast_in_dim3A_6 {strides = array<i32>} : memref<64x486xf32, #tpu.memory_space<vmem>>, vector<16xf32>,
      %swap3A_309 = arith.index_cast %scan3A_237 : i32 to index
      %swap3A_310 = arith.constant 384 : index
      %swap3A_311 = tpu.vector_load %arg13[%swap3A_309, %swap3A_310] {strides = array<i32>} : memref<64x486xf32, #tpu.memory_space<vmem>>, vector<16xf32>,
      tpu.vector_store %arg13[%swap3A_309, %swap3A_310], %broadcast_in_dim3A_6 {strides = array<i32>} : memref<64x486xf32, #tpu.memory_space<vmem>>, vector<16xf32>,
      %swap3A_312 = arith.index_cast %scan3A_237 : i32 to index
      %swap3A_313 = arith.constant 400 : index
      %swap3A_314 = tpu.vector_load %arg13[%swap3A_312, %swap3A_313] {strides = array<i32>} : memref<64x486xf32, #tpu.memory_space<vmem>>, vector<16xf32>,
      tpu.vector_store %arg13[%swap3A_312, %swap3A_313], %broadcast_in_dim3A_6 {strides = array<i32>} : memref<64x486xf32, #tpu.memory_space<vmem>>, vector<16xf32>,
      %swap3A_315 = arith.index_cast %scan3A_237 : i32 to index
      %swap3A_316 = arith.constant 416 : index
      %swap3A_317 = tpu.vector_load %arg13[%swap3A_315, %swap3A_316] {strides = array<i32>} : memref<64x486xf32, #tpu.memory_space<vmem>>, vector<16xf32>,
      tpu.vector_store %arg13[%swap3A_315, %swap3A_316], %broadcast_in_dim3A_6 {strides = array<i32>} : memref<64x486xf32, #tpu.memory_space<vmem>>, vector<16xf32>,
      %swap3A_318 = arith.index_cast %scan3A_237 : i32 to index
      %swap3A_319 = arith.constant 432 : index
      %swap3A_320 = tpu.vector_load %arg13[%swap3A_318, %swap3A_319] {strides = array<i32>} : memref<64x486xf32, #tpu.memory_space<vmem>>, vector<16xf32>,
      tpu.vector_store %arg13[%swap3A_318, %swap3A_319], %broadcast_in_dim3A_6 {strides = array<i32>} : memref<64x486xf32, #tpu.memory_space<vmem>>, vector<16xf32>,
      %swap3A_321 = arith.index_cast %scan3A_237 : i32 to index
      %swap3A_322 = arith.constant 448 : index
      %swap3A_323 = tpu.vector_load %arg13[%swap3A_321, %swap3A_322] {strides = array<i32>} : memref<64x486xf32, #tpu.memory_space<vmem>>, vector<16xf32>,
      tpu.vector_store %arg13[%swap3A_321, %swap3A_322], %broadcast_in_dim3A_6 {strides = array<i32>} : memref<64x486xf32, #tpu.memory_space<vmem>>, vector<16xf32>,
      %swap3A_324 = arith.index_cast %scan3A_237 : i32 to index
      %swap3A_325 = arith.constant 464 : index
      %swap3A_326 = tpu.vector_load %arg13[%swap3A_324, %swap3A_325] {strides = array<i32>} : memref<64x486xf32, #tpu.memory_space<vmem>>, vector<16xf32>,
      tpu.vector_store %arg13[%swap3A_324, %swap3A_325], %broadcast_in_dim3A_6 {strides = array<i32>} : memref<64x486xf32, #tpu.memory_space<vmem>>, vector<16xf32>,
      %broadcast_in_dim3A_327 = vector.broadcast %scan3A_237 : i32 to vector<16xi32>
      tpu.vector_store_idx %arg13[%broadcast_in_dim3A_327, %add3A_9], %broadcast_in_dim3A_6 masked %lt3A_11 : memref<64x486xf32, #tpu.memory_space<vmem>>[vector<16xi32>, vector<16xi32>], vector<16xf32>, vector<16xi1>
    }
    %scan3A_22 = arith.constant 64 : i32
    %get3A = arith.constant 0 : index
    %get3A_23 = tpu.vector_load %arg14[%get3A] {strides = array<i32>} : memref<80xi32, #tpu.memory_space<vmem>>, vector<16xi32>,
    %get3A_24 = arith.constant 16 : index
    %get3A_25 = tpu.vector_load %arg14[%get3A_24] {strides = array<i32>} : memref<80xi32, #tpu.memory_space<vmem>>, vector<16xi32>,
    %get3A_26 = arith.constant 32 : index
    %get3A_27 = tpu.vector_load %arg14[%get3A_26] {strides = array<i32>} : memref<80xi32, #tpu.memory_space<vmem>>, vector<16xi32>,
    %get3A_28 = arith.constant 48 : index
    %get3A_29 = tpu.vector_load %arg14[%get3A_28] {strides = array<i32>} : memref<80xi32, #tpu.memory_space<vmem>>, vector<16xi32>,
    %get3A_30 = arith.constant 64 : index
    %get3A_31 = tpu.vector_load %arg14[%get3A_30] {strides = array<i32>} : memref<80xi32, #tpu.memory_space<vmem>>, vector<16xi32>,
    %get3A_32 = arith.constant 0 : index
    %get3A_33 = tpu.vector_load %arg15[%get3A_32] {strides = array<i32>} : memref<80xi32, #tpu.memory_space<vmem>>, vector<16xi32>,
    %get3A_34 = arith.constant 16 : index
    %get3A_35 = tpu.vector_load %arg15[%get3A_34] {strides = array<i32>} : memref<80xi32, #tpu.memory_space<vmem>>, vector<16xi32>,
    %get3A_36 = arith.constant 32 : index
    %get3A_37 = tpu.vector_load %arg15[%get3A_36] {strides = array<i32>} : memref<80xi32, #tpu.memory_space<vmem>>, vector<16xi32>,
    %get3A_38 = arith.constant 48 : index
    %get3A_39 = tpu.vector_load %arg15[%get3A_38] {strides = array<i32>} : memref<80xi32, #tpu.memory_space<vmem>>, vector<16xi32>,
    %get3A_40 = arith.constant 64 : index
    %get3A_41 = tpu.vector_load %arg15[%get3A_40] {strides = array<i32>} : memref<80xi32, #tpu.memory_space<vmem>>, vector<16xi32>,
    %get3A_42 = arith.constant 0 : index
    %get3A_43 = tpu.vector_load %arg16[%get3A_42] {strides = array<i32>} : memref<80xf32, #tpu.memory_space<vmem>>, vector<16xf32>,
    %get3A_44 = arith.constant 16 : index
    %get3A_45 = tpu.vector_load %arg16[%get3A_44] {strides = array<i32>} : memref<80xf32, #tpu.memory_space<vmem>>, vector<16xf32>,
    %get3A_46 = arith.constant 32 : index
    %get3A_47 = tpu.vector_load %arg16[%get3A_46] {strides = array<i32>} : memref<80xf32, #tpu.memory_space<vmem>>, vector<16xf32>,
    %get3A_48 = arith.constant 48 : index
    %get3A_49 = tpu.vector_load %arg16[%get3A_48] {strides = array<i32>} : memref<80xf32, #tpu.memory_space<vmem>>, vector<16xf32>,
    %get3A_50 = arith.constant 64 : index
    %get3A_51 = tpu.vector_load %arg16[%get3A_50] {strides = array<i32>} : memref<80xf32, #tpu.memory_space<vmem>>, vector<16xf32>,
    %get3A_52 = arith.constant 0 : index
    %get3A_53 = tpu.vector_load %arg17[%get3A_52] {strides = array<i32>} : memref<80xf32, #tpu.memory_space<vmem>>, vector<16xf32>,
    %get3A_54 = arith.constant 16 : index
    %get3A_55 = tpu.vector_load %arg17[%get3A_54] {strides = array<i32>} : memref<80xf32, #tpu.memory_space<vmem>>, vector<16xf32>,
    %get3A_56 = arith.constant 32 : index
    %get3A_57 = tpu.vector_load %arg17[%get3A_56] {strides = array<i32>} : memref<80xf32, #tpu.memory_space<vmem>>, vector<16xf32>,
    %get3A_58 = arith.constant 48 : index
    %get3A_59 = tpu.vector_load %arg17[%get3A_58] {strides = array<i32>} : memref<80xf32, #tpu.memory_space<vmem>>, vector<16xf32>,
    %get3A_60 = arith.constant 64 : index
    %get3A_61 = tpu.vector_load %arg17[%get3A_60] {strides = array<i32>} : memref<80xf32, #tpu.memory_space<vmem>>, vector<16xf32>,
    %get3A_62 = arith.constant 0 : index
    %get3A_63 = tpu.vector_load %arg18[%get3A_62] {strides = array<i32>} : memref<80xf32, #tpu.memory_space<vmem>>, vector<16xf32>,
    %get3A_64 = arith.constant 16 : index
    %get3A_65 = tpu.vector_load %arg18[%get3A_64] {strides = array<i32>} : memref<80xf32, #tpu.memory_space<vmem>>, vector<16xf32>,
    %get3A_66 = arith.constant 32 : index
    %get3A_67 = tpu.vector_load %arg18[%get3A_66] {strides = array<i32>} : memref<80xf32, #tpu.memory_space<vmem>>, vector<16xf32>,
    %get3A_68 = arith.constant 48 : index
    %get3A_69 = tpu.vector_load %arg18[%get3A_68] {strides = array<i32>} : memref<80xf32, #tpu.memory_space<vmem>>, vector<16xf32>,
    %get3A_70 = arith.constant 64 : index
    %get3A_71 = tpu.vector_load %arg18[%get3A_70] {strides = array<i32>} : memref<80xf32, #tpu.memory_space<vmem>>, vector<16xf32>,
    %get3A_72 = arith.constant 0 : index
    %get3A_73 = tpu.vector_load %arg19[%get3A_72] {strides = array<i32>} : memref<80xi32, #tpu.memory_space<vmem>>, vector<16xi32>,
    %get3A_74 = arith.constant 16 : index
    %get3A_75 = tpu.vector_load %arg19[%get3A_74] {strides = array<i32>} : memref<80xi32, #tpu.memory_space<vmem>>, vector<16xi32>,
    %get3A_76 = arith.constant 32 : index
    %get3A_77 = tpu.vector_load %arg19[%get3A_76] {strides = array<i32>} : memref<80xi32, #tpu.memory_space<vmem>>, vector<16xi32>,
    %get3A_78 = arith.constant 48 : index
    %get3A_79 = tpu.vector_load %arg19[%get3A_78] {strides = array<i32>} : memref<80xi32, #tpu.memory_space<vmem>>, vector<16xi32>,
    %get3A_80 = arith.constant 64 : index
    %get3A_81 = tpu.vector_load %arg19[%get3A_80] {strides = array<i32>} : memref<80xi32, #tpu.memory_space<vmem>>, vector<16xi32>,
    %get3A_82 = arith.constant 0 : index
    %get3A_83 = tpu.vector_load %arg20[%get3A_82] {strides = array<i32>} : memref<80xi32, #tpu.memory_space<vmem>>, vector<16xi32>,
    %ne3A = arith.constant 0 : i32
    %ne3A_84 = vector.broadcast %ne3A : i32 to vector<16xi32>
    %ne3A_85 = arith.cmpi ne, %get3A_83, %ne3A_84 : vector<16xi32>
    %get3A_86 = arith.constant 16 : index
    %get3A_87 = tpu.vector_load %arg20[%get3A_86] {strides = array<i32>} : memref<80xi32, #tpu.memory_space<vmem>>, vector<16xi32>,
    %ne3A_88 = arith.constant 0 : i32
    %ne3A_89 = vector.broadcast %ne3A_88 : i32 to vector<16xi32>
    %ne3A_90 = arith.cmpi ne, %get3A_87, %ne3A_89 : vector<16xi32>
    %get3A_91 = arith.constant 32 : index
    %get3A_92 = tpu.vector_load %arg20[%get3A_91] {strides = array<i32>} : memref<80xi32, #tpu.memory_space<vmem>>, vector<16xi32>,
    %ne3A_93 = arith.constant 0 : i32
    %ne3A_94 = vector.broadcast %ne3A_93 : i32 to vector<16xi32>
    %ne3A_95 = arith.cmpi ne, %get3A_92, %ne3A_94 : vector<16xi32>
    %get3A_96 = arith.constant 48 : index
    %get3A_97 = tpu.vector_load %arg20[%get3A_96] {strides = array<i32>} : memref<80xi32, #tpu.memory_space<vmem>>, vector<16xi32>,
    %ne3A_98 = arith.constant 0 : i32
    %ne3A_99 = vector.broadcast %ne3A_98 : i32 to vector<16xi32>
    %ne3A_100 = arith.cmpi ne, %get3A_97, %ne3A_99 : vector<16xi32>
    %get3A_101 = arith.constant 64 : index
    %get3A_102 = tpu.vector_load %arg20[%get3A_101] {strides = array<i32>} : memref<80xi32, #tpu.memory_space<vmem>>, vector<16xi32>,
    %ne3A_103 = arith.constant 0 : i32
    %ne3A_104 = vector.broadcast %ne3A_103 : i32 to vector<16xi32>
    %ne3A_105 = arith.cmpi ne, %get3A_102, %ne3A_104 : vector<16xi32>
    %dma_wait3A = arith.constant 0 : i32
    %dma_wait3A_106 = tpu.memref_slice %arg2[%mul3A_2, %dma_wait3A] : memref<16384x16xf32, #tpu.memory_space<hbm>> -> memref<512x16xf32, #tpu.memory_space<hbm>>
    %dma_wait3A_107 = arith.constant 0 : i32
    %dma_wait3A_108 = tpu.memref_slice %arg2[%mul3A_2, %dma_wait3A_107] : memref<16384x16xf32, #tpu.memory_space<hbm>> -> memref<512x16xf32, #tpu.memory_space<hbm>>
    tpu.wait_dma2 semaphore(%arg21 : memref<!tpu.dma_semaphore, #tpu.memory_space<semaphore_mem>>) src(%dma_wait3A_108 : memref<512x16xf32, #tpu.memory_space<hbm>>) dst(%arg11 : memref<512x16xf32, #tpu.memory_space<vmem>>)
    %scan3A_109 = arith.constant 0 : i32
    %scan3A_110 = arith.constant 0 : i32
    %scan3A_111 = arith.constant 64 : i32
    %scan3A_112 = arith.addi %scan3A_110, %scan3A_111 : i32
    %scan3A_113 = arith.constant 1 : i32
    scf.for %scan3A_237 = %scan3A_110 to %scan3A_112 step %scan3A_113  : i32 {
      %add3A_238 = arith.constant 0 : i32
      %add3A_239 = arith.addi %add3A_238, %scan3A_237 : i32
      %broadcast_in_dim3A_240 = vector.broadcast %scan3A_237 : i32 to vector<16xi32>
      %broadcast_in_dim3A_241 = vector.broadcast %add3A_239 : i32 to vector<16xi32>
      %gather3A = tpu.vector_load_idx %arg11[%broadcast_in_dim3A_241, %get3A_23] : memref<512x16xf32, #tpu.memory_space<vmem>>[vector<16xi32>, vector<16xi32>], vector<16xf32>,
      %gather3A_242 = tpu.vector_load_idx %arg11[%broadcast_in_dim3A_241, %get3A_33] : memref<512x16xf32, #tpu.memory_space<vmem>>[vector<16xi32>, vector<16xi32>], vector<16xf32>,
      %mul3A_243 = arith.mulf %gather3A, %get3A_43 : vector<16xf32>
      %mul3A_244 = arith.mulf %gather3A_242, %get3A_53 : vector<16xf32>
      %add3A_245 = arith.addf %mul3A_243, %mul3A_244 : vector<16xf32>
      %add3A_246 = arith.addf %add3A_245, %get3A_63 : vector<16xf32>
      tpu.vector_store_idx %arg12[%broadcast_in_dim3A_240, %get3A_73], %add3A_246 masked %ne3A_85 : memref<64x486xf32, #tpu.memory_space<vmem>>[vector<16xi32>, vector<16xi32>], vector<16xf32>, vector<16xi1>
      %gather3A_247 = tpu.vector_load_idx %arg11[%broadcast_in_dim3A_241, %get3A_25] : memref<512x16xf32, #tpu.memory_space<vmem>>[vector<16xi32>, vector<16xi32>], vector<16xf32>,
      %gather3A_248 = tpu.vector_load_idx %arg11[%broadcast_in_dim3A_241, %get3A_35] : memref<512x16xf32, #tpu.memory_space<vmem>>[vector<16xi32>, vector<16xi32>], vector<16xf32>,
      %mul3A_249 = arith.mulf %gather3A_247, %get3A_45 : vector<16xf32>
      %mul3A_250 = arith.mulf %gather3A_248, %get3A_55 : vector<16xf32>
      %add3A_251 = arith.addf %mul3A_249, %mul3A_250 : vector<16xf32>
      %add3A_252 = arith.addf %add3A_251, %get3A_65 : vector<16xf32>
      tpu.vector_store_idx %arg12[%broadcast_in_dim3A_240, %get3A_75], %add3A_252 masked %ne3A_90 : memref<64x486xf32, #tpu.memory_space<vmem>>[vector<16xi32>, vector<16xi32>], vector<16xf32>, vector<16xi1>
      %gather3A_253 = tpu.vector_load_idx %arg11[%broadcast_in_dim3A_241, %get3A_27] : memref<512x16xf32, #tpu.memory_space<vmem>>[vector<16xi32>, vector<16xi32>], vector<16xf32>,
      %gather3A_254 = tpu.vector_load_idx %arg11[%broadcast_in_dim3A_241, %get3A_37] : memref<512x16xf32, #tpu.memory_space<vmem>>[vector<16xi32>, vector<16xi32>], vector<16xf32>,
      %mul3A_255 = arith.mulf %gather3A_253, %get3A_47 : vector<16xf32>
      %mul3A_256 = arith.mulf %gather3A_254, %get3A_57 : vector<16xf32>
      %add3A_257 = arith.addf %mul3A_255, %mul3A_256 : vector<16xf32>
      %add3A_258 = arith.addf %add3A_257, %get3A_67 : vector<16xf32>
      tpu.vector_store_idx %arg12[%broadcast_in_dim3A_240, %get3A_77], %add3A_258 masked %ne3A_95 : memref<64x486xf32, #tpu.memory_space<vmem>>[vector<16xi32>, vector<16xi32>], vector<16xf32>, vector<16xi1>
      %gather3A_259 = tpu.vector_load_idx %arg11[%broadcast_in_dim3A_241, %get3A_29] : memref<512x16xf32, #tpu.memory_space<vmem>>[vector<16xi32>, vector<16xi32>], vector<16xf32>,
      %gather3A_260 = tpu.vector_load_idx %arg11[%broadcast_in_dim3A_241, %get3A_39] : memref<512x16xf32, #tpu.memory_space<vmem>>[vector<16xi32>, vector<16xi32>], vector<16xf32>,
      %mul3A_261 = arith.mulf %gather3A_259, %get3A_49 : vector<16xf32>
      %mul3A_262 = arith.mulf %gather3A_260, %get3A_59 : vector<16xf32>
      %add3A_263 = arith.addf %mul3A_261, %mul3A_262 : vector<16xf32>
      %add3A_264 = arith.addf %add3A_263, %get3A_69 : vector<16xf32>
      tpu.vector_store_idx %arg12[%broadcast_in_dim3A_240, %get3A_79], %add3A_264 masked %ne3A_100 : memref<64x486xf32, #tpu.memory_space<vmem>>[vector<16xi32>, vector<16xi32>], vector<16xf32>, vector<16xi1>
      %gather3A_265 = tpu.vector_load_idx %arg11[%broadcast_in_dim3A_241, %get3A_31] : memref<512x16xf32, #tpu.memory_space<vmem>>[vector<16xi32>, vector<16xi32>], vector<16xf32>,
      %gather3A_266 = tpu.vector_load_idx %arg11[%broadcast_in_dim3A_241, %get3A_41] : memref<512x16xf32, #tpu.memory_space<vmem>>[vector<16xi32>, vector<16xi32>], vector<16xf32>,
      %mul3A_267 = arith.mulf %gather3A_265, %get3A_51 : vector<16xf32>
      %mul3A_268 = arith.mulf %gather3A_266, %get3A_61 : vector<16xf32>
      %add3A_269 = arith.addf %mul3A_267, %mul3A_268 : vector<16xf32>
      %add3A_270 = arith.addf %add3A_269, %get3A_71 : vector<16xf32>
      tpu.vector_store_idx %arg12[%broadcast_in_dim3A_240, %get3A_81], %add3A_270 masked %ne3A_105 : memref<64x486xf32, #tpu.memory_space<vmem>>[vector<16xi32>, vector<16xi32>], vector<16xf32>, vector<16xi1>
    }
    %scan3A_114 = arith.constant 64 : i32
    %add3A_115 = arith.constant 0 : i32
    %add3A_116 = arith.addi %mul3A_2, %add3A_115 : i32
    %dma_start3A_117 = arith.constant 0 : i32
    %dma_start3A_118 = tpu.memref_slice %arg10[%add3A_116, %dma_start3A_117] : memref<16384x486xf32, #tpu.memory_space<hbm>> -> memref<64x486xf32, #tpu.memory_space<hbm>>
    %dma_start3A_119 = arith.constant 0 : i32
    %dma_start3A_120 = tpu.memref_slice %arg10[%add3A_116, %dma_start3A_119] : memref<16384x486xf32, #tpu.memory_space<hbm>> -> memref<64x486xf32, #tpu.memory_space<hbm>>
    tpu.enqueue_dma source(%arg12 : memref<64x486xf32, #tpu.memory_space<vmem>>) target(%dma_start3A_120 : memref<64x486xf32, #tpu.memory_space<hbm>>) target_semaphore(%arg22 : memref<!tpu.dma_semaphore, #tpu.memory_space<semaphore_mem>>)
    %scan3A_121 = arith.constant 0 : i32
    %scan3A_122 = arith.constant 0 : i32
    %scan3A_123 = arith.constant 64 : i32
    %scan3A_124 = arith.addi %scan3A_122, %scan3A_123 : i32
    %scan3A_125 = arith.constant 1 : i32
    scf.for %scan3A_237 = %scan3A_122 to %scan3A_124 step %scan3A_125  : i32 {
      %add3A_238 = arith.constant 64 : i32
      %add3A_239 = arith.addi %add3A_238, %scan3A_237 : i32
      %broadcast_in_dim3A_240 = vector.broadcast %scan3A_237 : i32 to vector<16xi32>
      %broadcast_in_dim3A_241 = vector.broadcast %add3A_239 : i32 to vector<16xi32>
      %gather3A = tpu.vector_load_idx %arg11[%broadcast_in_dim3A_241, %get3A_23] : memref<512x16xf32, #tpu.memory_space<vmem>>[vector<16xi32>, vector<16xi32>], vector<16xf32>,
      %gather3A_242 = tpu.vector_load_idx %arg11[%broadcast_in_dim3A_241, %get3A_33] : memref<512x16xf32, #tpu.memory_space<vmem>>[vector<16xi32>, vector<16xi32>], vector<16xf32>,
      %mul3A_243 = arith.mulf %gather3A, %get3A_43 : vector<16xf32>
      %mul3A_244 = arith.mulf %gather3A_242, %get3A_53 : vector<16xf32>
      %add3A_245 = arith.addf %mul3A_243, %mul3A_244 : vector<16xf32>
      %add3A_246 = arith.addf %add3A_245, %get3A_63 : vector<16xf32>
      tpu.vector_store_idx %arg13[%broadcast_in_dim3A_240, %get3A_73], %add3A_246 masked %ne3A_85 : memref<64x486xf32, #tpu.memory_space<vmem>>[vector<16xi32>, vector<16xi32>], vector<16xf32>, vector<16xi1>
      %gather3A_247 = tpu.vector_load_idx %arg11[%broadcast_in_dim3A_241, %get3A_25] : memref<512x16xf32, #tpu.memory_space<vmem>>[vector<16xi32>, vector<16xi32>], vector<16xf32>,
      %gather3A_248 = tpu.vector_load_idx %arg11[%broadcast_in_dim3A_241, %get3A_35] : memref<512x16xf32, #tpu.memory_space<vmem>>[vector<16xi32>, vector<16xi32>], vector<16xf32>,
      %mul3A_249 = arith.mulf %gather3A_247, %get3A_45 : vector<16xf32>
      %mul3A_250 = arith.mulf %gather3A_248, %get3A_55 : vector<16xf32>
      %add3A_251 = arith.addf %mul3A_249, %mul3A_250 : vector<16xf32>
      %add3A_252 = arith.addf %add3A_251, %get3A_65 : vector<16xf32>
      tpu.vector_store_idx %arg13[%broadcast_in_dim3A_240, %get3A_75], %add3A_252 masked %ne3A_90 : memref<64x486xf32, #tpu.memory_space<vmem>>[vector<16xi32>, vector<16xi32>], vector<16xf32>, vector<16xi1>
      %gather3A_253 = tpu.vector_load_idx %arg11[%broadcast_in_dim3A_241, %get3A_27] : memref<512x16xf32, #tpu.memory_space<vmem>>[vector<16xi32>, vector<16xi32>], vector<16xf32>,
      %gather3A_254 = tpu.vector_load_idx %arg11[%broadcast_in_dim3A_241, %get3A_37] : memref<512x16xf32, #tpu.memory_space<vmem>>[vector<16xi32>, vector<16xi32>], vector<16xf32>,
      %mul3A_255 = arith.mulf %gather3A_253, %get3A_47 : vector<16xf32>
      %mul3A_256 = arith.mulf %gather3A_254, %get3A_57 : vector<16xf32>
      %add3A_257 = arith.addf %mul3A_255, %mul3A_256 : vector<16xf32>
      %add3A_258 = arith.addf %add3A_257, %get3A_67 : vector<16xf32>
      tpu.vector_store_idx %arg13[%broadcast_in_dim3A_240, %get3A_77], %add3A_258 masked %ne3A_95 : memref<64x486xf32, #tpu.memory_space<vmem>>[vector<16xi32>, vector<16xi32>], vector<16xf32>, vector<16xi1>
      %gather3A_259 = tpu.vector_load_idx %arg11[%broadcast_in_dim3A_241, %get3A_29] : memref<512x16xf32, #tpu.memory_space<vmem>>[vector<16xi32>, vector<16xi32>], vector<16xf32>,
      %gather3A_260 = tpu.vector_load_idx %arg11[%broadcast_in_dim3A_241, %get3A_39] : memref<512x16xf32, #tpu.memory_space<vmem>>[vector<16xi32>, vector<16xi32>], vector<16xf32>,
      %mul3A_261 = arith.mulf %gather3A_259, %get3A_49 : vector<16xf32>
      %mul3A_262 = arith.mulf %gather3A_260, %get3A_59 : vector<16xf32>
      %add3A_263 = arith.addf %mul3A_261, %mul3A_262 : vector<16xf32>
      %add3A_264 = arith.addf %add3A_263, %get3A_69 : vector<16xf32>
      tpu.vector_store_idx %arg13[%broadcast_in_dim3A_240, %get3A_79], %add3A_264 masked %ne3A_100 : memref<64x486xf32, #tpu.memory_space<vmem>>[vector<16xi32>, vector<16xi32>], vector<16xf32>, vector<16xi1>
      %gather3A_265 = tpu.vector_load_idx %arg11[%broadcast_in_dim3A_241, %get3A_31] : memref<512x16xf32, #tpu.memory_space<vmem>>[vector<16xi32>, vector<16xi32>], vector<16xf32>,
      %gather3A_266 = tpu.vector_load_idx %arg11[%broadcast_in_dim3A_241, %get3A_41] : memref<512x16xf32, #tpu.memory_space<vmem>>[vector<16xi32>, vector<16xi32>], vector<16xf32>,
      %mul3A_267 = arith.mulf %gather3A_265, %get3A_51 : vector<16xf32>
      %mul3A_268 = arith.mulf %gather3A_266, %get3A_61 : vector<16xf32>
      %add3A_269 = arith.addf %mul3A_267, %mul3A_268 : vector<16xf32>
      %add3A_270 = arith.addf %add3A_269, %get3A_71 : vector<16xf32>
      tpu.vector_store_idx %arg13[%broadcast_in_dim3A_240, %get3A_81], %add3A_270 masked %ne3A_105 : memref<64x486xf32, #tpu.memory_space<vmem>>[vector<16xi32>, vector<16xi32>], vector<16xf32>, vector<16xi1>
    }
    %scan3A_126 = arith.constant 64 : i32
    %add3A_127 = arith.constant 64 : i32
    %add3A_128 = arith.addi %mul3A_2, %add3A_127 : i32
    %dma_start3A_129 = arith.constant 0 : i32
    %dma_start3A_130 = tpu.memref_slice %arg10[%add3A_128, %dma_start3A_129] : memref<16384x486xf32, #tpu.memory_space<hbm>> -> memref<64x486xf32, #tpu.memory_space<hbm>>
    %dma_start3A_131 = arith.constant 0 : i32
    %dma_start3A_132 = tpu.memref_slice %arg10[%add3A_128, %dma_start3A_131] : memref<16384x486xf32, #tpu.memory_space<hbm>> -> memref<64x486xf32, #tpu.memory_space<hbm>>
    tpu.enqueue_dma source(%arg13 : memref<64x486xf32, #tpu.memory_space<vmem>>) target(%dma_start3A_132 : memref<64x486xf32, #tpu.memory_space<hbm>>) target_semaphore(%arg23 : memref<!tpu.dma_semaphore, #tpu.memory_space<semaphore_mem>>)
    %dma_wait3A_133 = arith.constant 0 : i32
    %dma_wait3A_134 = tpu.memref_slice %arg10[%add3A_116, %dma_wait3A_133] : memref<16384x486xf32, #tpu.memory_space<hbm>> -> memref<64x486xf32, #tpu.memory_space<hbm>>
    %dma_wait3A_135 = arith.constant 0 : i32
    %dma_wait3A_136 = tpu.memref_slice %arg10[%add3A_116, %dma_wait3A_135] : memref<16384x486xf32, #tpu.memory_space<hbm>> -> memref<64x486xf32, #tpu.memory_space<hbm>>
    tpu.wait_dma2 semaphore(%arg22 : memref<!tpu.dma_semaphore, #tpu.memory_space<semaphore_mem>>) src(%arg12 : memref<64x486xf32, #tpu.memory_space<vmem>>) dst(%dma_wait3A_136 : memref<64x486xf32, #tpu.memory_space<hbm>>)
    %scan3A_137 = arith.constant 0 : i32
    %scan3A_138 = arith.constant 0 : i32
    %scan3A_139 = arith.constant 64 : i32
    %scan3A_140 = arith.addi %scan3A_138, %scan3A_139 : i32
    %scan3A_141 = arith.constant 1 : i32
    scf.for %scan3A_237 = %scan3A_138 to %scan3A_140 step %scan3A_141  : i32 {
      %add3A_238 = arith.constant 128 : i32
      %add3A_239 = arith.addi %add3A_238, %scan3A_237 : i32
      %broadcast_in_dim3A_240 = vector.broadcast %scan3A_237 : i32 to vector<16xi32>
      %broadcast_in_dim3A_241 = vector.broadcast %add3A_239 : i32 to vector<16xi32>
      %gather3A = tpu.vector_load_idx %arg11[%broadcast_in_dim3A_241, %get3A_23] : memref<512x16xf32, #tpu.memory_space<vmem>>[vector<16xi32>, vector<16xi32>], vector<16xf32>,
      %gather3A_242 = tpu.vector_load_idx %arg11[%broadcast_in_dim3A_241, %get3A_33] : memref<512x16xf32, #tpu.memory_space<vmem>>[vector<16xi32>, vector<16xi32>], vector<16xf32>,
      %mul3A_243 = arith.mulf %gather3A, %get3A_43 : vector<16xf32>
      %mul3A_244 = arith.mulf %gather3A_242, %get3A_53 : vector<16xf32>
      %add3A_245 = arith.addf %mul3A_243, %mul3A_244 : vector<16xf32>
      %add3A_246 = arith.addf %add3A_245, %get3A_63 : vector<16xf32>
      tpu.vector_store_idx %arg12[%broadcast_in_dim3A_240, %get3A_73], %add3A_246 masked %ne3A_85 : memref<64x486xf32, #tpu.memory_space<vmem>>[vector<16xi32>, vector<16xi32>], vector<16xf32>, vector<16xi1>
      %gather3A_247 = tpu.vector_load_idx %arg11[%broadcast_in_dim3A_241, %get3A_25] : memref<512x16xf32, #tpu.memory_space<vmem>>[vector<16xi32>, vector<16xi32>], vector<16xf32>,
      %gather3A_248 = tpu.vector_load_idx %arg11[%broadcast_in_dim3A_241, %get3A_35] : memref<512x16xf32, #tpu.memory_space<vmem>>[vector<16xi32>, vector<16xi32>], vector<16xf32>,
      %mul3A_249 = arith.mulf %gather3A_247, %get3A_45 : vector<16xf32>
      %mul3A_250 = arith.mulf %gather3A_248, %get3A_55 : vector<16xf32>
      %add3A_251 = arith.addf %mul3A_249, %mul3A_250 : vector<16xf32>
      %add3A_252 = arith.addf %add3A_251, %get3A_65 : vector<16xf32>
      tpu.vector_store_idx %arg12[%broadcast_in_dim3A_240, %get3A_75], %add3A_252 masked %ne3A_90 : memref<64x486xf32, #tpu.memory_space<vmem>>[vector<16xi32>, vector<16xi32>], vector<16xf32>, vector<16xi1>
      %gather3A_253 = tpu.vector_load_idx %arg11[%broadcast_in_dim3A_241, %get3A_27] : memref<512x16xf32, #tpu.memory_space<vmem>>[vector<16xi32>, vector<16xi32>], vector<16xf32>,
      %gather3A_254 = tpu.vector_load_idx %arg11[%broadcast_in_dim3A_241, %get3A_37] : memref<512x16xf32, #tpu.memory_space<vmem>>[vector<16xi32>, vector<16xi32>], vector<16xf32>,
      %mul3A_255 = arith.mulf %gather3A_253, %get3A_47 : vector<16xf32>
      %mul3A_256 = arith.mulf %gather3A_254, %get3A_57 : vector<16xf32>
      %add3A_257 = arith.addf %mul3A_255, %mul3A_256 : vector<16xf32>
      %add3A_258 = arith.addf %add3A_257, %get3A_67 : vector<16xf32>
      tpu.vector_store_idx %arg12[%broadcast_in_dim3A_240, %get3A_77], %add3A_258 masked %ne3A_95 : memref<64x486xf32, #tpu.memory_space<vmem>>[vector<16xi32>, vector<16xi32>], vector<16xf32>, vector<16xi1>
      %gather3A_259 = tpu.vector_load_idx %arg11[%broadcast_in_dim3A_241, %get3A_29] : memref<512x16xf32, #tpu.memory_space<vmem>>[vector<16xi32>, vector<16xi32>], vector<16xf32>,
      %gather3A_260 = tpu.vector_load_idx %arg11[%broadcast_in_dim3A_241, %get3A_39] : memref<512x16xf32, #tpu.memory_space<vmem>>[vector<16xi32>, vector<16xi32>], vector<16xf32>,
      %mul3A_261 = arith.mulf %gather3A_259, %get3A_49 : vector<16xf32>
      %mul3A_262 = arith.mulf %gather3A_260, %get3A_59 : vector<16xf32>
      %add3A_263 = arith.addf %mul3A_261, %mul3A_262 : vector<16xf32>
      %add3A_264 = arith.addf %add3A_263, %get3A_69 : vector<16xf32>
      tpu.vector_store_idx %arg12[%broadcast_in_dim3A_240, %get3A_79], %add3A_264 masked %ne3A_100 : memref<64x486xf32, #tpu.memory_space<vmem>>[vector<16xi32>, vector<16xi32>], vector<16xf32>, vector<16xi1>
      %gather3A_265 = tpu.vector_load_idx %arg11[%broadcast_in_dim3A_241, %get3A_31] : memref<512x16xf32, #tpu.memory_space<vmem>>[vector<16xi32>, vector<16xi32>], vector<16xf32>,
      %gather3A_266 = tpu.vector_load_idx %arg11[%broadcast_in_dim3A_241, %get3A_41] : memref<512x16xf32, #tpu.memory_space<vmem>>[vector<16xi32>, vector<16xi32>], vector<16xf32>,
      %mul3A_267 = arith.mulf %gather3A_265, %get3A_51 : vector<16xf32>
      %mul3A_268 = arith.mulf %gather3A_266, %get3A_61 : vector<16xf32>
      %add3A_269 = arith.addf %mul3A_267, %mul3A_268 : vector<16xf32>
      %add3A_270 = arith.addf %add3A_269, %get3A_71 : vector<16xf32>
      tpu.vector_store_idx %arg12[%broadcast_in_dim3A_240, %get3A_81], %add3A_270 masked %ne3A_105 : memref<64x486xf32, #tpu.memory_space<vmem>>[vector<16xi32>, vector<16xi32>], vector<16xf32>, vector<16xi1>
    }
    %scan3A_142 = arith.constant 64 : i32
    %add3A_143 = arith.constant 128 : i32
    %add3A_144 = arith.addi %mul3A_2, %add3A_143 : i32
    %dma_start3A_145 = arith.constant 0 : i32
    %dma_start3A_146 = tpu.memref_slice %arg10[%add3A_144, %dma_start3A_145] : memref<16384x486xf32, #tpu.memory_space<hbm>> -> memref<64x486xf32, #tpu.memory_space<hbm>>
    %dma_start3A_147 = arith.constant 0 : i32
    %dma_start3A_148 = tpu.memref_slice %arg10[%add3A_144, %dma_start3A_147] : memref<16384x486xf32, #tpu.memory_space<hbm>> -> memref<64x486xf32, #tpu.memory_space<hbm>>
    tpu.enqueue_dma source(%arg12 : memref<64x486xf32, #tpu.memory_space<vmem>>) target(%dma_start3A_148 : memref<64x486xf32, #tpu.memory_space<hbm>>) target_semaphore(%arg22 : memref<!tpu.dma_semaphore, #tpu.memory_space<semaphore_mem>>)
    %dma_wait3A_149 = arith.constant 0 : i32
    %dma_wait3A_150 = tpu.memref_slice %arg10[%add3A_128, %dma_wait3A_149] : memref<16384x486xf32, #tpu.memory_space<hbm>> -> memref<64x486xf32, #tpu.memory_space<hbm>>
    %dma_wait3A_151 = arith.constant 0 : i32
    %dma_wait3A_152 = tpu.memref_slice %arg10[%add3A_128, %dma_wait3A_151] : memref<16384x486xf32, #tpu.memory_space<hbm>> -> memref<64x486xf32, #tpu.memory_space<hbm>>
    tpu.wait_dma2 semaphore(%arg23 : memref<!tpu.dma_semaphore, #tpu.memory_space<semaphore_mem>>) src(%arg13 : memref<64x486xf32, #tpu.memory_space<vmem>>) dst(%dma_wait3A_152 : memref<64x486xf32, #tpu.memory_space<hbm>>)
    %scan3A_153 = arith.constant 0 : i32
    %scan3A_154 = arith.constant 0 : i32
    %scan3A_155 = arith.constant 64 : i32
    %scan3A_156 = arith.addi %scan3A_154, %scan3A_155 : i32
    %scan3A_157 = arith.constant 1 : i32
    scf.for %scan3A_237 = %scan3A_154 to %scan3A_156 step %scan3A_157  : i32 {
      %add3A_238 = arith.constant 192 : i32
      %add3A_239 = arith.addi %add3A_238, %scan3A_237 : i32
      %broadcast_in_dim3A_240 = vector.broadcast %scan3A_237 : i32 to vector<16xi32>
      %broadcast_in_dim3A_241 = vector.broadcast %add3A_239 : i32 to vector<16xi32>
      %gather3A = tpu.vector_load_idx %arg11[%broadcast_in_dim3A_241, %get3A_23] : memref<512x16xf32, #tpu.memory_space<vmem>>[vector<16xi32>, vector<16xi32>], vector<16xf32>,
      %gather3A_242 = tpu.vector_load_idx %arg11[%broadcast_in_dim3A_241, %get3A_33] : memref<512x16xf32, #tpu.memory_space<vmem>>[vector<16xi32>, vector<16xi32>], vector<16xf32>,
      %mul3A_243 = arith.mulf %gather3A, %get3A_43 : vector<16xf32>
      %mul3A_244 = arith.mulf %gather3A_242, %get3A_53 : vector<16xf32>
      %add3A_245 = arith.addf %mul3A_243, %mul3A_244 : vector<16xf32>
      %add3A_246 = arith.addf %add3A_245, %get3A_63 : vector<16xf32>
      tpu.vector_store_idx %arg13[%broadcast_in_dim3A_240, %get3A_73], %add3A_246 masked %ne3A_85 : memref<64x486xf32, #tpu.memory_space<vmem>>[vector<16xi32>, vector<16xi32>], vector<16xf32>, vector<16xi1>
      %gather3A_247 = tpu.vector_load_idx %arg11[%broadcast_in_dim3A_241, %get3A_25] : memref<512x16xf32, #tpu.memory_space<vmem>>[vector<16xi32>, vector<16xi32>], vector<16xf32>,
      %gather3A_248 = tpu.vector_load_idx %arg11[%broadcast_in_dim3A_241, %get3A_35] : memref<512x16xf32, #tpu.memory_space<vmem>>[vector<16xi32>, vector<16xi32>], vector<16xf32>,
      %mul3A_249 = arith.mulf %gather3A_247, %get3A_45 : vector<16xf32>
      %mul3A_250 = arith.mulf %gather3A_248, %get3A_55 : vector<16xf32>
      %add3A_251 = arith.addf %mul3A_249, %mul3A_250 : vector<16xf32>
      %add3A_252 = arith.addf %add3A_251, %get3A_65 : vector<16xf32>
      tpu.vector_store_idx %arg13[%broadcast_in_dim3A_240, %get3A_75], %add3A_252 masked %ne3A_90 : memref<64x486xf32, #tpu.memory_space<vmem>>[vector<16xi32>, vector<16xi32>], vector<16xf32>, vector<16xi1>
      %gather3A_253 = tpu.vector_load_idx %arg11[%broadcast_in_dim3A_241, %get3A_27] : memref<512x16xf32, #tpu.memory_space<vmem>>[vector<16xi32>, vector<16xi32>], vector<16xf32>,
      %gather3A_254 = tpu.vector_load_idx %arg11[%broadcast_in_dim3A_241, %get3A_37] : memref<512x16xf32, #tpu.memory_space<vmem>>[vector<16xi32>, vector<16xi32>], vector<16xf32>,
      %mul3A_255 = arith.mulf %gather3A_253, %get3A_47 : vector<16xf32>
      %mul3A_256 = arith.mulf %gather3A_254, %get3A_57 : vector<16xf32>
      %add3A_257 = arith.addf %mul3A_255, %mul3A_256 : vector<16xf32>
      %add3A_258 = arith.addf %add3A_257, %get3A_67 : vector<16xf32>
      tpu.vector_store_idx %arg13[%broadcast_in_dim3A_240, %get3A_77], %add3A_258 masked %ne3A_95 : memref<64x486xf32, #tpu.memory_space<vmem>>[vector<16xi32>, vector<16xi32>], vector<16xf32>, vector<16xi1>
      %gather3A_259 = tpu.vector_load_idx %arg11[%broadcast_in_dim3A_241, %get3A_29] : memref<512x16xf32, #tpu.memory_space<vmem>>[vector<16xi32>, vector<16xi32>], vector<16xf32>,
      %gather3A_260 = tpu.vector_load_idx %arg11[%broadcast_in_dim3A_241, %get3A_39] : memref<512x16xf32, #tpu.memory_space<vmem>>[vector<16xi32>, vector<16xi32>], vector<16xf32>,
      %mul3A_261 = arith.mulf %gather3A_259, %get3A_49 : vector<16xf32>
      %mul3A_262 = arith.mulf %gather3A_260, %get3A_59 : vector<16xf32>
      %add3A_263 = arith.addf %mul3A_261, %mul3A_262 : vector<16xf32>
      %add3A_264 = arith.addf %add3A_263, %get3A_69 : vector<16xf32>
      tpu.vector_store_idx %arg13[%broadcast_in_dim3A_240, %get3A_79], %add3A_264 masked %ne3A_100 : memref<64x486xf32, #tpu.memory_space<vmem>>[vector<16xi32>, vector<16xi32>], vector<16xf32>, vector<16xi1>
      %gather3A_265 = tpu.vector_load_idx %arg11[%broadcast_in_dim3A_241, %get3A_31] : memref<512x16xf32, #tpu.memory_space<vmem>>[vector<16xi32>, vector<16xi32>], vector<16xf32>,
      %gather3A_266 = tpu.vector_load_idx %arg11[%broadcast_in_dim3A_241, %get3A_41] : memref<512x16xf32, #tpu.memory_space<vmem>>[vector<16xi32>, vector<16xi32>], vector<16xf32>,
      %mul3A_267 = arith.mulf %gather3A_265, %get3A_51 : vector<16xf32>
      %mul3A_268 = arith.mulf %gather3A_266, %get3A_61 : vector<16xf32>
      %add3A_269 = arith.addf %mul3A_267, %mul3A_268 : vector<16xf32>
      %add3A_270 = arith.addf %add3A_269, %get3A_71 : vector<16xf32>
      tpu.vector_store_idx %arg13[%broadcast_in_dim3A_240, %get3A_81], %add3A_270 masked %ne3A_105 : memref<64x486xf32, #tpu.memory_space<vmem>>[vector<16xi32>, vector<16xi32>], vector<16xf32>, vector<16xi1>
    }
    %scan3A_158 = arith.constant 64 : i32
    %add3A_159 = arith.constant 192 : i32
    %add3A_160 = arith.addi %mul3A_2, %add3A_159 : i32
    %dma_start3A_161 = arith.constant 0 : i32
    %dma_start3A_162 = tpu.memref_slice %arg10[%add3A_160, %dma_start3A_161] : memref<16384x486xf32, #tpu.memory_space<hbm>> -> memref<64x486xf32, #tpu.memory_space<hbm>>
    %dma_start3A_163 = arith.constant 0 : i32
    %dma_start3A_164 = tpu.memref_slice %arg10[%add3A_160, %dma_start3A_163] : memref<16384x486xf32, #tpu.memory_space<hbm>> -> memref<64x486xf32, #tpu.memory_space<hbm>>
    tpu.enqueue_dma source(%arg13 : memref<64x486xf32, #tpu.memory_space<vmem>>) target(%dma_start3A_164 : memref<64x486xf32, #tpu.memory_space<hbm>>) target_semaphore(%arg23 : memref<!tpu.dma_semaphore, #tpu.memory_space<semaphore_mem>>)
    %dma_wait3A_165 = arith.constant 0 : i32
    %dma_wait3A_166 = tpu.memref_slice %arg10[%add3A_144, %dma_wait3A_165] : memref<16384x486xf32, #tpu.memory_space<hbm>> -> memref<64x486xf32, #tpu.memory_space<hbm>>
    %dma_wait3A_167 = arith.constant 0 : i32
    %dma_wait3A_168 = tpu.memref_slice %arg10[%add3A_144, %dma_wait3A_167] : memref<16384x486xf32, #tpu.memory_space<hbm>> -> memref<64x486xf32, #tpu.memory_space<hbm>>
    tpu.wait_dma2 semaphore(%arg22 : memref<!tpu.dma_semaphore, #tpu.memory_space<semaphore_mem>>) src(%arg12 : memref<64x486xf32, #tpu.memory_space<vmem>>) dst(%dma_wait3A_168 : memref<64x486xf32, #tpu.memory_space<hbm>>)
    %scan3A_169 = arith.constant 0 : i32
    %scan3A_170 = arith.constant 0 : i32
    %scan3A_171 = arith.constant 64 : i32
    %scan3A_172 = arith.addi %scan3A_170, %scan3A_171 : i32
    %scan3A_173 = arith.constant 1 : i32
    scf.for %scan3A_237 = %scan3A_170 to %scan3A_172 step %scan3A_173  : i32 {
      %add3A_238 = arith.constant 256 : i32
      %add3A_239 = arith.addi %add3A_238, %scan3A_237 : i32
      %broadcast_in_dim3A_240 = vector.broadcast %scan3A_237 : i32 to vector<16xi32>
      %broadcast_in_dim3A_241 = vector.broadcast %add3A_239 : i32 to vector<16xi32>
      %gather3A = tpu.vector_load_idx %arg11[%broadcast_in_dim3A_241, %get3A_23] : memref<512x16xf32, #tpu.memory_space<vmem>>[vector<16xi32>, vector<16xi32>], vector<16xf32>,
      %gather3A_242 = tpu.vector_load_idx %arg11[%broadcast_in_dim3A_241, %get3A_33] : memref<512x16xf32, #tpu.memory_space<vmem>>[vector<16xi32>, vector<16xi32>], vector<16xf32>,
      %mul3A_243 = arith.mulf %gather3A, %get3A_43 : vector<16xf32>
      %mul3A_244 = arith.mulf %gather3A_242, %get3A_53 : vector<16xf32>
      %add3A_245 = arith.addf %mul3A_243, %mul3A_244 : vector<16xf32>
      %add3A_246 = arith.addf %add3A_245, %get3A_63 : vector<16xf32>
      tpu.vector_store_idx %arg12[%broadcast_in_dim3A_240, %get3A_73], %add3A_246 masked %ne3A_85 : memref<64x486xf32, #tpu.memory_space<vmem>>[vector<16xi32>, vector<16xi32>], vector<16xf32>, vector<16xi1>
      %gather3A_247 = tpu.vector_load_idx %arg11[%broadcast_in_dim3A_241, %get3A_25] : memref<512x16xf32, #tpu.memory_space<vmem>>[vector<16xi32>, vector<16xi32>], vector<16xf32>,
      %gather3A_248 = tpu.vector_load_idx %arg11[%broadcast_in_dim3A_241, %get3A_35] : memref<512x16xf32, #tpu.memory_space<vmem>>[vector<16xi32>, vector<16xi32>], vector<16xf32>,
      %mul3A_249 = arith.mulf %gather3A_247, %get3A_45 : vector<16xf32>
      %mul3A_250 = arith.mulf %gather3A_248, %get3A_55 : vector<16xf32>
      %add3A_251 = arith.addf %mul3A_249, %mul3A_250 : vector<16xf32>
      %add3A_252 = arith.addf %add3A_251, %get3A_65 : vector<16xf32>
      tpu.vector_store_idx %arg12[%broadcast_in_dim3A_240, %get3A_75], %add3A_252 masked %ne3A_90 : memref<64x486xf32, #tpu.memory_space<vmem>>[vector<16xi32>, vector<16xi32>], vector<16xf32>, vector<16xi1>
      %gather3A_253 = tpu.vector_load_idx %arg11[%broadcast_in_dim3A_241, %get3A_27] : memref<512x16xf32, #tpu.memory_space<vmem>>[vector<16xi32>, vector<16xi32>], vector<16xf32>,
      %gather3A_254 = tpu.vector_load_idx %arg11[%broadcast_in_dim3A_241, %get3A_37] : memref<512x16xf32, #tpu.memory_space<vmem>>[vector<16xi32>, vector<16xi32>], vector<16xf32>,
      %mul3A_255 = arith.mulf %gather3A_253, %get3A_47 : vector<16xf32>
      %mul3A_256 = arith.mulf %gather3A_254, %get3A_57 : vector<16xf32>
      %add3A_257 = arith.addf %mul3A_255, %mul3A_256 : vector<16xf32>
      %add3A_258 = arith.addf %add3A_257, %get3A_67 : vector<16xf32>
      tpu.vector_store_idx %arg12[%broadcast_in_dim3A_240, %get3A_77], %add3A_258 masked %ne3A_95 : memref<64x486xf32, #tpu.memory_space<vmem>>[vector<16xi32>, vector<16xi32>], vector<16xf32>, vector<16xi1>
      %gather3A_259 = tpu.vector_load_idx %arg11[%broadcast_in_dim3A_241, %get3A_29] : memref<512x16xf32, #tpu.memory_space<vmem>>[vector<16xi32>, vector<16xi32>], vector<16xf32>,
      %gather3A_260 = tpu.vector_load_idx %arg11[%broadcast_in_dim3A_241, %get3A_39] : memref<512x16xf32, #tpu.memory_space<vmem>>[vector<16xi32>, vector<16xi32>], vector<16xf32>,
      %mul3A_261 = arith.mulf %gather3A_259, %get3A_49 : vector<16xf32>
      %mul3A_262 = arith.mulf %gather3A_260, %get3A_59 : vector<16xf32>
      %add3A_263 = arith.addf %mul3A_261, %mul3A_262 : vector<16xf32>
      %add3A_264 = arith.addf %add3A_263, %get3A_69 : vector<16xf32>
      tpu.vector_store_idx %arg12[%broadcast_in_dim3A_240, %get3A_79], %add3A_264 masked %ne3A_100 : memref<64x486xf32, #tpu.memory_space<vmem>>[vector<16xi32>, vector<16xi32>], vector<16xf32>, vector<16xi1>
      %gather3A_265 = tpu.vector_load_idx %arg11[%broadcast_in_dim3A_241, %get3A_31] : memref<512x16xf32, #tpu.memory_space<vmem>>[vector<16xi32>, vector<16xi32>], vector<16xf32>,
      %gather3A_266 = tpu.vector_load_idx %arg11[%broadcast_in_dim3A_241, %get3A_41] : memref<512x16xf32, #tpu.memory_space<vmem>>[vector<16xi32>, vector<16xi32>], vector<16xf32>,
      %mul3A_267 = arith.mulf %gather3A_265, %get3A_51 : vector<16xf32>
      %mul3A_268 = arith.mulf %gather3A_266, %get3A_61 : vector<16xf32>
      %add3A_269 = arith.addf %mul3A_267, %mul3A_268 : vector<16xf32>
      %add3A_270 = arith.addf %add3A_269, %get3A_71 : vector<16xf32>
      tpu.vector_store_idx %arg12[%broadcast_in_dim3A_240, %get3A_81], %add3A_270 masked %ne3A_105 : memref<64x486xf32, #tpu.memory_space<vmem>>[vector<16xi32>, vector<16xi32>], vector<16xf32>, vector<16xi1>
    }
    %scan3A_174 = arith.constant 64 : i32
    %add3A_175 = arith.constant 256 : i32
    %add3A_176 = arith.addi %mul3A_2, %add3A_175 : i32
    %dma_start3A_177 = arith.constant 0 : i32
    %dma_start3A_178 = tpu.memref_slice %arg10[%add3A_176, %dma_start3A_177] : memref<16384x486xf32, #tpu.memory_space<hbm>> -> memref<64x486xf32, #tpu.memory_space<hbm>>
    %dma_start3A_179 = arith.constant 0 : i32
    %dma_start3A_180 = tpu.memref_slice %arg10[%add3A_176, %dma_start3A_179] : memref<16384x486xf32, #tpu.memory_space<hbm>> -> memref<64x486xf32, #tpu.memory_space<hbm>>
    tpu.enqueue_dma source(%arg12 : memref<64x486xf32, #tpu.memory_space<vmem>>) target(%dma_start3A_180 : memref<64x486xf32, #tpu.memory_space<hbm>>) target_semaphore(%arg22 : memref<!tpu.dma_semaphore, #tpu.memory_space<semaphore_mem>>)
    %dma_wait3A_181 = arith.constant 0 : i32
    %dma_wait3A_182 = tpu.memref_slice %arg10[%add3A_160, %dma_wait3A_181] : memref<16384x486xf32, #tpu.memory_space<hbm>> -> memref<64x486xf32, #tpu.memory_space<hbm>>
    %dma_wait3A_183 = arith.constant 0 : i32
    %dma_wait3A_184 = tpu.memref_slice %arg10[%add3A_160, %dma_wait3A_183] : memref<16384x486xf32, #tpu.memory_space<hbm>> -> memref<64x486xf32, #tpu.memory_space<hbm>>
    tpu.wait_dma2 semaphore(%arg23 : memref<!tpu.dma_semaphore, #tpu.memory_space<semaphore_mem>>) src(%arg13 : memref<64x486xf32, #tpu.memory_space<vmem>>) dst(%dma_wait3A_184 : memref<64x486xf32, #tpu.memory_space<hbm>>)
    %scan3A_185 = arith.constant 0 : i32
    %scan3A_186 = arith.constant 0 : i32
    %scan3A_187 = arith.constant 64 : i32
    %scan3A_188 = arith.addi %scan3A_186, %scan3A_187 : i32
    %scan3A_189 = arith.constant 1 : i32
    scf.for %scan3A_237 = %scan3A_186 to %scan3A_188 step %scan3A_189  : i32 {
      %add3A_238 = arith.constant 320 : i32
      %add3A_239 = arith.addi %add3A_238, %scan3A_237 : i32
      %broadcast_in_dim3A_240 = vector.broadcast %scan3A_237 : i32 to vector<16xi32>
      %broadcast_in_dim3A_241 = vector.broadcast %add3A_239 : i32 to vector<16xi32>
      %gather3A = tpu.vector_load_idx %arg11[%broadcast_in_dim3A_241, %get3A_23] : memref<512x16xf32, #tpu.memory_space<vmem>>[vector<16xi32>, vector<16xi32>], vector<16xf32>,
      %gather3A_242 = tpu.vector_load_idx %arg11[%broadcast_in_dim3A_241, %get3A_33] : memref<512x16xf32, #tpu.memory_space<vmem>>[vector<16xi32>, vector<16xi32>], vector<16xf32>,
      %mul3A_243 = arith.mulf %gather3A, %get3A_43 : vector<16xf32>
      %mul3A_244 = arith.mulf %gather3A_242, %get3A_53 : vector<16xf32>
      %add3A_245 = arith.addf %mul3A_243, %mul3A_244 : vector<16xf32>
      %add3A_246 = arith.addf %add3A_245, %get3A_63 : vector<16xf32>
      tpu.vector_store_idx %arg13[%broadcast_in_dim3A_240, %get3A_73], %add3A_246 masked %ne3A_85 : memref<64x486xf32, #tpu.memory_space<vmem>>[vector<16xi32>, vector<16xi32>], vector<16xf32>, vector<16xi1>
      %gather3A_247 = tpu.vector_load_idx %arg11[%broadcast_in_dim3A_241, %get3A_25] : memref<512x16xf32, #tpu.memory_space<vmem>>[vector<16xi32>, vector<16xi32>], vector<16xf32>,
      %gather3A_248 = tpu.vector_load_idx %arg11[%broadcast_in_dim3A_241, %get3A_35] : memref<512x16xf32, #tpu.memory_space<vmem>>[vector<16xi32>, vector<16xi32>], vector<16xf32>,
      %mul3A_249 = arith.mulf %gather3A_247, %get3A_45 : vector<16xf32>
      %mul3A_250 = arith.mulf %gather3A_248, %get3A_55 : vector<16xf32>
      %add3A_251 = arith.addf %mul3A_249, %mul3A_250 : vector<16xf32>
      %add3A_252 = arith.addf %add3A_251, %get3A_65 : vector<16xf32>
      tpu.vector_store_idx %arg13[%broadcast_in_dim3A_240, %get3A_75], %add3A_252 masked %ne3A_90 : memref<64x486xf32, #tpu.memory_space<vmem>>[vector<16xi32>, vector<16xi32>], vector<16xf32>, vector<16xi1>
      %gather3A_253 = tpu.vector_load_idx %arg11[%broadcast_in_dim3A_241, %get3A_27] : memref<512x16xf32, #tpu.memory_space<vmem>>[vector<16xi32>, vector<16xi32>], vector<16xf32>,
      %gather3A_254 = tpu.vector_load_idx %arg11[%broadcast_in_dim3A_241, %get3A_37] : memref<512x16xf32, #tpu.memory_space<vmem>>[vector<16xi32>, vector<16xi32>], vector<16xf32>,
      %mul3A_255 = arith.mulf %gather3A_253, %get3A_47 : vector<16xf32>
      %mul3A_256 = arith.mulf %gather3A_254, %get3A_57 : vector<16xf32>
      %add3A_257 = arith.addf %mul3A_255, %mul3A_256 : vector<16xf32>
      %add3A_258 = arith.addf %add3A_257, %get3A_67 : vector<16xf32>
      tpu.vector_store_idx %arg13[%broadcast_in_dim3A_240, %get3A_77], %add3A_258 masked %ne3A_95 : memref<64x486xf32, #tpu.memory_space<vmem>>[vector<16xi32>, vector<16xi32>], vector<16xf32>, vector<16xi1>
      %gather3A_259 = tpu.vector_load_idx %arg11[%broadcast_in_dim3A_241, %get3A_29] : memref<512x16xf32, #tpu.memory_space<vmem>>[vector<16xi32>, vector<16xi32>], vector<16xf32>,
      %gather3A_260 = tpu.vector_load_idx %arg11[%broadcast_in_dim3A_241, %get3A_39] : memref<512x16xf32, #tpu.memory_space<vmem>>[vector<16xi32>, vector<16xi32>], vector<16xf32>,
      %mul3A_261 = arith.mulf %gather3A_259, %get3A_49 : vector<16xf32>
      %mul3A_262 = arith.mulf %gather3A_260, %get3A_59 : vector<16xf32>
      %add3A_263 = arith.addf %mul3A_261, %mul3A_262 : vector<16xf32>
      %add3A_264 = arith.addf %add3A_263, %get3A_69 : vector<16xf32>
      tpu.vector_store_idx %arg13[%broadcast_in_dim3A_240, %get3A_79], %add3A_264 masked %ne3A_100 : memref<64x486xf32, #tpu.memory_space<vmem>>[vector<16xi32>, vector<16xi32>], vector<16xf32>, vector<16xi1>
      %gather3A_265 = tpu.vector_load_idx %arg11[%broadcast_in_dim3A_241, %get3A_31] : memref<512x16xf32, #tpu.memory_space<vmem>>[vector<16xi32>, vector<16xi32>], vector<16xf32>,
      %gather3A_266 = tpu.vector_load_idx %arg11[%broadcast_in_dim3A_241, %get3A_41] : memref<512x16xf32, #tpu.memory_space<vmem>>[vector<16xi32>, vector<16xi32>], vector<16xf32>,
      %mul3A_267 = arith.mulf %gather3A_265, %get3A_51 : vector<16xf32>
      %mul3A_268 = arith.mulf %gather3A_266, %get3A_61 : vector<16xf32>
      %add3A_269 = arith.addf %mul3A_267, %mul3A_268 : vector<16xf32>
      %add3A_270 = arith.addf %add3A_269, %get3A_71 : vector<16xf32>
      tpu.vector_store_idx %arg13[%broadcast_in_dim3A_240, %get3A_81], %add3A_270 masked %ne3A_105 : memref<64x486xf32, #tpu.memory_space<vmem>>[vector<16xi32>, vector<16xi32>], vector<16xf32>, vector<16xi1>
    }
    %scan3A_190 = arith.constant 64 : i32
    %add3A_191 = arith.constant 320 : i32
    %add3A_192 = arith.addi %mul3A_2, %add3A_191 : i32
    %dma_start3A_193 = arith.constant 0 : i32
    %dma_start3A_194 = tpu.memref_slice %arg10[%add3A_192, %dma_start3A_193] : memref<16384x486xf32, #tpu.memory_space<hbm>> -> memref<64x486xf32, #tpu.memory_space<hbm>>
    %dma_start3A_195 = arith.constant 0 : i32
    %dma_start3A_196 = tpu.memref_slice %arg10[%add3A_192, %dma_start3A_195] : memref<16384x486xf32, #tpu.memory_space<hbm>> -> memref<64x486xf32, #tpu.memory_space<hbm>>
    tpu.enqueue_dma source(%arg13 : memref<64x486xf32, #tpu.memory_space<vmem>>) target(%dma_start3A_196 : memref<64x486xf32, #tpu.memory_space<hbm>>) target_semaphore(%arg23 : memref<!tpu.dma_semaphore, #tpu.memory_space<semaphore_mem>>)
    %dma_wait3A_197 = arith.constant 0 : i32
    %dma_wait3A_198 = tpu.memref_slice %arg10[%add3A_176, %dma_wait3A_197] : memref<16384x486xf32, #tpu.memory_space<hbm>> -> memref<64x486xf32, #tpu.memory_space<hbm>>
    %dma_wait3A_199 = arith.constant 0 : i32
    %dma_wait3A_200 = tpu.memref_slice %arg10[%add3A_176, %dma_wait3A_199] : memref<16384x486xf32, #tpu.memory_space<hbm>> -> memref<64x486xf32, #tpu.memory_space<hbm>>
    tpu.wait_dma2 semaphore(%arg22 : memref<!tpu.dma_semaphore, #tpu.memory_space<semaphore_mem>>) src(%arg12 : memref<64x486xf32, #tpu.memory_space<vmem>>) dst(%dma_wait3A_200 : memref<64x486xf32, #tpu.memory_space<hbm>>)
    %scan3A_201 = arith.constant 0 : i32
    %scan3A_202 = arith.constant 0 : i32
    %scan3A_203 = arith.constant 64 : i32
    %scan3A_204 = arith.addi %scan3A_202, %scan3A_203 : i32
    %scan3A_205 = arith.constant 1 : i32
    scf.for %scan3A_237 = %scan3A_202 to %scan3A_204 step %scan3A_205  : i32 {
      %add3A_238 = arith.constant 384 : i32
      %add3A_239 = arith.addi %add3A_238, %scan3A_237 : i32
      %broadcast_in_dim3A_240 = vector.broadcast %scan3A_237 : i32 to vector<16xi32>
      %broadcast_in_dim3A_241 = vector.broadcast %add3A_239 : i32 to vector<16xi32>
      %gather3A = tpu.vector_load_idx %arg11[%broadcast_in_dim3A_241, %get3A_23] : memref<512x16xf32, #tpu.memory_space<vmem>>[vector<16xi32>, vector<16xi32>], vector<16xf32>,
      %gather3A_242 = tpu.vector_load_idx %arg11[%broadcast_in_dim3A_241, %get3A_33] : memref<512x16xf32, #tpu.memory_space<vmem>>[vector<16xi32>, vector<16xi32>], vector<16xf32>,
      %mul3A_243 = arith.mulf %gather3A, %get3A_43 : vector<16xf32>
      %mul3A_244 = arith.mulf %gather3A_242, %get3A_53 : vector<16xf32>
      %add3A_245 = arith.addf %mul3A_243, %mul3A_244 : vector<16xf32>
      %add3A_246 = arith.addf %add3A_245, %get3A_63 : vector<16xf32>
      tpu.vector_store_idx %arg12[%broadcast_in_dim3A_240, %get3A_73], %add3A_246 masked %ne3A_85 : memref<64x486xf32, #tpu.memory_space<vmem>>[vector<16xi32>, vector<16xi32>], vector<16xf32>, vector<16xi1>
      %gather3A_247 = tpu.vector_load_idx %arg11[%broadcast_in_dim3A_241, %get3A_25] : memref<512x16xf32, #tpu.memory_space<vmem>>[vector<16xi32>, vector<16xi32>], vector<16xf32>,
      %gather3A_248 = tpu.vector_load_idx %arg11[%broadcast_in_dim3A_241, %get3A_35] : memref<512x16xf32, #tpu.memory_space<vmem>>[vector<16xi32>, vector<16xi32>], vector<16xf32>,
      %mul3A_249 = arith.mulf %gather3A_247, %get3A_45 : vector<16xf32>
      %mul3A_250 = arith.mulf %gather3A_248, %get3A_55 : vector<16xf32>
      %add3A_251 = arith.addf %mul3A_249, %mul3A_250 : vector<16xf32>
      %add3A_252 = arith.addf %add3A_251, %get3A_65 : vector<16xf32>
      tpu.vector_store_idx %arg12[%broadcast_in_dim3A_240, %get3A_75], %add3A_252 masked %ne3A_90 : memref<64x486xf32, #tpu.memory_space<vmem>>[vector<16xi32>, vector<16xi32>], vector<16xf32>, vector<16xi1>
      %gather3A_253 = tpu.vector_load_idx %arg11[%broadcast_in_dim3A_241, %get3A_27] : memref<512x16xf32, #tpu.memory_space<vmem>>[vector<16xi32>, vector<16xi32>], vector<16xf32>,
      %gather3A_254 = tpu.vector_load_idx %arg11[%broadcast_in_dim3A_241, %get3A_37] : memref<512x16xf32, #tpu.memory_space<vmem>>[vector<16xi32>, vector<16xi32>], vector<16xf32>,
      %mul3A_255 = arith.mulf %gather3A_253, %get3A_47 : vector<16xf32>
      %mul3A_256 = arith.mulf %gather3A_254, %get3A_57 : vector<16xf32>
      %add3A_257 = arith.addf %mul3A_255, %mul3A_256 : vector<16xf32>
      %add3A_258 = arith.addf %add3A_257, %get3A_67 : vector<16xf32>
      tpu.vector_store_idx %arg12[%broadcast_in_dim3A_240, %get3A_77], %add3A_258 masked %ne3A_95 : memref<64x486xf32, #tpu.memory_space<vmem>>[vector<16xi32>, vector<16xi32>], vector<16xf32>, vector<16xi1>
      %gather3A_259 = tpu.vector_load_idx %arg11[%broadcast_in_dim3A_241, %get3A_29] : memref<512x16xf32, #tpu.memory_space<vmem>>[vector<16xi32>, vector<16xi32>], vector<16xf32>,
      %gather3A_260 = tpu.vector_load_idx %arg11[%broadcast_in_dim3A_241, %get3A_39] : memref<512x16xf32, #tpu.memory_space<vmem>>[vector<16xi32>, vector<16xi32>], vector<16xf32>,
      %mul3A_261 = arith.mulf %gather3A_259, %get3A_49 : vector<16xf32>
      %mul3A_262 = arith.mulf %gather3A_260, %get3A_59 : vector<16xf32>
      %add3A_263 = arith.addf %mul3A_261, %mul3A_262 : vector<16xf32>
      %add3A_264 = arith.addf %add3A_263, %get3A_69 : vector<16xf32>
      tpu.vector_store_idx %arg12[%broadcast_in_dim3A_240, %get3A_79], %add3A_264 masked %ne3A_100 : memref<64x486xf32, #tpu.memory_space<vmem>>[vector<16xi32>, vector<16xi32>], vector<16xf32>, vector<16xi1>
      %gather3A_265 = tpu.vector_load_idx %arg11[%broadcast_in_dim3A_241, %get3A_31] : memref<512x16xf32, #tpu.memory_space<vmem>>[vector<16xi32>, vector<16xi32>], vector<16xf32>,
      %gather3A_266 = tpu.vector_load_idx %arg11[%broadcast_in_dim3A_241, %get3A_41] : memref<512x16xf32, #tpu.memory_space<vmem>>[vector<16xi32>, vector<16xi32>], vector<16xf32>,
      %mul3A_267 = arith.mulf %gather3A_265, %get3A_51 : vector<16xf32>
      %mul3A_268 = arith.mulf %gather3A_266, %get3A_61 : vector<16xf32>
      %add3A_269 = arith.addf %mul3A_267, %mul3A_268 : vector<16xf32>
      %add3A_270 = arith.addf %add3A_269, %get3A_71 : vector<16xf32>
      tpu.vector_store_idx %arg12[%broadcast_in_dim3A_240, %get3A_81], %add3A_270 masked %ne3A_105 : memref<64x486xf32, #tpu.memory_space<vmem>>[vector<16xi32>, vector<16xi32>], vector<16xf32>, vector<16xi1>
    }
    %scan3A_206 = arith.constant 64 : i32
    %add3A_207 = arith.constant 384 : i32
    %add3A_208 = arith.addi %mul3A_2, %add3A_207 : i32
    %dma_start3A_209 = arith.constant 0 : i32
    %dma_start3A_210 = tpu.memref_slice %arg10[%add3A_208, %dma_start3A_209] : memref<16384x486xf32, #tpu.memory_space<hbm>> -> memref<64x486xf32, #tpu.memory_space<hbm>>
    %dma_start3A_211 = arith.constant 0 : i32
    %dma_start3A_212 = tpu.memref_slice %arg10[%add3A_208, %dma_start3A_211] : memref<16384x486xf32, #tpu.memory_space<hbm>> -> memref<64x486xf32, #tpu.memory_space<hbm>>
    tpu.enqueue_dma source(%arg12 : memref<64x486xf32, #tpu.memory_space<vmem>>) target(%dma_start3A_212 : memref<64x486xf32, #tpu.memory_space<hbm>>) target_semaphore(%arg22 : memref<!tpu.dma_semaphore, #tpu.memory_space<semaphore_mem>>)
    %dma_wait3A_213 = arith.constant 0 : i32
    %dma_wait3A_214 = tpu.memref_slice %arg10[%add3A_192, %dma_wait3A_213] : memref<16384x486xf32, #tpu.memory_space<hbm>> -> memref<64x486xf32, #tpu.memory_space<hbm>>
    %dma_wait3A_215 = arith.constant 0 : i32
    %dma_wait3A_216 = tpu.memref_slice %arg10[%add3A_192, %dma_wait3A_215] : memref<16384x486xf32, #tpu.memory_space<hbm>> -> memref<64x486xf32, #tpu.memory_space<hbm>>
    tpu.wait_dma2 semaphore(%arg23 : memref<!tpu.dma_semaphore, #tpu.memory_space<semaphore_mem>>) src(%arg13 : memref<64x486xf32, #tpu.memory_space<vmem>>) dst(%dma_wait3A_216 : memref<64x486xf32, #tpu.memory_space<hbm>>)
    %scan3A_217 = arith.constant 0 : i32
    %scan3A_218 = arith.constant 0 : i32
    %scan3A_219 = arith.constant 64 : i32
    %scan3A_220 = arith.addi %scan3A_218, %scan3A_219 : i32
    %scan3A_221 = arith.constant 1 : i32
    scf.for %scan3A_237 = %scan3A_218 to %scan3A_220 step %scan3A_221  : i32 {
      %add3A_238 = arith.constant 448 : i32
      %add3A_239 = arith.addi %add3A_238, %scan3A_237 : i32
      %broadcast_in_dim3A_240 = vector.broadcast %scan3A_237 : i32 to vector<16xi32>
      %broadcast_in_dim3A_241 = vector.broadcast %add3A_239 : i32 to vector<16xi32>
      %gather3A = tpu.vector_load_idx %arg11[%broadcast_in_dim3A_241, %get3A_23] : memref<512x16xf32, #tpu.memory_space<vmem>>[vector<16xi32>, vector<16xi32>], vector<16xf32>,
      %gather3A_242 = tpu.vector_load_idx %arg11[%broadcast_in_dim3A_241, %get3A_33] : memref<512x16xf32, #tpu.memory_space<vmem>>[vector<16xi32>, vector<16xi32>], vector<16xf32>,
      %mul3A_243 = arith.mulf %gather3A, %get3A_43 : vector<16xf32>
      %mul3A_244 = arith.mulf %gather3A_242, %get3A_53 : vector<16xf32>
      %add3A_245 = arith.addf %mul3A_243, %mul3A_244 : vector<16xf32>
      %add3A_246 = arith.addf %add3A_245, %get3A_63 : vector<16xf32>
      tpu.vector_store_idx %arg13[%broadcast_in_dim3A_240, %get3A_73], %add3A_246 masked %ne3A_85 : memref<64x486xf32, #tpu.memory_space<vmem>>[vector<16xi32>, vector<16xi32>], vector<16xf32>, vector<16xi1>
      %gather3A_247 = tpu.vector_load_idx %arg11[%broadcast_in_dim3A_241, %get3A_25] : memref<512x16xf32, #tpu.memory_space<vmem>>[vector<16xi32>, vector<16xi32>], vector<16xf32>,
      %gather3A_248 = tpu.vector_load_idx %arg11[%broadcast_in_dim3A_241, %get3A_35] : memref<512x16xf32, #tpu.memory_space<vmem>>[vector<16xi32>, vector<16xi32>], vector<16xf32>,
      %mul3A_249 = arith.mulf %gather3A_247, %get3A_45 : vector<16xf32>
      %mul3A_250 = arith.mulf %gather3A_248, %get3A_55 : vector<16xf32>
      %add3A_251 = arith.addf %mul3A_249, %mul3A_250 : vector<16xf32>
      %add3A_252 = arith.addf %add3A_251, %get3A_65 : vector<16xf32>
      tpu.vector_store_idx %arg13[%broadcast_in_dim3A_240, %get3A_75], %add3A_252 masked %ne3A_90 : memref<64x486xf32, #tpu.memory_space<vmem>>[vector<16xi32>, vector<16xi32>], vector<16xf32>, vector<16xi1>
      %gather3A_253 = tpu.vector_load_idx %arg11[%broadcast_in_dim3A_241, %get3A_27] : memref<512x16xf32, #tpu.memory_space<vmem>>[vector<16xi32>, vector<16xi32>], vector<16xf32>,
      %gather3A_254 = tpu.vector_load_idx %arg11[%broadcast_in_dim3A_241, %get3A_37] : memref<512x16xf32, #tpu.memory_space<vmem>>[vector<16xi32>, vector<16xi32>], vector<16xf32>,
      %mul3A_255 = arith.mulf %gather3A_253, %get3A_47 : vector<16xf32>
      %mul3A_256 = arith.mulf %gather3A_254, %get3A_57 : vector<16xf32>
      %add3A_257 = arith.addf %mul3A_255, %mul3A_256 : vector<16xf32>
      %add3A_258 = arith.addf %add3A_257, %get3A_67 : vector<16xf32>
      tpu.vector_store_idx %arg13[%broadcast_in_dim3A_240, %get3A_77], %add3A_258 masked %ne3A_95 : memref<64x486xf32, #tpu.memory_space<vmem>>[vector<16xi32>, vector<16xi32>], vector<16xf32>, vector<16xi1>
      %gather3A_259 = tpu.vector_load_idx %arg11[%broadcast_in_dim3A_241, %get3A_29] : memref<512x16xf32, #tpu.memory_space<vmem>>[vector<16xi32>, vector<16xi32>], vector<16xf32>,
      %gather3A_260 = tpu.vector_load_idx %arg11[%broadcast_in_dim3A_241, %get3A_39] : memref<512x16xf32, #tpu.memory_space<vmem>>[vector<16xi32>, vector<16xi32>], vector<16xf32>,
      %mul3A_261 = arith.mulf %gather3A_259, %get3A_49 : vector<16xf32>
      %mul3A_262 = arith.mulf %gather3A_260, %get3A_59 : vector<16xf32>
      %add3A_263 = arith.addf %mul3A_261, %mul3A_262 : vector<16xf32>
      %add3A_264 = arith.addf %add3A_263, %get3A_69 : vector<16xf32>
      tpu.vector_store_idx %arg13[%broadcast_in_dim3A_240, %get3A_79], %add3A_264 masked %ne3A_100 : memref<64x486xf32, #tpu.memory_space<vmem>>[vector<16xi32>, vector<16xi32>], vector<16xf32>, vector<16xi1>
      %gather3A_265 = tpu.vector_load_idx %arg11[%broadcast_in_dim3A_241, %get3A_31] : memref<512x16xf32, #tpu.memory_space<vmem>>[vector<16xi32>, vector<16xi32>], vector<16xf32>,
      %gather3A_266 = tpu.vector_load_idx %arg11[%broadcast_in_dim3A_241, %get3A_41] : memref<512x16xf32, #tpu.memory_space<vmem>>[vector<16xi32>, vector<16xi32>], vector<16xf32>,
      %mul3A_267 = arith.mulf %gather3A_265, %get3A_51 : vector<16xf32>
      %mul3A_268 = arith.mulf %gather3A_266, %get3A_61 : vector<16xf32>
      %add3A_269 = arith.addf %mul3A_267, %mul3A_268 : vector<16xf32>
      %add3A_270 = arith.addf %add3A_269, %get3A_71 : vector<16xf32>
      tpu.vector_store_idx %arg13[%broadcast_in_dim3A_240, %get3A_81], %add3A_270 masked %ne3A_105 : memref<64x486xf32, #tpu.memory_space<vmem>>[vector<16xi32>, vector<16xi32>], vector<16xf32>, vector<16xi1>
    }
    %scan3A_222 = arith.constant 64 : i32
    %add3A_223 = arith.constant 448 : i32
    %add3A_224 = arith.addi %mul3A_2, %add3A_223 : i32
    %dma_start3A_225 = arith.constant 0 : i32
    %dma_start3A_226 = tpu.memref_slice %arg10[%add3A_224, %dma_start3A_225] : memref<16384x486xf32, #tpu.memory_space<hbm>> -> memref<64x486xf32, #tpu.memory_space<hbm>>
    %dma_start3A_227 = arith.constant 0 : i32
    %dma_start3A_228 = tpu.memref_slice %arg10[%add3A_224, %dma_start3A_227] : memref<16384x486xf32, #tpu.memory_space<hbm>> -> memref<64x486xf32, #tpu.memory_space<hbm>>
    tpu.enqueue_dma source(%arg13 : memref<64x486xf32, #tpu.memory_space<vmem>>) target(%dma_start3A_228 : memref<64x486xf32, #tpu.memory_space<hbm>>) target_semaphore(%arg23 : memref<!tpu.dma_semaphore, #tpu.memory_space<semaphore_mem>>)
    %dma_wait3A_229 = arith.constant 0 : i32
    %dma_wait3A_230 = tpu.memref_slice %arg10[%add3A_208, %dma_wait3A_229] : memref<16384x486xf32, #tpu.memory_space<hbm>> -> memref<64x486xf32, #tpu.memory_space<hbm>>
    %dma_wait3A_231 = arith.constant 0 : i32
    %dma_wait3A_232 = tpu.memref_slice %arg10[%add3A_208, %dma_wait3A_231] : memref<16384x486xf32, #tpu.memory_space<hbm>> -> memref<64x486xf32, #tpu.memory_space<hbm>>
    tpu.wait_dma2 semaphore(%arg22 : memref<!tpu.dma_semaphore, #tpu.memory_space<semaphore_mem>>) src(%arg12 : memref<64x486xf32, #tpu.memory_space<vmem>>) dst(%dma_wait3A_232 : memref<64x486xf32, #tpu.memory_space<hbm>>)
    %dma_wait3A_233 = arith.constant 0 : i32
    %dma_wait3A_234 = tpu.memref_slice %arg10[%add3A_224, %dma_wait3A_233] : memref<16384x486xf32, #tpu.memory_space<hbm>> -> memref<64x486xf32, #tpu.memory_space<hbm>>
    %dma_wait3A_235 = arith.constant 0 : i32
    %dma_wait3A_236 = tpu.memref_slice %arg10[%add3A_224, %dma_wait3A_235] : memref<16384x486xf32, #tpu.memory_space<hbm>> -> memref<64x486xf32, #tpu.memory_space<hbm>>
    tpu.wait_dma2 semaphore(%arg23 : memref<!tpu.dma_semaphore, #tpu.memory_space<semaphore_mem>>) src(%arg13 : memref<64x486xf32, #tpu.memory_space<vmem>>) dst(%dma_wait3A_236 : memref<64x486xf32, #tpu.memory_space<hbm>>)
    return
  }
}

</mosaic_0001>

<sc_bundles>
// kernel: kernel.3.cloned.1.call-start
scs
__scs_entry_jumppad:
0x0: {  	(pc) =	sbr.rel $0x88, $3  }
0x1: {  	(tag) =	ssettag $0x0;
	lr =	simm.s32 $0x1  }
0x2: {  	[smem:$0x3F95] =	sst lr;
	_ =	strace $0xD0000000  }
0x3: {  	_ = 	snop  }
0x4: {  	_ = 	snop  }
0x5: {  	_ = 	snop  }
0x6: {  	_ = 	snop  }
0x7: {  	_ = 	snop  }
__scs_overlays_trampoline_lowered:
0x8: {  	[smem:$0x3FA4] =	sst s0  }
0x9: {  	[smem:$0x3FA5] =	sst s1  }
0xa: {  	[smem:$0x3FA6] =	sst s2  }
0xb: {  	[smem:$0x3FA7] =	sst s3  }
0xc: {  	[smem:$0x3FA8] =	sst s4  }
0xd: {  	[smem:$0x3FA9] =	sst s5  }
0xe: {  	[smem:$0x3FAA] =	sst s6  }
0xf: {  	[smem:$0x3FAB] =	sst s7  }
0x10: {  	[smem:$0x3FAC] =	sst s8  }
0x11: {  	[smem:$0x3FAD] =	sst s9;
	s0 =	simm.s32 @!p0 $0x0  }
0x12: {  	s1 =	sld [smem:$0x3F93];
	s0 =	simm.s32 @p0 $0x1  }
0x13: {  	[smem:$0x3FAE] =	sst s0;
	s0 =	simm.s32 @!p1 $0x0  }
0x14: {  	s2 =	sld [smem:$0x3F92];
	s0 =	simm.s32 @p1 $0x1  }
0x15: {  	[smem:$0x3FAF] =	sst s0;
	s0 =	simm.s32 @!p2 $0x0  }
0x16: {  	s3 =	sld [smem:$0x3FDB];
	s0 =	simm.s32 @p2 $0x1  }
0x17: {  	s4 =	simm.s32 $0x1BF5;
	[smem:$0x3FB1] =	sst s0  }
0x18: {  	s0 =	sld [smem:$0x3F94];
	_ =	swait.ge [sflag:s4], $0x0  }
0x19: {  	s7 =	sld [smem:$0x3F95]  }
0x1a: {  	s8 =	sadd.s32 $0xFFFFE003, lr  }
0x1b: {  	s9 =	sadd.s32 $0xFFFFFEF7, lr;
	s5 =	simm.s32 $0xFFFFFFFF;
	p2 =	slt.u32 s8, $0xFFFFF086  }
0x1c: {  	p1 =	slt.u32 s9, $0xF7A;
	s5 =	simm.s32 @!p2 $0x0  }
0x1d: {  	s5 =	simm.s32 @p1 $0x1;
	p0 =	seq.s32 s7, s2  }
0x1e: {  	s7 =	smul.u32 @!p0 $0xF7A, s2;
	p2 =	seq.s32 @!p0 s5, $0x0  }
0x1f: {  	s9 =	smul.u32 $0xF7A, s1;
	s8 =	simm.s32 @!p0 $0x1BF5;
	p2 =	por !p2, p0  }
0x20: {  	[sflag:s8] =	ssyncset.s32 @!p0 $0xFFFFF086;
	s6 =	sadd.s32 @!p0 s3, s7;
	s7 =	simm.s32 @!p0 $0x108  }
0x21: {  	s3 =	sadd.s32 s3, s9;
	s6 =	sadd.s32 @!p0 $0x88, s6;
	s7 =	simm.s32 @p2 $0x1082  }
0x22: {  	[simem:s7], [sflag:s8] =	dma.local @!p0 [hbm:s6], $0xF7A  }
0x23: {  	s9 =	sor.u32 $0xD0000000, s2;
	s6 =	simm.s32 $0x108;
	_ =	swait.ge @!p0 [sflag:s8], $0x0  }
0x24: {  	s3 =	sadd.s32 $0x88, s3;
	s6 =	simm.s32 @!p1 $0x1082;
	[sflag:s4] =	ssyncset.s32 $0xFFFFF086  }
0x25: {  	[simem:s6], [sflag:s4] =	dma.local [hbm:s3], $0xF7A  }
0x26: {  	[smem:$0x3F95] =	sst s1;
	(tag) =	ssettag s2;
	_ =	strace s9  }
0x27: {  	s1 =	sld [smem:$0x3FA5]  }
0x28: {  	s2 =	sld [smem:$0x3FA6]  }
0x29: {  	s4 =	sld [smem:$0x3FA8]  }
0x2a: {  	p0 =	seq.s32 s5, $0x0;
	s5 =	sld [smem:$0x3FA9]  }
0x2b: {  	s6 =	sld [smem:$0x3FAA]  }
0x2c: {  	s7 =	sld [smem:$0x3FAB]  }
0x2d: {  	s3 =	simm.s32 $0x108;
	s8 =	sld [smem:$0x3FAC]  }
0x2e: {  	s3 =	simm.s32 @!p0 $0x1082;
	s9 =	sld [smem:$0x3FAD]  }
0x2f: {  	lr =	sadd.s32 s0, s3;
	s0 =	sld [smem:$0x3FA4]  }
0x30: {  	s3 =	sld [smem:$0x3FA7]  }
0x31: {  	[smem:$0x3FB0] =	sst s10  }
0x32: {  	s10 =	sld [smem:$0x3FAE];
	_ =	sdelay $0x3  }
0x33: {  	p0 =	seq.s32 s10, $0x1;
	s10 =	sld [smem:$0x3FB0];
	_ =	sdelay $0x3  }
0x34: {  	[smem:$0x3FB0] =	sst s10  }
0x35: {  	s10 =	sld [smem:$0x3FAF];
	_ =	sdelay $0x3  }
0x36: {  	p1 =	seq.s32 s10, $0x1;
	s10 =	sld [smem:$0x3FB0];
	_ =	sdelay $0x3  }
0x37: {  	[smem:$0x3FB0] =	sst s10  }
0x38: {  	s10 =	sld [smem:$0x3FB1]  }
0x39: {  	_ = 	snop;
	(pc) =	sbr.ind lr, $3  }
0x3a: {  	_ = 	snop  }
0x3b: {  	_ = 	snop  }
0x3c: {  	p2 =	seq.s32 s10, $0x1;
	s10 =	sld [smem:$0x3FB0]  }
0x3d: {  	_ =	shalt  }
0x3e: {  	_ =	shalt  }
0x3f: {  	_ =	shalt  }
0x40: {  	_ =	shalt  }
0x41: {  	_ =	shalt  }
0x42: {  	_ =	shalt  }
0x43: {  	_ =	shalt  }
0x44: {  	_ =	shalt  }
0x45: {  	_ =	shalt  }
0x46: {  	_ =	shalt  }
0x47: {  	_ =	shalt  }
0x48: {  	_ =	shalt  }
0x49: {  	_ =	shalt  }
0x4a: {  	_ =	shalt  }
0x4b: {  	_ =	shalt  }
0x4c: {  	_ =	shalt  }
0x4d: {  	_ =	shalt  }
0x4e: {  	_ =	shalt  }
0x4f: {  	_ =	shalt  }
0x50: {  	_ =	shalt  }
0x51: {  	_ =	shalt  }
0x52: {  	_ =	shalt  }
0x53: {  	_ =	shalt  }
0x54: {  	_ =	shalt  }
0x55: {  	_ =	shalt  }
0x56: {  	_ =	shalt  }
0x57: {  	_ =	shalt  }
0x58: {  	_ =	shalt  }
0x59: {  	_ =	shalt  }
0x5a: {  	_ =	shalt  }
0x5b: {  	_ =	shalt  }
0x5c: {  	_ =	shalt  }
0x5d: {  	_ =	shalt  }
0x5e: {  	_ =	shalt  }
0x5f: {  	_ =	shalt  }
0x60: {  	_ =	shalt  }
0x61: {  	_ =	shalt  }
0x62: {  	_ =	shalt  }
0x63: {  	_ =	shalt  }
0x64: {  	_ =	shalt  }
0x65: {  	_ =	shalt  }
0x66: {  	_ =	shalt  }
0x67: {  	_ =	shalt  }
0x68: {  	_ =	shalt  }
0x69: {  	_ =	shalt  }
0x6a: {  	_ =	shalt  }
0x6b: {  	_ =	shalt  }
0x6c: {  	_ =	shalt  }
0x6d: {  	_ =	shalt  }
0x6e: {  	_ =	shalt  }
0x6f: {  	_ =	shalt  }
0x70: {  	_ =	shalt  }
0x71: {  	_ =	shalt  }
0x72: {  	_ =	shalt  }
0x73: {  	_ =	shalt  }
0x74: {  	_ =	shalt  }
0x75: {  	_ =	shalt  }
0x76: {  	_ =	shalt  }
0x77: {  	_ =	shalt  }
0x78: {  	_ =	shalt  }
0x79: {  	_ =	shalt  }
0x7a: {  	_ =	shalt  }
0x7b: {  	_ =	shalt  }
0x7c: {  	_ =	shalt  }
0x7d: {  	_ =	shalt  }
0x7e: {  	_ =	shalt  }
0x7f: {  	_ =	shalt  }
0x80: {  	_ =	shalt  }
0x81: {  	_ =	shalt  }
0x82: {  	_ =	shalt  }
0x83: {  	_ =	shalt  }
0x84: {  	_ =	shalt  }
0x85: {  	_ =	shalt  }
0x86: {  	_ =	shalt  }
0x87: {  	_ =	shalt  }
.Lfunc_end0:
.L_simem_size_0:
called_computation_lowered:
.L_overlay_start_0:
0x88: {  	s2 =	sld [smem:$0x3FD9]  }
0x89: {  	s3 =	sld [smem:$0x3FFE];
	_ =	sdelay $0x1  }
0x8a: {  	s1 =	srdreg.scid  }
0x8b: {  	s0 =	sand.u32 $0x1, s1  }
0x8c: {  	s17 =	sshll.u32 s0, $0xA;
	s2 =	sadd.s32 s3, s2  }
0x8d: {  	s2 =	sadd.s32 s2, s17  }
0x8e: {  	[smem:$0x3FBC] =	sst s2  }
0x8f: {  	_ = 	snop  }
0x90: {  	s2 =	sld [smem:$0x3FD0];
	(tm) =	ssettm $0x1  }
0x91: {  	s18 =	sld [smem:$0x3FFB];
	_ =	sdelay $0x3  }
0x92: {  	_ =	strace s18  }
0x93: {  	s3 =	sld [smem:$0x3FFC];
	_ =	sdelay $0x3  }
0x94: {  	_ =	strace s3  }
0x95: {  	s3 =	sld [smem:$0x3FFD];
	_ =	sdelay $0x3  }
0x96: {  	_ =	strace s3  }
0x97: {  	_ =	strace $0x8FFFFFFF  }
0x98: {  	s19 =	sld [smem:$0x3FDB];
	_ =	sdelay $0x1  }
0x99: {  	s4 =	simm.s32 $_scs_section_size  }
0x9a: {  	s5 =	simm.s32 $_size__tile_overlayer_lowered;
	s6 =	simm.s32 $_tile_overlayer_lowered  }
0x9b: {  	s22 =	simm.s32 $0x1BFF;
	s21 =	sshll.u32 s6, $0x1;
	s3 =	sadd.s32 s4, s19  }
0x9c: {  	s7 =	simm.s32 $0x0;
	s20 =	sshll.u32 s5, $0x1;
	s5 =	sadd.s32 s21, s3  }
0x9d: {  	[timem:s7], [sflag:s22] =	dma.local [hbm:s5], s20  }
0x9e: {  	_ =	swait.ge [sflag:s22], s20  }
0x9f: {  	s4 =	ssub.s32 $0x0, s20;
	[sflag:s22] =	ssyncset.done $0x0  }
0xa0: {  	[sflag:s22] =	ssyncadd.s32 s4;
	_ =	sdelay $0x1  }
0xa1: {  	s23 =	simm.s32 $0x1B8B  }
0xa2: {  	_ =	swait.ge [sflag:s23], $0x1  }
0xa3: {  	[sflag:s23] =	ssyncset.done $0x0  }
0xa4: {  	s25 =	simm.s32 $0x1B8E;
	s24 =	sld [smem:$0x3FFE];
	[sflag:s23] =	ssyncadd.s32 $0xFFFFFFFF  }
0xa5: {  	s26 =	simm.s32 $execute0_lowered;
	[smem:$0x3FD2] =	sst s25  }
0xa6: {  	s5 =	sshll.u32 s26, $0x1;
	_ =	strace $0x80000046;
	[dreg:$0x1] =	wrdreg $0xFFFFFFFF  }
0xa7: {  	s28 =	simm.s32 $_size_execute0_lowered;
	s3 =	sadd.s32 s3, s5;
	[dreg:$0x0] =	wrdreg $0x0  }
0xa8: {  	s5 =	sshll.u32 s28, $0x1;
	[dreg:$0x2] =	wrdreg s3  }
0xa9: {  	[dreg:$0x3] =	wrdreg s5  }
0xaa: {  	[dreg:$0x4] =	wrdreg $0xC0  }
0xab: {  	_ =	task [dreg:s7], $0x5FFFF  }
0xac: {  	[dreg:$0x1] =	wrdreg $0xFFFFFFFF  }
0xad: {  	[dreg:$0x0] =	wrdreg $0x60  }
0xae: {  	[dreg:$0x2] =	wrdreg s2  }
0xaf: {  	[dreg:$0x3] =	wrdreg s24  }
0xb0: {  	[dreg:$0x4] =	wrdreg $0x9  }
0xb1: {  	_ =	task.clear_ibuf [dreg:s7], $0x5FFFF;
	_ =	strace $0x90000046  }
0xb2: {  	s29 =	simm.s32 $0x9;
	_ =	strace $0x80000048  }
0xb3: {  	_ =	swait.ge [sflag:s29], $0x1  }
0xb4: {  	[sflag:s29] =	ssyncadd.s32 $0xFFFFFFFF  }
0xb5: {  	_ =	strace $0x90000048  }
0xb6: {  	_ =	sfence  }
0xb7: {  	s30 =	sld [smem:$0x0];
	_ =	sdelay $0x2  }
0xb8: {  	s31 =	sshll.u32 s1, $0xD;
	s1 =	sshrl.u32 s1, $0x2  }
0xb9: {  	s3 =	sand.u32 $0x4000, s31;
	s1 =	sadd.s32 s1, s30  }
0xba: {  	s0 =	sor.u32 s3, s0;
	s1 =	sshll.u32 s1, $0x11  }
0xbb: {  	s0 =	sor.u32 s1, s0  }
0xbc: {  	s0 =	sadd.s32 $0x8F2B, s0  }
0xbd: {  	[sflag:s0] =	ssyncadd.remote.s32 $0x1  }
0xbe: {  	_ =	sfence.sel $0xFFFF  }
0xbf: {  	[dreg:$0x0] =	wrdreg $0xFFFFFFFF;
	(pc) =	sbr.abs _section_cstart, $3  }
0xc0: {  	[dreg:$0x1] =	wrdreg $0xFFFFFFFF  }
0xc1: {  	_ =	task.clear_ibuf [dreg:s7], $0x2FFFF;
	_ =	strace $0x9FFFFFFF  }
0xc2: {  	(tm) =	ssettm $0x7FFFFFFF  }
0xc3: {  	_ =	shalt  }
tec
execute0_lowered:
.L_overlay_start_1:
0x0: {  	(tag) =	ssettag $0x1  }
0x1: {  	s0 =	rddreg [dreg:$0x0]  }
0x2: {  	s1 =	rddreg [dreg:$0x1];
	s3 =	simm.s32 $0x0  }
0x3: {  	s2 =	srdreg.scid;
	s5 =	stileid.u32;
	s21 =	simm.s32 $0x4  }
0x4: {  	s26 =	simm.s32 $0x11590;
	s28 =	simm.s32 $0x115E0;
	s29 =	simm.s32 $0x2000  }
0x5: {  	s30 =	simm.s32 $0x9A00;
	s31 =	simm.s32 $0x1;
	s20 =	simm.s32 $0x0  }
0x6: {  	[smem:$0x7FF] =	sst s3;
	s2 =	sand.u32 $0x1, s2;
	s4 =	sadd.s32 $0x600, s1  }
0x7: {  	s7 =	sshll.u32 s5, $0xA;
	s5 =	sadd.s32 $0x400, s1;
	s6 =	sadd.s32 $0xA00, s1  }
0x8: {  	s9 =	sadd.s32 $0x200, s1;
	s12 =	sadd.s32 $0xE00, s1;
	s8 =	sshll.u32 s2, $0x9  }
0x9: {  	_ =	strace $0x80000047;
	s2 =	ssub.s32 $0x2, s2;
	s10 =	sor.u32 s8, s7  }
0xa: {  	s7 =	sadd.s32 $0x800, s1;
	s8 =	sadd.s32 $0xC00, s1;
	s11 =	smul.u32 $0x1E8, s10  }
0xb: {  	s13 =	sshrl.u32 s2, $0x1;
	s14 =	smul.u32 $0x3D, s10;
	s10 =	sshll.u32 s10, $0x1  }
0xc: {  	s2 =	ssub.s32 s2, s13;
	s10 =	sadd.s32 s0, s10;
	s11 =	sshrl.u32 s11, $0x3  }
0xd: {  	s19 =	smax.u32 s2, $0x1;
	s0 =	simm.s32 $0x2;
	s18 =	sadd.s32 s12, s11  }
0xe: {  	s2 =	simm.s32 $0x3;
	s11 =	sadd.s32 s12, s14;
	s12 =	sadd.s32 $0xF40, s18  }
0xf: {  	v1 =	vlaneseq.u32;
	s13 =	sadd.s32 $0x1E80, s18;
	s14 =	sadd.s32 $0x2DC0, s18;
	s15 =	sadd.s32 $0x3D00, s18  }
0x10: {  	v0 =	vimm.f32 $0.0e+00;
	v1 =	vor.u32 $0x1E0, v1;
	s16 =	sadd.s32 $0x4C40, s18;
	s17 =	sadd.s32 $0x5B80, s18;
	s18 =	sadd.s32 $0x6AC0, s18  }
.LBB2_1:
0x11: {  	[tilespmem:s3], [sflag:$0x1] =	stream.linear.gather [hbm4b:s10+s3], $0x2000, $0x38;
	[tilespmem:$0x11630] =	vst v63  }
0x12: {  	s22 =	simm.s32 $0x11400  }
0x13: {  	[tilespmem:s22], [sflag:$0x4] =	stream.linear.gather [hbm4b:s4+s3], $0x50, $0x38;
	[tilespmem:$0x11630] =	vst v63  }
0x14: {  	_ =	swait.ge [sflag:s21], $0x50  }
0x15: {  	[sflag:s21] =	ssyncset.done $0x0  }
0x16: {  	s25 =	simm.s32 $0x11450;
	[sflag:s21] =	ssyncadd.s32 $0xFFFFFFB0  }
0x17: {  	[tilespmem:s25], [sflag:$0x4] =	stream.linear.gather [hbm4b:s5+s3], $0x50, $0x38;
	[tilespmem:$0x11630] =	vst v63  }
0x18: {  	_ =	swait.ge [sflag:s21], $0x50  }
0x19: {  	[sflag:s21] =	ssyncset.done $0x0  }
0x1a: {  	s23 =	simm.s32 $0x114A0;
	[sflag:s21] =	ssyncadd.s32 $0xFFFFFFB0  }
0x1b: {  	[tilespmem:s23], [sflag:$0x4] =	stream.linear.gather [hbm4b:s6+s3], $0x50, $0x38;
	[tilespmem:$0x11630] =	vst v63  }
0x1c: {  	_ =	swait.ge [sflag:s21], $0x50  }
0x1d: {  	[sflag:s21] =	ssyncset.done $0x0  }
0x1e: {  	s24 =	simm.s32 $0x114F0;
	[sflag:s21] =	ssyncadd.s32 $0xFFFFFFB0  }
0x1f: {  	[tilespmem:s24], [sflag:$0x4] =	stream.linear.gather [hbm4b:s7+s3], $0x50, $0x38;
	[tilespmem:$0x11630] =	vst v63  }
0x20: {  	_ =	swait.ge [sflag:s21], $0x50  }
0x21: {  	[sflag:s21] =	ssyncset.done $0x0  }
0x22: {  	s25 =	simm.s32 $0x11540;
	[sflag:s21] =	ssyncadd.s32 $0xFFFFFFB0  }
0x23: {  	[tilespmem:s25], [sflag:$0x4] =	stream.linear.gather [hbm4b:s8+s3], $0x50, $0x38;
	[tilespmem:$0x11630] =	vst v63  }
0x24: {  	_ =	swait.ge [sflag:s21], $0x50  }
0x25: {  	[sflag:s21] =	ssyncset.done $0x0  }
0x26: {  	[sflag:s21] =	ssyncadd.s32 $0xFFFFFFB0  }
0x27: {  	[tilespmem:s26], [sflag:$0x4] =	stream.linear.gather [hbm4b:s9+s3], $0x50, $0x38;
	[tilespmem:$0x11630] =	vst v63  }
0x28: {  	_ =	swait.ge [sflag:s21], $0x50  }
0x29: {  	[sflag:s21] =	ssyncset.done $0x0  }
0x2a: {  	[sflag:s21] =	ssyncadd.s32 $0xFFFFFFB0  }
0x2b: {  	[tilespmem:s28], [sflag:$0x4] =	stream.linear.gather [hbm4b:s1+s3], $0x50, $0x38;
	[tilespmem:$0x11630] =	vst v63  }
0x2c: {  	_ =	swait.ge [sflag:s21], $0x50  }
0x2d: {  	[sflag:s21] =	ssyncset.done $0x0  }
0x2e: {  	s22 =	simm.s32 $0x20F0;
	[sflag:s21] =	ssyncadd.s32 $0xFFFFFFB0  }
0x2f: {  	[tilespmem:s22+$0xFFFFFF20] =	vst v0  }
0x30: {  	[tilespmem:s22+$0xFFFFFF30] =	vst v0  }
0x31: {  	[tilespmem:s22+$0xFFFFFF40] =	vst v0  }
0x32: {  	[tilespmem:s22+$0xFFFFFF50] =	vst v0  }
0x33: {  	[tilespmem:s22+$0xFFFFFF60] =	vst v0  }
0x34: {  	[tilespmem:s22+$0xFFFFFF70] =	vst v0  }
0x35: {  	[tilespmem:s22+$0xFFFFFF80] =	vst v0  }
0x36: {  	[tilespmem:s22+$0xFFFFFF90] =	vst v0  }
0x37: {  	[tilespmem:s22+$0xFFFFFFA0] =	vst v0  }
0x38: {  	[tilespmem:s22+$0xFFFFFFB0] =	vst v0  }
0x39: {  	[tilespmem:s22+$0xFFFFFFC0] =	vst v0  }
0x3a: {  	[tilespmem:s22+$0xFFFFFFD0] =	vst v0  }
0x3b: {  	[tilespmem:s22+$0xFFFFFFE0] =	vst v0  }
0x3c: {  	[tilespmem:s22+$0xFFFFFFF0] =	vst v0  }
0x3d: {  	[tilespmem:s22+$0x0] =	vst v0  }
0x3e: {  	[tilespmem:s22+$0x10] =	vst v0  }
0x3f: {  	[tilespmem:s22+$0x20] =	vst v0  }
0x40: {  	[tilespmem:s22+$0x30] =	vst v0  }
0x41: {  	[tilespmem:s22+$0x40] =	vst v0  }
0x42: {  	[tilespmem:s22+$0x50] =	vst v0  }
0x43: {  	v2 =	vmov s3;
	s23 =	simm.s32 $0x1;
	[tilespmem:s22+$0x60] =	vst v0  }
.LBB2_2:
0x44: {  	p0 =	sne.s32 s23, $0x3F;
	[tilespmem:s22+$0x70] =	vst v0;
	v2 =	vmul.u32 $0x1E8, v2  }
0x45: {  	[tilespmem:s22+$0x80] =	vst v0  }
0x46: {  	[tilespmem:s22+$0x90] =	vst v0;
	v2 =	vbroadcast v2, $0x0  }
0x47: {  	[tilespmem:s22+$0xA0] =	vst v0  }
0x48: {  	[tilespmem:s22+$0xB0] =	vst v0;
	v2 =	vadd.s32 v1, v2  }
0x49: {  	[tilespmem:s22+$0xC0] =	vst v0  }
0x4a: {  	[tilespmem:s22+$0xD0] =	vst v0  }
0x4b: {  	[tilespmem:s22+$0xE0] =	vst v0  }
0x4c: {  	[tilespmem:s22+$0xFFFFFF10] =	vst v0  }
0x4d: {  	s22 =	sadd.s32 $0x1E8, s22;
	[tilespmem:v2+s29+$0x0] =	vst.idx.msk $0x3f, v0  }
0x4e: {  	[tilespmem:s22+$0xFFFFFF20] =	vst v0  }
0x4f: {  	[tilespmem:s22+$0xFFFFFF30] =	vst v0  }
0x50: {  	[tilespmem:s22+$0xFFFFFF40] =	vst v0  }
0x51: {  	[tilespmem:s22+$0xFFFFFF50] =	vst v0  }
0x52: {  	[tilespmem:s22+$0xFFFFFF60] =	vst v0  }
0x53: {  	[tilespmem:s22+$0xFFFFFF70] =	vst v0  }
0x54: {  	[tilespmem:s22+$0xFFFFFF80] =	vst v0  }
0x55: {  	[tilespmem:s22+$0xFFFFFF90] =	vst v0  }
0x56: {  	[tilespmem:s22+$0xFFFFFFA0] =	vst v0  }
0x57: {  	[tilespmem:s22+$0xFFFFFFB0] =	vst v0  }
0x58: {  	[tilespmem:s22+$0xFFFFFFC0] =	vst v0  }
0x59: {  	[tilespmem:s22+$0xFFFFFFD0] =	vst v0  }
0x5a: {  	[tilespmem:s22+$0xFFFFFFE0] =	vst v0  }
0x5b: {  	[tilespmem:s22+$0xFFFFFFF0] =	vst v0  }
0x5c: {  	[tilespmem:s22+$0x0] =	vst v0  }
0x5d: {  	[tilespmem:s22+$0x10] =	vst v0  }
.Ltmp0:
0x5e: {  	[tilespmem:s22+$0x20] =	vst v0;
	(pc) =	sbr.rel @p0 .LBB2_2-.Ltmp0, $4  }
0x5f: {  	[tilespmem:s22+$0x30] =	vst v0  }
0x60: {  	[tilespmem:s22+$0x40] =	vst v0  }
0x61: {  	[tilespmem:s22+$0x50] =	vst v0  }
0x62: {  	v2 =	vmov s23;
	s23 =	sadd.s32 $0x1, s23;
	[tilespmem:s22+$0x60] =	vst v0  }
0x63: {  	[tilespmem:s22+$0x70] =	vst v0;
	v2 =	vmul.u32 $0x1E8, v2  }
0x64: {  	[tilespmem:s22+$0x80] =	vst v0  }
0x65: {  	[tilespmem:s22+$0x90] =	vst v0;
	v2 =	vbroadcast v2, $0x0  }
0x66: {  	[tilespmem:s22+$0xA0] =	vst v0  }
0x67: {  	[tilespmem:s22+$0xB0] =	vst v0;
	v2 =	vadd.s32 v1, v2  }
0x68: {  	[tilespmem:s22+$0xC0] =	vst v0  }
0x69: {  	[tilespmem:s22+$0xD0] =	vst v0  }
0x6a: {  	[tilespmem:s22+$0xE0] =	vst v0  }
0x6b: {  	[tilespmem:s22+$0xFFFFFF10] =	vst v0  }
0x6c: {  	s22 =	simm.s32 $0x9AF0;
	[tilespmem:v2+s29+$0x0] =	vst.idx.msk $0x3f, v0  }
0x6d: {  	[tilespmem:s22+$0xFFFFFF20] =	vst v0  }
0x6e: {  	[tilespmem:s22+$0xFFFFFF30] =	vst v0  }
0x6f: {  	[tilespmem:s22+$0xFFFFFF40] =	vst v0  }
0x70: {  	[tilespmem:s22+$0xFFFFFF50] =	vst v0  }
0x71: {  	[tilespmem:s22+$0xFFFFFF60] =	vst v0  }
0x72: {  	[tilespmem:s22+$0xFFFFFF70] =	vst v0  }
0x73: {  	[tilespmem:s22+$0xFFFFFF80] =	vst v0  }
0x74: {  	[tilespmem:s22+$0xFFFFFF90] =	vst v0  }
0x75: {  	[tilespmem:s22+$0xFFFFFFA0] =	vst v0  }
0x76: {  	[tilespmem:s22+$0xFFFFFFB0] =	vst v0  }
0x77: {  	[tilespmem:s22+$0xFFFFFFC0] =	vst v0  }
0x78: {  	[tilespmem:s22+$0xFFFFFFD0] =	vst v0  }
0x79: {  	[tilespmem:s22+$0xFFFFFFE0] =	vst v0  }
0x7a: {  	[tilespmem:s22+$0xFFFFFFF0] =	vst v0  }
0x7b: {  	[tilespmem:s22+$0x0] =	vst v0  }
0x7c: {  	[tilespmem:s22+$0x10] =	vst v0  }
0x7d: {  	[tilespmem:s22+$0x20] =	vst v0  }
0x7e: {  	[tilespmem:s22+$0x30] =	vst v0  }
0x7f: {  	[tilespmem:s22+$0x40] =	vst v0  }
0x80: {  	s23 =	simm.s32 $0x0;
	[tilespmem:s22+$0x50] =	vst v0  }
0x81: {  	v2 =	vmov s23;
	s23 =	simm.s32 $0x1;
	[tilespmem:s22+$0x60] =	vst v0  }
.LBB2_4:
0x82: {  	p0 =	sne.s32 s23, $0x3F;
	[tilespmem:s22+$0x70] =	vst v0;
	v2 =	vmul.u32 $0x1E8, v2  }
0x83: {  	[tilespmem:s22+$0x80] =	vst v0  }
0x84: {  	[tilespmem:s22+$0x90] =	vst v0;
	v2 =	vbroadcast v2, $0x0  }
0x85: {  	[tilespmem:s22+$0xA0] =	vst v0  }
0x86: {  	[tilespmem:s22+$0xB0] =	vst v0;
	v2 =	vadd.s32 v1, v2  }
0x87: {  	[tilespmem:s22+$0xC0] =	vst v0  }
0x88: {  	[tilespmem:s22+$0xD0] =	vst v0  }
0x89: {  	[tilespmem:s22+$0xE0] =	vst v0  }
0x8a: {  	[tilespmem:s22+$0xFFFFFF10] =	vst v0  }
0x8b: {  	s22 =	sadd.s32 $0x1E8, s22;
	[tilespmem:v2+s30+$0x0] =	vst.idx.msk $0x3f, v0  }
0x8c: {  	[tilespmem:s22+$0xFFFFFF20] =	vst v0  }
0x8d: {  	[tilespmem:s22+$0xFFFFFF30] =	vst v0  }
0x8e: {  	[tilespmem:s22+$0xFFFFFF40] =	vst v0  }
0x8f: {  	[tilespmem:s22+$0xFFFFFF50] =	vst v0  }
0x90: {  	[tilespmem:s22+$0xFFFFFF60] =	vst v0  }
0x91: {  	[tilespmem:s22+$0xFFFFFF70] =	vst v0  }
0x92: {  	[tilespmem:s22+$0xFFFFFF80] =	vst v0  }
0x93: {  	[tilespmem:s22+$0xFFFFFF90] =	vst v0  }
0x94: {  	[tilespmem:s22+$0xFFFFFFA0] =	vst v0  }
0x95: {  	[tilespmem:s22+$0xFFFFFFB0] =	vst v0  }
0x96: {  	[tilespmem:s22+$0xFFFFFFC0] =	vst v0  }
0x97: {  	[tilespmem:s22+$0xFFFFFFD0] =	vst v0  }
0x98: {  	[tilespmem:s22+$0xFFFFFFE0] =	vst v0  }
0x99: {  	[tilespmem:s22+$0xFFFFFFF0] =	vst v0  }
0x9a: {  	[tilespmem:s22+$0x0] =	vst v0  }
0x9b: {  	[tilespmem:s22+$0x10] =	vst v0  }
.Ltmp1:
0x9c: {  	[tilespmem:s22+$0x20] =	vst v0;
	(pc) =	sbr.rel @p0 .LBB2_4-.Ltmp1, $4  }
0x9d: {  	[tilespmem:s22+$0x30] =	vst v0  }
0x9e: {  	[tilespmem:s22+$0x40] =	vst v0  }
0x9f: {  	[tilespmem:s22+$0x50] =	vst v0  }
0xa0: {  	v2 =	vmov s23;
	s23 =	sadd.s32 $0x1, s23;
	[tilespmem:s22+$0x60] =	vst v0  }
0xa1: {  	[tilespmem:s22+$0x70] =	vst v0;
	v2 =	vmul.u32 $0x1E8, v2  }
0xa2: {  	[tilespmem:s22+$0x80] =	vst v0  }
0xa3: {  	[tilespmem:s22+$0x90] =	vst v0;
	v2 =	vbroadcast v2, $0x0  }
0xa4: {  	[tilespmem:s22+$0xA0] =	vst v0  }
0xa5: {  	[tilespmem:s22+$0xB0] =	vst v0;
	v2 =	vadd.s32 v1, v2  }
0xa6: {  	[tilespmem:s22+$0xC0] =	vst v0  }
0xa7: {  	[tilespmem:s22+$0xD0] =	vst v0  }
0xa8: {  	[tilespmem:s22+$0xE0] =	vst v0  }
0xa9: {  	[tilespmem:s22+$0xFFFFFF10] =	vst v0  }
0xaa: {  	[tilespmem:v2+s30+$0x0] =	vst.idx.msk $0x3f, v0  }
0xab: {  	v25 =	vld [tilespmem:$0x11400]  }
0xac: {  	v19 =	vld [tilespmem:$0x11410]  }
0xad: {  	v13 =	vld [tilespmem:$0x11420]  }
0xae: {  	v6 =	vld [tilespmem:$0x11430]  }
0xaf: {  	v2 =	vld [tilespmem:$0x11440]  }
0xb0: {  	v27 =	vld [tilespmem:$0x11450]  }
0xb1: {  	v20 =	vld [tilespmem:$0x11460]  }
0xb2: {  	v14 =	vld [tilespmem:$0x11470]  }
0xb3: {  	v8 =	vld [tilespmem:$0x11480]  }
0xb4: {  	v3 =	vld [tilespmem:$0x11490]  }
0xb5: {  	v26 =	vld [tilespmem:$0x114A0]  }
0xb6: {  	v21 =	vld [tilespmem:$0x114B0]  }
0xb7: {  	v15 =	vld [tilespmem:$0x114C0]  }
0xb8: {  	v9 =	vld [tilespmem:$0x114D0]  }
0xb9: {  	v4 =	vld [tilespmem:$0x114E0]  }
0xba: {  	v28 =	vld [tilespmem:$0x114F0]  }
0xbb: {  	v22 =	vld [tilespmem:$0x11500]  }
0xbc: {  	v16 =	vld [tilespmem:$0x11510]  }
0xbd: {  	v10 =	vld [tilespmem:$0x11520]  }
0xbe: {  	v5 =	vld [tilespmem:$0x11530]  }
0xbf: {  	v29 =	vld [tilespmem:$0x11540]  }
0xc0: {  	v23 =	vld [tilespmem:$0x11550]  }
0xc1: {  	v17 =	vld [tilespmem:$0x11560]  }
0xc2: {  	v11 =	vld [tilespmem:$0x11570]  }
0xc3: {  	v7 =	vld [tilespmem:$0x11580]  }
0xc4: {  	v31 =	vld [tilespmem:$0x11590]  }
0xc5: {  	v30 =	vld [tilespmem:$0x115A0]  }
0xc6: {  	v24 =	vld [tilespmem:$0x115B0]  }
0xc7: {  	v18 =	vld [tilespmem:$0x115C0]  }
0xc8: {  	s25 =	simm.s32 $0x0;
	v12 =	vld [tilespmem:$0x115D0]  }
0xc9: {  	v34 =	vmov s25;
	v32 =	vld [tilespmem:$0x115E0]  }
0xca: {  	v36 =	vshll.u32 v34, $0x4;
	v33 =	vld [tilespmem:$0x115F0]  }
0xcb: {  	v35 =	vld [tilespmem:$0x11600];
	v38 =	vadd.s32 v25, v36  }
0xcc: {  	v37 =	vld [tilespmem:$0x11610];
	v40 =	vadd.s32 v27, v36  }
0xcd: {  	v39 =	vld [tilespmem:$0x11620];
	_ =	swait.ge [sflag:s31], $0x2000  }
0xce: {  	[sflag:s31] =	ssyncset.done $0x0  }
0xcf: {  	[sflag:s31] =	ssyncadd.s32 $0xFFFFE000  }
0xd0: {  	v38 =	vld.idx.msk [tilespmem:v38+s3+$0x0], $0xffff  }
0xd1: {  	v40 =	vld.idx.msk [tilespmem:v40+s3+$0x0], $0xffff;
	_ =	sdelay $0x3  }
0xd2: {  	v34 =	vmul.u32 $0x1E8, v34  }
0xd3: {  	vm0 =	vne.s32 v32, $0x0;
	v48 =	vmul.f32 v38, v26;
	v49 =	vmul.f32 v40, v28  }
0xd4: {  	v50 =	vadd.s32 v31, v34  }
0xd5: {  	v51 =	vadd.s32 v19, v36;
	v32 =	vadd.f32 v49, v48  }
0xd6: {  	v41 =	vadd.s32 v20, v36  }
0xd7: {  	v32 =	vadd.f32 v32, v29;
	_ =	sdelay $0x1  }
0xd8: {  	[tilespmem:v50+s29+$0x0] =	vst.idx.msk vm0, v32  }
0xd9: {  	v32 =	vld.idx.msk [tilespmem:v51+s3+$0x0], $0xffff  }
0xda: {  	v52 =	vld.idx.msk [tilespmem:v41+s3+$0x0], $0xffff;
	_ =	sdelay $0x4  }
0xdb: {  	vm1 =	vne.s32 v33, $0x0;
	v32 =	vmul.f32 v32, v21;
	v53 =	vmul.f32 v52, v22  }
0xdc: {  	v54 =	vadd.s32 v30, v34  }
0xdd: {  	v55 =	vadd.s32 v13, v36;
	v32 =	vadd.f32 v53, v32  }
0xde: {  	v56 =	vadd.s32 v14, v36  }
0xdf: {  	v32 =	vadd.f32 v32, v23;
	_ =	sdelay $0x1  }
0xe0: {  	[tilespmem:v54+s29+$0x0] =	vst.idx.msk vm1, v32  }
0xe1: {  	v32 =	vld.idx.msk [tilespmem:v55+s3+$0x0], $0xffff  }
0xe2: {  	v57 =	vld.idx.msk [tilespmem:v56+s3+$0x0], $0xffff;
	_ =	sdelay $0x4  }
0xe3: {  	vm2 =	vne.s32 v35, $0x0;
	v32 =	vmul.f32 v32, v15;
	v33 =	vmul.f32 v57, v16  }
0xe4: {  	v58 =	vadd.s32 v24, v34  }
0xe5: {  	v59 =	vadd.s32 v6, v36;
	v32 =	vadd.f32 v33, v32  }
0xe6: {  	v60 =	vadd.s32 v8, v36  }
0xe7: {  	v32 =	vadd.f32 v32, v17;
	_ =	sdelay $0x1  }
0xe8: {  	[tilespmem:v58+s29+$0x0] =	vst.idx.msk vm2, v32  }
0xe9: {  	v32 =	vld.idx.msk [tilespmem:v59+s3+$0x0], $0xffff  }
0xea: {  	v61 =	vld.idx.msk [tilespmem:v60+s3+$0x0], $0xffff;
	_ =	sdelay $0x4  }
0xeb: {  	vm3 =	vne.s32 v37, $0x0;
	v32 =	vmul.f32 v32, v9;
	v33 =	vmul.f32 v61, v10  }
0xec: {  	v62 =	vadd.s32 v18, v34  }
0xed: {  	v63 =	vadd.s32 v2, v36;
	v32 =	vadd.f32 v33, v32  }
0xee: {  	v36 =	vadd.s32 v3, v36  }
0xef: {  	v32 =	vadd.f32 v32, v11;
	_ =	sdelay $0x1  }
0xf0: {  	[tilespmem:v62+s29+$0x0] =	vst.idx.msk vm3, v32  }
0xf1: {  	v32 =	vld.idx.msk [tilespmem:v63+s3+$0x0], $0xffff  }
0xf2: {  	v35 =	vld.idx.msk [tilespmem:v36+s3+$0x0], $0xffff;
	_ =	sdelay $0x3  }
0xf3: {  	s23 =	simm.s32 $0x1;
	vm4 =	vne.s32 v39, $0x0;
	v33 =	vadd.s32 v12, v34  }
0xf4: {  	s22 =	simm.s32 $0x2;
	v34 =	vmul.f32 v32, v4;
	v32 =	vmov s23;
	v35 =	vmul.f32 v35, v5  }
.LBB2_6:
0xf5: {  	p0 =	sne.s32 s22, $0x3F;
	v36 =	vshll.u32 v32, $0x4;
	s23 =	smov.u32 s22;
	s22 =	sadd.s32 $0x1, s22  }
0xf6: {  	v37 =	vadd.s32 v25, v36;
	v38 =	vadd.s32 v27, v36;
	v34 =	vadd.f32 v35, v34;
	_ =	sdelay $0x1  }
0xf7: {  	v34 =	vadd.f32 v34, v7;
	_ =	sdelay $0x1  }
0xf8: {  	[tilespmem:v33+s29+$0x0] =	vst.idx.msk vm4, v34  }
0xf9: {  	v33 =	vld.idx.msk [tilespmem:v37+s3+$0x0], $0xffff  }
0xfa: {  	v34 =	vld.idx.msk [tilespmem:v38+s3+$0x0], $0xffff;
	_ =	sdelay $0x3  }
0xfb: {  	v32 =	vmul.u32 $0x1E8, v32  }
0xfc: {  	v33 =	vmul.f32 v33, v26  }
0xfd: {  	v35 =	vadd.s32 v31, v32;
	v34 =	vmul.f32 v34, v28;
	_ =	sdelay $0x1  }
0xfe: {  	v37 =	vadd.s32 v20, v36;
	v33 =	vadd.f32 v34, v33;
	v34 =	vadd.s32 v19, v36;
	_ =	sdelay $0x1  }
0xff: {  	v33 =	vadd.f32 v33, v29;
	_ =	sdelay $0x1  }
0x100: {  	[tilespmem:v35+s29+$0x0] =	vst.idx.msk vm0, v33  }
0x101: {  	v33 =	vld.idx.msk [tilespmem:v34+s3+$0x0], $0xffff  }
0x102: {  	v34 =	vld.idx.msk [tilespmem:v37+s3+$0x0], $0xffff;
	_ =	sdelay $0x4  }
0x103: {  	v35 =	vadd.s32 v30, v32;
	v33 =	vmul.f32 v33, v21  }
0x104: {  	v34 =	vmul.f32 v34, v22;
	_ =	sdelay $0x1  }
0x105: {  	v37 =	vadd.s32 v14, v36;
	v33 =	vadd.f32 v34, v33;
	v34 =	vadd.s32 v13, v36;
	_ =	sdelay $0x1  }
0x106: {  	v33 =	vadd.f32 v33, v23;
	_ =	sdelay $0x1  }
0x107: {  	[tilespmem:v35+s29+$0x0] =	vst.idx.msk vm1, v33  }
0x108: {  	v33 =	vld.idx.msk [tilespmem:v34+s3+$0x0], $0xffff  }
0x109: {  	v34 =	vld.idx.msk [tilespmem:v37+s3+$0x0], $0xffff;
	_ =	sdelay $0x3  }
0x10a: {  	v35 =	vadd.s32 v24, v32  }
0x10b: {  	v33 =	vmul.f32 v33, v15  }
0x10c: {  	v34 =	vmul.f32 v34, v16;
	_ =	sdelay $0x1  }
0x10d: {  	v37 =	vadd.s32 v8, v36;
	v33 =	vadd.f32 v34, v33;
	v34 =	vadd.s32 v6, v36;
	_ =	sdelay $0x1  }
0x10e: {  	v33 =	vadd.f32 v33, v17;
	_ =	sdelay $0x1  }
0x10f: {  	[tilespmem:v35+s29+$0x0] =	vst.idx.msk vm2, v33  }
0x110: {  	v33 =	vld.idx.msk [tilespmem:v34+s3+$0x0], $0xffff  }
0x111: {  	v34 =	vld.idx.msk [tilespmem:v37+s3+$0x0], $0xffff;
	_ =	sdelay $0x2  }
0x112: {  	v35 =	vadd.s32 v18, v32;
	_ =	sdelay $0x1  }
0x113: {  	v33 =	vmul.f32 v33, v9  }
0x114: {  	v34 =	vmul.f32 v34, v10;
	_ =	sdelay $0x1  }
0x115: {  	v33 =	vadd.f32 v34, v33;
	v34 =	vadd.s32 v2, v36;
	v36 =	vadd.s32 v3, v36;
	_ =	sdelay $0x1  }
0x116: {  	v33 =	vadd.f32 v33, v11;
	_ =	sdelay $0x1  }
0x117: {  	[tilespmem:v35+s29+$0x0] =	vst.idx.msk vm3, v33  }
0x118: {  	v34 =	vld.idx.msk [tilespmem:v34+s3+$0x0], $0xffff  }
0x119: {  	v35 =	vld.idx.msk [tilespmem:v36+s3+$0x0], $0xffff;
	_ =	sdelay $0x1  }
.Ltmp2:
0x11a: {  	v33 =	vadd.s32 v12, v32;
	(pc) =	sbr.rel @p0 .LBB2_6-.Ltmp2, $3  }
0x11b: {  	_ =	sdelay $0x1  }
0x11c: {  	v34 =	vmul.f32 v34, v4  }
0x11d: {  	v32 =	vmov s23;
	v35 =	vmul.f32 v35, v5  }
0x11e: {  	v36 =	vshll.u32 v32, $0x4  }
0x11f: {  	v37 =	vadd.s32 v25, v36;
	v34 =	vadd.f32 v35, v34  }
0x120: {  	v53 =	vadd.s32 v27, v36  }
0x121: {  	v34 =	vadd.f32 v34, v7;
	_ =	sdelay $0x1  }
0x122: {  	[tilespmem:v33+s29+$0x0] =	vst.idx.msk vm4, v34  }
0x123: {  	v33 =	vld.idx.msk [tilespmem:v37+s3+$0x0], $0xffff  }
0x124: {  	v34 =	vld.idx.msk [tilespmem:v53+s3+$0x0], $0xffff;
	_ =	sdelay $0x3  }
0x125: {  	v54 =	vmul.u32 $0x1E8, v32  }
0x126: {  	v33 =	vmul.f32 v33, v26;
	v34 =	vmul.f32 v34, v28  }
0x127: {  	v55 =	vadd.s32 v31, v54  }
0x128: {  	v56 =	vadd.s32 v19, v36;
	v33 =	vadd.f32 v34, v33  }
0x129: {  	v57 =	vadd.s32 v20, v36  }
0x12a: {  	v33 =	vadd.f32 v33, v29;
	_ =	sdelay $0x1  }
0x12b: {  	[tilespmem:v55+s29+$0x0] =	vst.idx.msk vm0, v33  }
0x12c: {  	v33 =	vld.idx.msk [tilespmem:v56+s3+$0x0], $0xffff  }
0x12d: {  	v58 =	vld.idx.msk [tilespmem:v57+s3+$0x0], $0xffff;
	_ =	sdelay $0x4  }
0x12e: {  	v33 =	vmul.f32 v33, v21;
	v34 =	vmul.f32 v58, v22  }
0x12f: {  	v59 =	vadd.s32 v30, v54  }
0x130: {  	v60 =	vadd.s32 v13, v36;
	v33 =	vadd.f32 v34, v33  }
0x131: {  	v61 =	vadd.s32 v14, v36  }
0x132: {  	v33 =	vadd.f32 v33, v23;
	_ =	sdelay $0x1  }
0x133: {  	[tilespmem:v59+s29+$0x0] =	vst.idx.msk vm1, v33  }
0x134: {  	v33 =	vld.idx.msk [tilespmem:v60+s3+$0x0], $0xffff  }
0x135: {  	v62 =	vld.idx.msk [tilespmem:v61+s3+$0x0], $0xffff;
	_ =	sdelay $0x4  }
0x136: {  	v33 =	vmul.f32 v33, v15;
	v34 =	vmul.f32 v62, v16  }
0x137: {  	v63 =	vadd.s32 v24, v54  }
0x138: {  	v40 =	vadd.s32 v6, v36;
	v33 =	vadd.f32 v34, v33  }
0x139: {  	v41 =	vadd.s32 v8, v36  }
0x13a: {  	v33 =	vadd.f32 v33, v17;
	_ =	sdelay $0x1  }
0x13b: {  	[tilespmem:v63+s29+$0x0] =	vst.idx.msk vm2, v33  }
0x13c: {  	v33 =	vld.idx.msk [tilespmem:v40+s3+$0x0], $0xffff  }
0x13d: {  	v42 =	vld.idx.msk [tilespmem:v41+s3+$0x0], $0xffff;
	_ =	sdelay $0x4  }
0x13e: {  	v33 =	vmul.f32 v33, v9;
	v34 =	vmul.f32 v42, v10  }
0x13f: {  	v43 =	vadd.s32 v18, v54  }
0x140: {  	v44 =	vadd.s32 v2, v36;
	v33 =	vadd.f32 v34, v33  }
0x141: {  	v36 =	vadd.s32 v3, v36  }
0x142: {  	v33 =	vadd.f32 v33, v11;
	_ =	sdelay $0x1  }
0x143: {  	[tilespmem:v43+s29+$0x0] =	vst.idx.msk vm3, v33  }
0x144: {  	v33 =	vld.idx.msk [tilespmem:v44+s3+$0x0], $0xffff  }
0x145: {  	v45 =	vld.idx.msk [tilespmem:v36+s3+$0x0], $0xffff;
	_ =	sdelay $0x4  }
0x146: {  	v33 =	vmul.f32 v33, v4;
	v34 =	vmul.f32 v45, v5  }
0x147: {  	v32 =	vadd.s32 v12, v54  }
0x148: {  	s22 =	simm.s32 $0x400;
	v33 =	vadd.f32 v34, v33  }
0x149: {  	v46 =	vadd.s32 s22, v25  }
0x14a: {  	v47 =	vadd.s32 s22, v27;
	v33 =	vadd.f32 v33, v7;
	_ =	sdelay $0x1  }
0x14b: {  	s23 =	simm.s32 $0x0;
	[tilespmem:v32+s29+$0x0] =	vst.idx.msk vm4, v33  }
0x14c: {  	[hbm4b:s11+s23] =	stream.linear.scatter [tilespmem:s29], [sflag:$0x2], $0x7A00, $0x38;
	[tilespmem:$0x11630] =	vst v63  }
0x14d: {  	v32 =	vld.idx.msk [tilespmem:v46+s3+$0x0], $0xffff  }
0x14e: {  	v33 =	vld.idx.msk [tilespmem:v47+s3+$0x0], $0xffff  }
0x14f: {  	v48 =	vmov s23  }
0x150: {  	v34 =	vmul.u32 $0x1E8, v48;
	_ =	sdelay $0x1  }
0x151: {  	v34 =	vbroadcast v34, $0x0  }
0x152: {  	v32 =	vmul.f32 v32, v26;
	v33 =	vmul.f32 v33, v28  }
0x153: {  	v49 =	vadd.s32 v31, v34  }
0x154: {  	v50 =	vadd.s32 s22, v19;
	v32 =	vadd.f32 v33, v32  }
0x155: {  	v51 =	vadd.s32 s22, v20  }
0x156: {  	v32 =	vadd.f32 v32, v29;
	_ =	sdelay $0x1  }
0x157: {  	[tilespmem:v49+s30+$0x0] =	vst.idx.msk vm0, v32  }
0x158: {  	v32 =	vld.idx.msk [tilespmem:v50+s3+$0x0], $0xffff  }
0x159: {  	v52 =	vld.idx.msk [tilespmem:v51+s3+$0x0], $0xffff;
	_ =	sdelay $0x4  }
0x15a: {  	v32 =	vmul.f32 v32, v21;
	v33 =	vmul.f32 v52, v22  }
0x15b: {  	v53 =	vadd.s32 v30, v34  }
0x15c: {  	v54 =	vadd.s32 s22, v13;
	v32 =	vadd.f32 v33, v32  }
0x15d: {  	v55 =	vadd.s32 s22, v14  }
0x15e: {  	v32 =	vadd.f32 v32, v23;
	_ =	sdelay $0x1  }
0x15f: {  	[tilespmem:v53+s30+$0x0] =	vst.idx.msk vm1, v32  }
0x160: {  	v32 =	vld.idx.msk [tilespmem:v54+s3+$0x0], $0xffff  }
0x161: {  	v56 =	vld.idx.msk [tilespmem:v55+s3+$0x0], $0xffff;
	_ =	sdelay $0x4  }
0x162: {  	v32 =	vmul.f32 v32, v15;
	v33 =	vmul.f32 v56, v16  }
0x163: {  	v57 =	vadd.s32 v24, v34  }
0x164: {  	v58 =	vadd.s32 s22, v6;
	v32 =	vadd.f32 v33, v32  }
0x165: {  	v59 =	vadd.s32 s22, v8  }
0x166: {  	v32 =	vadd.f32 v32, v17;
	_ =	sdelay $0x1  }
0x167: {  	[tilespmem:v57+s30+$0x0] =	vst.idx.msk vm2, v32  }
0x168: {  	v32 =	vld.idx.msk [tilespmem:v58+s3+$0x0], $0xffff  }
0x169: {  	v60 =	vld.idx.msk [tilespmem:v59+s3+$0x0], $0xffff;
	_ =	sdelay $0x4  }
0x16a: {  	v32 =	vmul.f32 v32, v9;
	v33 =	vmul.f32 v60, v10  }
0x16b: {  	v61 =	vadd.s32 v18, v34  }
0x16c: {  	v62 =	vadd.s32 s22, v2;
	v32 =	vadd.f32 v33, v32  }
0x16d: {  	v63 =	vadd.s32 s22, v3  }
0x16e: {  	v32 =	vadd.f32 v32, v11;
	_ =	sdelay $0x1  }
0x16f: {  	[tilespmem:v61+s30+$0x0] =	vst.idx.msk vm3, v32  }
0x170: {  	v33 =	vld.idx.msk [tilespmem:v62+s3+$0x0], $0xffff  }
0x171: {  	v35 =	vld.idx.msk [tilespmem:v63+s3+$0x0], $0xffff;
	_ =	sdelay $0x4  }
0x172: {  	s24 =	simm.s32 $0x10;
	s22 =	simm.s32 $0x1;
	s23 =	simm.s32 $0x2;
	v32 =	vadd.s32 v12, v34;
	v33 =	vmul.f32 v33, v4;
	v34 =	vmul.f32 v35, v5  }
.LBB2_8:
0x173: {  	p0 =	sne.s32 s23, $0x3F  }
0x174: {  	s24 =	sadd.s32 $0x400, s24;
	s25 =	smov.u32 s23;
	s23 =	sadd.s32 $0x1, s23  }
0x175: {  	v35 =	vadd.s32 s24, v25;
	v36 =	vadd.s32 s24, v27;
	v33 =	vadd.f32 v34, v33;
	_ =	sdelay $0x1  }
0x176: {  	v33 =	vadd.f32 v33, v7;
	_ =	sdelay $0x1  }
0x177: {  	[tilespmem:v32+s30+$0x0] =	vst.idx.msk vm4, v33  }
0x178: {  	v32 =	vld.idx.msk [tilespmem:v35+s3+$0x0], $0xffff  }
0x179: {  	v33 =	vld.idx.msk [tilespmem:v36+s3+$0x0], $0xffff  }
0x17a: {  	v34 =	vmov s22;
	s22 =	smov.u32 s25  }
0x17b: {  	v34 =	vmul.u32 $0x1E8, v34;
	_ =	sdelay $0x1  }
0x17c: {  	v34 =	vbroadcast v34, $0x0  }
0x17d: {  	v32 =	vmul.f32 v32, v26  }
0x17e: {  	v35 =	vadd.s32 v31, v34;
	v33 =	vmul.f32 v33, v28;
	_ =	sdelay $0x1  }
0x17f: {  	v36 =	vadd.s32 s24, v20;
	v32 =	vadd.f32 v33, v32;
	v33 =	vadd.s32 s24, v19;
	_ =	sdelay $0x1  }
0x180: {  	v32 =	vadd.f32 v32, v29;
	_ =	sdelay $0x1  }
0x181: {  	[tilespmem:v35+s30+$0x0] =	vst.idx.msk vm0, v32  }
0x182: {  	v32 =	vld.idx.msk [tilespmem:v33+s3+$0x0], $0xffff  }
0x183: {  	v33 =	vld.idx.msk [tilespmem:v36+s3+$0x0], $0xffff;
	_ =	sdelay $0x4  }
0x184: {  	v35 =	vadd.s32 v30, v34;
	v32 =	vmul.f32 v32, v21  }
0x185: {  	v33 =	vmul.f32 v33, v22;
	_ =	sdelay $0x1  }
0x186: {  	v36 =	vadd.s32 s24, v14;
	v32 =	vadd.f32 v33, v32;
	v33 =	vadd.s32 s24, v13;
	_ =	sdelay $0x1  }
0x187: {  	v32 =	vadd.f32 v32, v23;
	_ =	sdelay $0x1  }
0x188: {  	[tilespmem:v35+s30+$0x0] =	vst.idx.msk vm1, v32  }
0x189: {  	v32 =	vld.idx.msk [tilespmem:v33+s3+$0x0], $0xffff  }
0x18a: {  	v33 =	vld.idx.msk [tilespmem:v36+s3+$0x0], $0xffff;
	_ =	sdelay $0x3  }
0x18b: {  	v35 =	vadd.s32 v24, v34  }
0x18c: {  	v32 =	vmul.f32 v32, v15  }
0x18d: {  	v33 =	vmul.f32 v33, v16;
	_ =	sdelay $0x1  }
0x18e: {  	v36 =	vadd.s32 s24, v8;
	v32 =	vadd.f32 v33, v32;
	v33 =	vadd.s32 s24, v6;
	_ =	sdelay $0x1  }
0x18f: {  	v32 =	vadd.f32 v32, v17;
	_ =	sdelay $0x1  }
0x190: {  	[tilespmem:v35+s30+$0x0] =	vst.idx.msk vm2, v32  }
0x191: {  	v32 =	vld.idx.msk [tilespmem:v33+s3+$0x0], $0xffff  }
0x192: {  	v33 =	vld.idx.msk [tilespmem:v36+s3+$0x0], $0xffff;
	_ =	sdelay $0x2  }
0x193: {  	v35 =	vadd.s32 v18, v34;
	_ =	sdelay $0x1  }
0x194: {  	v32 =	vmul.f32 v32, v9  }
0x195: {  	v33 =	vmul.f32 v33, v10;
	_ =	sdelay $0x1  }
0x196: {  	v36 =	vadd.s32 s24, v3;
	v32 =	vadd.f32 v33, v32;
	v33 =	vadd.s32 s24, v2;
	_ =	sdelay $0x1  }
0x197: {  	v32 =	vadd.f32 v32, v11;
	_ =	sdelay $0x1  }
0x198: {  	[tilespmem:v35+s30+$0x0] =	vst.idx.msk vm3, v32  }
0x199: {  	v33 =	vld.idx.msk [tilespmem:v33+s3+$0x0], $0xffff  }
0x19a: {  	v35 =	vld.idx.msk [tilespmem:v36+s3+$0x0], $0xffff;
	_ =	sdelay $0x1  }
.Ltmp3:
0x19b: {  	v32 =	vadd.s32 v12, v34;
	(pc) =	sbr.rel @p0 .LBB2_8-.Ltmp3, $3  }
0x19c: {  	_ =	sdelay $0x1  }
0x19d: {  	v33 =	vmul.f32 v33, v4  }
0x19e: {  	s24 =	sshll.u32 s22, $0x4;
	v34 =	vmul.f32 v35, v5  }
0x19f: {  	s23 =	sadd.s32 $0x400, s24  }
0x1a0: {  	v35 =	vadd.s32 s23, v25;
	v33 =	vadd.f32 v34, v33  }
0x1a1: {  	v53 =	vadd.s32 s23, v27  }
0x1a2: {  	v33 =	vadd.f32 v33, v7;
	_ =	sdelay $0x1  }
0x1a3: {  	[tilespmem:v32+s30+$0x0] =	vst.idx.msk vm4, v33  }
0x1a4: {  	v32 =	vld.idx.msk [tilespmem:v35+s3+$0x0], $0xffff  }
0x1a5: {  	v33 =	vld.idx.msk [tilespmem:v53+s3+$0x0], $0xffff  }
0x1a6: {  	v54 =	vmov s22  }
0x1a7: {  	v34 =	vmul.u32 $0x1E8, v54;
	_ =	sdelay $0x1  }
0x1a8: {  	v34 =	vbroadcast v34, $0x0  }
0x1a9: {  	v32 =	vmul.f32 v32, v26;
	v33 =	vmul.f32 v33, v28  }
0x1aa: {  	v55 =	vadd.s32 v31, v34  }
0x1ab: {  	v56 =	vadd.s32 s23, v19;
	v32 =	vadd.f32 v33, v32  }
0x1ac: {  	v36 =	vadd.s32 s23, v20  }
0x1ad: {  	v32 =	vadd.f32 v32, v29;
	_ =	sdelay $0x1  }
0x1ae: {  	[tilespmem:v55+s30+$0x0] =	vst.idx.msk vm0, v32  }
0x1af: {  	v32 =	vld.idx.msk [tilespmem:v56+s3+$0x0], $0xffff  }
0x1b0: {  	v57 =	vld.idx.msk [tilespmem:v36+s3+$0x0], $0xffff;
	_ =	sdelay $0x4  }
0x1b1: {  	v32 =	vmul.f32 v32, v21;
	v33 =	vmul.f32 v57, v22  }
0x1b2: {  	v58 =	vadd.s32 v30, v34  }
0x1b3: {  	v59 =	vadd.s32 s23, v13;
	v32 =	vadd.f32 v33, v32  }
0x1b4: {  	v60 =	vadd.s32 s23, v14  }
0x1b5: {  	v32 =	vadd.f32 v32, v23;
	_ =	sdelay $0x1  }
0x1b6: {  	[tilespmem:v58+s30+$0x0] =	vst.idx.msk vm1, v32  }
0x1b7: {  	v32 =	vld.idx.msk [tilespmem:v59+s3+$0x0], $0xffff  }
0x1b8: {  	v61 =	vld.idx.msk [tilespmem:v60+s3+$0x0], $0xffff;
	_ =	sdelay $0x4  }
0x1b9: {  	v32 =	vmul.f32 v32, v15;
	v33 =	vmul.f32 v61, v16  }
0x1ba: {  	v62 =	vadd.s32 v24, v34  }
0x1bb: {  	v63 =	vadd.s32 s23, v6;
	v32 =	vadd.f32 v33, v32  }
0x1bc: {  	v40 =	vadd.s32 s23, v8  }
0x1bd: {  	v32 =	vadd.f32 v32, v17;
	_ =	sdelay $0x1  }
0x1be: {  	[tilespmem:v62+s30+$0x0] =	vst.idx.msk vm2, v32  }
0x1bf: {  	v32 =	vld.idx.msk [tilespmem:v63+s3+$0x0], $0xffff  }
0x1c0: {  	v41 =	vld.idx.msk [tilespmem:v40+s3+$0x0], $0xffff;
	_ =	sdelay $0x4  }
0x1c1: {  	v32 =	vmul.f32 v32, v9;
	v33 =	vmul.f32 v41, v10  }
0x1c2: {  	v42 =	vadd.s32 v18, v34  }
0x1c3: {  	v43 =	vadd.s32 s23, v2;
	v32 =	vadd.f32 v33, v32  }
0x1c4: {  	v44 =	vadd.s32 s23, v3  }
0x1c5: {  	v32 =	vadd.f32 v32, v11;
	_ =	sdelay $0x1  }
0x1c6: {  	[tilespmem:v42+s30+$0x0] =	vst.idx.msk vm3, v32  }
0x1c7: {  	v32 =	vld.idx.msk [tilespmem:v43+s3+$0x0], $0xffff  }
0x1c8: {  	v45 =	vld.idx.msk [tilespmem:v44+s3+$0x0], $0xffff;
	_ =	sdelay $0x4  }
0x1c9: {  	v32 =	vmul.f32 v32, v4;
	v33 =	vmul.f32 v45, v5  }
0x1ca: {  	v34 =	vadd.s32 v12, v34  }
0x1cb: {  	v32 =	vadd.f32 v33, v32;
	_ =	sdelay $0x1  }
0x1cc: {  	v32 =	vadd.f32 v32, v7  }
0x1cd: {  	s24 =	simm.s32 $0x800  }
0x1ce: {  	s25 =	simm.s32 $0x0;
	v46 =	vadd.s32 s24, v25;
	[tilespmem:v34+s30+$0x0] =	vst.idx.msk vm4, v32  }
0x1cf: {  	v47 =	vadd.s32 s24, v27;
	[hbm4b:s12+s25] =	stream.linear.scatter [tilespmem:s30], [sflag:$0x3], $0x7A00, $0x38;
	[tilespmem:$0x11630] =	vst v63  }
0x1d0: {  	_ =	swait.ge [sflag:s0], $0x7A00  }
0x1d1: {  	[sflag:s0] =	ssyncset.done $0x0  }
0x1d2: {  	[sflag:s0] =	ssyncadd.s32 $0xFFFF8600  }
0x1d3: {  	v32 =	vld.idx.msk [tilespmem:v46+s3+$0x0], $0xffff  }
0x1d4: {  	v33 =	vld.idx.msk [tilespmem:v47+s3+$0x0], $0xffff  }
0x1d5: {  	v48 =	vmov s25  }
0x1d6: {  	v34 =	vmul.u32 $0x1E8, v48;
	_ =	sdelay $0x1  }
0x1d7: {  	v34 =	vbroadcast v34, $0x0  }
0x1d8: {  	v32 =	vmul.f32 v32, v26;
	v33 =	vmul.f32 v33, v28  }
0x1d9: {  	v49 =	vadd.s32 v31, v34  }
0x1da: {  	v50 =	vadd.s32 s24, v19;
	v32 =	vadd.f32 v33, v32  }
0x1db: {  	v51 =	vadd.s32 s24, v20  }
0x1dc: {  	v32 =	vadd.f32 v32, v29;
	_ =	sdelay $0x1  }
0x1dd: {  	[tilespmem:v49+s29+$0x0] =	vst.idx.msk vm0, v32  }
0x1de: {  	v32 =	vld.idx.msk [tilespmem:v50+s3+$0x0], $0xffff  }
0x1df: {  	v52 =	vld.idx.msk [tilespmem:v51+s3+$0x0], $0xffff;
	_ =	sdelay $0x4  }
0x1e0: {  	v32 =	vmul.f32 v32, v21;
	v33 =	vmul.f32 v52, v22  }
0x1e1: {  	v53 =	vadd.s32 v30, v34  }
0x1e2: {  	v54 =	vadd.s32 s24, v13;
	v32 =	vadd.f32 v33, v32  }
0x1e3: {  	v55 =	vadd.s32 s24, v14  }
0x1e4: {  	v32 =	vadd.f32 v32, v23;
	_ =	sdelay $0x1  }
0x1e5: {  	[tilespmem:v53+s29+$0x0] =	vst.idx.msk vm1, v32  }
0x1e6: {  	v32 =	vld.idx.msk [tilespmem:v54+s3+$0x0], $0xffff  }
0x1e7: {  	v56 =	vld.idx.msk [tilespmem:v55+s3+$0x0], $0xffff;
	_ =	sdelay $0x4  }
0x1e8: {  	v32 =	vmul.f32 v32, v15;
	v33 =	vmul.f32 v56, v16  }
0x1e9: {  	v57 =	vadd.s32 v24, v34  }
0x1ea: {  	v58 =	vadd.s32 s24, v6;
	v32 =	vadd.f32 v33, v32  }
0x1eb: {  	v59 =	vadd.s32 s24, v8  }
0x1ec: {  	v32 =	vadd.f32 v32, v17;
	_ =	sdelay $0x1  }
0x1ed: {  	[tilespmem:v57+s29+$0x0] =	vst.idx.msk vm2, v32  }
0x1ee: {  	v32 =	vld.idx.msk [tilespmem:v58+s3+$0x0], $0xffff  }
0x1ef: {  	v60 =	vld.idx.msk [tilespmem:v59+s3+$0x0], $0xffff;
	_ =	sdelay $0x4  }
0x1f0: {  	v32 =	vmul.f32 v32, v9;
	v33 =	vmul.f32 v60, v10  }
0x1f1: {  	v61 =	vadd.s32 v18, v34  }
0x1f2: {  	v62 =	vadd.s32 s24, v2;
	v32 =	vadd.f32 v33, v32  }
0x1f3: {  	v63 =	vadd.s32 s24, v3  }
0x1f4: {  	v32 =	vadd.f32 v32, v11;
	_ =	sdelay $0x1  }
0x1f5: {  	[tilespmem:v61+s29+$0x0] =	vst.idx.msk vm3, v32  }
0x1f6: {  	v33 =	vld.idx.msk [tilespmem:v62+s3+$0x0], $0xffff  }
0x1f7: {  	v35 =	vld.idx.msk [tilespmem:v63+s3+$0x0], $0xffff;
	_ =	sdelay $0x4  }
0x1f8: {  	s22 =	simm.s32 $0x1;
	s23 =	simm.s32 $0x2;
	s24 =	simm.s32 $0x10;
	v32 =	vadd.s32 v12, v34;
	v33 =	vmul.f32 v33, v4;
	v34 =	vmul.f32 v35, v5  }
.LBB2_10:
0x1f9: {  	p0 =	sne.s32 s23, $0x3F  }
0x1fa: {  	s24 =	sadd.s32 $0x800, s24;
	s25 =	smov.u32 s23;
	s23 =	sadd.s32 $0x1, s23  }
0x1fb: {  	v35 =	vadd.s32 s24, v25;
	v36 =	vadd.s32 s24, v27;
	v33 =	vadd.f32 v34, v33;
	_ =	sdelay $0x1  }
0x1fc: {  	v33 =	vadd.f32 v33, v7;
	_ =	sdelay $0x1  }
0x1fd: {  	[tilespmem:v32+s29+$0x0] =	vst.idx.msk vm4, v33  }
0x1fe: {  	v32 =	vld.idx.msk [tilespmem:v35+s3+$0x0], $0xffff  }
0x1ff: {  	v33 =	vld.idx.msk [tilespmem:v36+s3+$0x0], $0xffff  }
0x200: {  	v34 =	vmov s22;
	s22 =	smov.u32 s25  }
0x201: {  	v34 =	vmul.u32 $0x1E8, v34;
	_ =	sdelay $0x1  }
0x202: {  	v34 =	vbroadcast v34, $0x0  }
0x203: {  	v32 =	vmul.f32 v32, v26  }
0x204: {  	v35 =	vadd.s32 v31, v34;
	v33 =	vmul.f32 v33, v28;
	_ =	sdelay $0x1  }
0x205: {  	v36 =	vadd.s32 s24, v20;
	v32 =	vadd.f32 v33, v32;
	v33 =	vadd.s32 s24, v19;
	_ =	sdelay $0x1  }
0x206: {  	v32 =	vadd.f32 v32, v29;
	_ =	sdelay $0x1  }
0x207: {  	[tilespmem:v35+s29+$0x0] =	vst.idx.msk vm0, v32  }
0x208: {  	v32 =	vld.idx.msk [tilespmem:v33+s3+$0x0], $0xffff  }
0x209: {  	v33 =	vld.idx.msk [tilespmem:v36+s3+$0x0], $0xffff;
	_ =	sdelay $0x4  }
0x20a: {  	v35 =	vadd.s32 v30, v34;
	v32 =	vmul.f32 v32, v21  }
0x20b: {  	v33 =	vmul.f32 v33, v22;
	_ =	sdelay $0x1  }
0x20c: {  	v36 =	vadd.s32 s24, v14;
	v32 =	vadd.f32 v33, v32;
	v33 =	vadd.s32 s24, v13;
	_ =	sdelay $0x1  }
0x20d: {  	v32 =	vadd.f32 v32, v23;
	_ =	sdelay $0x1  }
0x20e: {  	[tilespmem:v35+s29+$0x0] =	vst.idx.msk vm1, v32  }
0x20f: {  	v32 =	vld.idx.msk [tilespmem:v33+s3+$0x0], $0xffff  }
0x210: {  	v33 =	vld.idx.msk [tilespmem:v36+s3+$0x0], $0xffff;
	_ =	sdelay $0x3  }
0x211: {  	v35 =	vadd.s32 v24, v34  }
0x212: {  	v32 =	vmul.f32 v32, v15  }
0x213: {  	v33 =	vmul.f32 v33, v16;
	_ =	sdelay $0x1  }
0x214: {  	v36 =	vadd.s32 s24, v8;
	v32 =	vadd.f32 v33, v32;
	v33 =	vadd.s32 s24, v6;
	_ =	sdelay $0x1  }
0x215: {  	v32 =	vadd.f32 v32, v17;
	_ =	sdelay $0x1  }
0x216: {  	[tilespmem:v35+s29+$0x0] =	vst.idx.msk vm2, v32  }
0x217: {  	v32 =	vld.idx.msk [tilespmem:v33+s3+$0x0], $0xffff  }
0x218: {  	v33 =	vld.idx.msk [tilespmem:v36+s3+$0x0], $0xffff;
	_ =	sdelay $0x2  }
0x219: {  	v35 =	vadd.s32 v18, v34;
	_ =	sdelay $0x1  }
0x21a: {  	v32 =	vmul.f32 v32, v9  }
0x21b: {  	v33 =	vmul.f32 v33, v10;
	_ =	sdelay $0x1  }
0x21c: {  	v36 =	vadd.s32 s24, v3;
	v32 =	vadd.f32 v33, v32;
	v33 =	vadd.s32 s24, v2;
	_ =	sdelay $0x1  }
0x21d: {  	v32 =	vadd.f32 v32, v11;
	_ =	sdelay $0x1  }
0x21e: {  	[tilespmem:v35+s29+$0x0] =	vst.idx.msk vm3, v32  }
0x21f: {  	v33 =	vld.idx.msk [tilespmem:v33+s3+$0x0], $0xffff  }
0x220: {  	v35 =	vld.idx.msk [tilespmem:v36+s3+$0x0], $0xffff;
	_ =	sdelay $0x1  }
.Ltmp4:
0x221: {  	v32 =	vadd.s32 v12, v34;
	(pc) =	sbr.rel @p0 .LBB2_10-.Ltmp4, $3  }
0x222: {  	_ =	sdelay $0x1  }
0x223: {  	v33 =	vmul.f32 v33, v4  }
0x224: {  	s24 =	sshll.u32 s22, $0x4;
	v34 =	vmul.f32 v35, v5  }
0x225: {  	s23 =	sadd.s32 $0x800, s24  }
0x226: {  	v35 =	vadd.s32 s23, v25;
	v33 =	vadd.f32 v34, v33  }
0x227: {  	v53 =	vadd.s32 s23, v27  }
0x228: {  	v33 =	vadd.f32 v33, v7;
	_ =	sdelay $0x1  }
0x229: {  	[tilespmem:v32+s29+$0x0] =	vst.idx.msk vm4, v33  }
0x22a: {  	v32 =	vld.idx.msk [tilespmem:v35+s3+$0x0], $0xffff  }
0x22b: {  	v33 =	vld.idx.msk [tilespmem:v53+s3+$0x0], $0xffff  }
0x22c: {  	v54 =	vmov s22  }
0x22d: {  	v34 =	vmul.u32 $0x1E8, v54;
	_ =	sdelay $0x1  }
0x22e: {  	v34 =	vbroadcast v34, $0x0  }
0x22f: {  	v32 =	vmul.f32 v32, v26;
	v33 =	vmul.f32 v33, v28  }
0x230: {  	v55 =	vadd.s32 v31, v34  }
0x231: {  	v56 =	vadd.s32 s23, v19;
	v32 =	vadd.f32 v33, v32  }
0x232: {  	v36 =	vadd.s32 s23, v20  }
0x233: {  	v32 =	vadd.f32 v32, v29;
	_ =	sdelay $0x1  }
0x234: {  	[tilespmem:v55+s29+$0x0] =	vst.idx.msk vm0, v32  }
0x235: {  	v32 =	vld.idx.msk [tilespmem:v56+s3+$0x0], $0xffff  }
0x236: {  	v57 =	vld.idx.msk [tilespmem:v36+s3+$0x0], $0xffff;
	_ =	sdelay $0x4  }
0x237: {  	v32 =	vmul.f32 v32, v21;
	v33 =	vmul.f32 v57, v22  }
0x238: {  	v58 =	vadd.s32 v30, v34  }
0x239: {  	v59 =	vadd.s32 s23, v13;
	v32 =	vadd.f32 v33, v32  }
0x23a: {  	v60 =	vadd.s32 s23, v14  }
0x23b: {  	v32 =	vadd.f32 v32, v23;
	_ =	sdelay $0x1  }
0x23c: {  	[tilespmem:v58+s29+$0x0] =	vst.idx.msk vm1, v32  }
0x23d: {  	v32 =	vld.idx.msk [tilespmem:v59+s3+$0x0], $0xffff  }
0x23e: {  	v61 =	vld.idx.msk [tilespmem:v60+s3+$0x0], $0xffff;
	_ =	sdelay $0x4  }
0x23f: {  	v32 =	vmul.f32 v32, v15;
	v33 =	vmul.f32 v61, v16  }
0x240: {  	v62 =	vadd.s32 v24, v34  }
0x241: {  	v63 =	vadd.s32 s23, v6;
	v32 =	vadd.f32 v33, v32  }
0x242: {  	v40 =	vadd.s32 s23, v8  }
0x243: {  	v32 =	vadd.f32 v32, v17;
	_ =	sdelay $0x1  }
0x244: {  	[tilespmem:v62+s29+$0x0] =	vst.idx.msk vm2, v32  }
0x245: {  	v32 =	vld.idx.msk [tilespmem:v63+s3+$0x0], $0xffff  }
0x246: {  	v41 =	vld.idx.msk [tilespmem:v40+s3+$0x0], $0xffff;
	_ =	sdelay $0x4  }
0x247: {  	v32 =	vmul.f32 v32, v9;
	v33 =	vmul.f32 v41, v10  }
0x248: {  	v42 =	vadd.s32 v18, v34  }
0x249: {  	v43 =	vadd.s32 s23, v2;
	v32 =	vadd.f32 v33, v32  }
0x24a: {  	v44 =	vadd.s32 s23, v3  }
0x24b: {  	v32 =	vadd.f32 v32, v11;
	_ =	sdelay $0x1  }
0x24c: {  	[tilespmem:v42+s29+$0x0] =	vst.idx.msk vm3, v32  }
0x24d: {  	v32 =	vld.idx.msk [tilespmem:v43+s3+$0x0], $0xffff  }
0x24e: {  	v45 =	vld.idx.msk [tilespmem:v44+s3+$0x0], $0xffff;
	_ =	sdelay $0x4  }
0x24f: {  	v32 =	vmul.f32 v32, v4;
	v33 =	vmul.f32 v45, v5  }
0x250: {  	v34 =	vadd.s32 v12, v34  }
0x251: {  	v32 =	vadd.f32 v33, v32;
	_ =	sdelay $0x1  }
0x252: {  	v32 =	vadd.f32 v32, v7  }
0x253: {  	s24 =	simm.s32 $0xC00  }
0x254: {  	s25 =	simm.s32 $0x0;
	v46 =	vadd.s32 s24, v25;
	[tilespmem:v34+s29+$0x0] =	vst.idx.msk vm4, v32  }
0x255: {  	v47 =	vadd.s32 s24, v27;
	[hbm4b:s13+s25] =	stream.linear.scatter [tilespmem:s29], [sflag:$0x2], $0x7A00, $0x38;
	[tilespmem:$0x11630] =	vst v63  }
0x256: {  	_ =	swait.ge [sflag:s2], $0x7A00  }
0x257: {  	[sflag:s2] =	ssyncset.done $0x0  }
0x258: {  	[sflag:s2] =	ssyncadd.s32 $0xFFFF8600  }
0x259: {  	v32 =	vld.idx.msk [tilespmem:v46+s3+$0x0], $0xffff  }
0x25a: {  	v33 =	vld.idx.msk [tilespmem:v47+s3+$0x0], $0xffff  }
0x25b: {  	v48 =	vmov s25  }
0x25c: {  	v34 =	vmul.u32 $0x1E8, v48;
	_ =	sdelay $0x1  }
0x25d: {  	v34 =	vbroadcast v34, $0x0  }
0x25e: {  	v32 =	vmul.f32 v32, v26;
	v33 =	vmul.f32 v33, v28  }
0x25f: {  	v49 =	vadd.s32 v31, v34  }
0x260: {  	v50 =	vadd.s32 s24, v19;
	v32 =	vadd.f32 v33, v32  }
0x261: {  	v51 =	vadd.s32 s24, v20  }
0x262: {  	v32 =	vadd.f32 v32, v29;
	_ =	sdelay $0x1  }
0x263: {  	[tilespmem:v49+s30+$0x0] =	vst.idx.msk vm0, v32  }
0x264: {  	v32 =	vld.idx.msk [tilespmem:v50+s3+$0x0], $0xffff  }
0x265: {  	v52 =	vld.idx.msk [tilespmem:v51+s3+$0x0], $0xffff;
	_ =	sdelay $0x4  }
0x266: {  	v32 =	vmul.f32 v32, v21;
	v33 =	vmul.f32 v52, v22  }
0x267: {  	v53 =	vadd.s32 v30, v34  }
0x268: {  	v54 =	vadd.s32 s24, v13;
	v32 =	vadd.f32 v33, v32  }
0x269: {  	v55 =	vadd.s32 s24, v14  }
0x26a: {  	v32 =	vadd.f32 v32, v23;
	_ =	sdelay $0x1  }
0x26b: {  	[tilespmem:v53+s30+$0x0] =	vst.idx.msk vm1, v32  }
0x26c: {  	v32 =	vld.idx.msk [tilespmem:v54+s3+$0x0], $0xffff  }
0x26d: {  	v56 =	vld.idx.msk [tilespmem:v55+s3+$0x0], $0xffff;
	_ =	sdelay $0x4  }
0x26e: {  	v32 =	vmul.f32 v32, v15;
	v33 =	vmul.f32 v56, v16  }
0x26f: {  	v57 =	vadd.s32 v24, v34  }
0x270: {  	v58 =	vadd.s32 s24, v6;
	v32 =	vadd.f32 v33, v32  }
0x271: {  	v59 =	vadd.s32 s24, v8  }
0x272: {  	v32 =	vadd.f32 v32, v17;
	_ =	sdelay $0x1  }
0x273: {  	[tilespmem:v57+s30+$0x0] =	vst.idx.msk vm2, v32  }
0x274: {  	v32 =	vld.idx.msk [tilespmem:v58+s3+$0x0], $0xffff  }
0x275: {  	v60 =	vld.idx.msk [tilespmem:v59+s3+$0x0], $0xffff;
	_ =	sdelay $0x4  }
0x276: {  	v32 =	vmul.f32 v32, v9;
	v33 =	vmul.f32 v60, v10  }
0x277: {  	v61 =	vadd.s32 v18, v34  }
0x278: {  	v62 =	vadd.s32 s24, v2;
	v32 =	vadd.f32 v33, v32  }
0x279: {  	v63 =	vadd.s32 s24, v3  }
0x27a: {  	v32 =	vadd.f32 v32, v11;
	_ =	sdelay $0x1  }
0x27b: {  	[tilespmem:v61+s30+$0x0] =	vst.idx.msk vm3, v32  }
0x27c: {  	v33 =	vld.idx.msk [tilespmem:v62+s3+$0x0], $0xffff  }
0x27d: {  	v35 =	vld.idx.msk [tilespmem:v63+s3+$0x0], $0xffff;
	_ =	sdelay $0x4  }
0x27e: {  	s22 =	simm.s32 $0x1;
	s23 =	simm.s32 $0x2;
	s24 =	simm.s32 $0x10;
	v32 =	vadd.s32 v12, v34;
	v33 =	vmul.f32 v33, v4;
	v34 =	vmul.f32 v35, v5  }
.LBB2_12:
0x27f: {  	p0 =	sne.s32 s23, $0x3F  }
0x280: {  	s24 =	sadd.s32 $0xC00, s24;
	s25 =	smov.u32 s23;
	s23 =	sadd.s32 $0x1, s23  }
0x281: {  	v35 =	vadd.s32 s24, v25;
	v36 =	vadd.s32 s24, v27;
	v33 =	vadd.f32 v34, v33;
	_ =	sdelay $0x1  }
0x282: {  	v33 =	vadd.f32 v33, v7;
	_ =	sdelay $0x1  }
0x283: {  	[tilespmem:v32+s30+$0x0] =	vst.idx.msk vm4, v33  }
0x284: {  	v32 =	vld.idx.msk [tilespmem:v35+s3+$0x0], $0xffff  }
0x285: {  	v33 =	vld.idx.msk [tilespmem:v36+s3+$0x0], $0xffff  }
0x286: {  	v34 =	vmov s22;
	s22 =	smov.u32 s25  }
0x287: {  	v34 =	vmul.u32 $0x1E8, v34;
	_ =	sdelay $0x1  }
0x288: {  	v34 =	vbroadcast v34, $0x0  }
0x289: {  	v32 =	vmul.f32 v32, v26  }
0x28a: {  	v35 =	vadd.s32 v31, v34;
	v33 =	vmul.f32 v33, v28;
	_ =	sdelay $0x1  }
0x28b: {  	v36 =	vadd.s32 s24, v20;
	v32 =	vadd.f32 v33, v32;
	v33 =	vadd.s32 s24, v19;
	_ =	sdelay $0x1  }
0x28c: {  	v32 =	vadd.f32 v32, v29;
	_ =	sdelay $0x1  }
0x28d: {  	[tilespmem:v35+s30+$0x0] =	vst.idx.msk vm0, v32  }
0x28e: {  	v32 =	vld.idx.msk [tilespmem:v33+s3+$0x0], $0xffff  }
0x28f: {  	v33 =	vld.idx.msk [tilespmem:v36+s3+$0x0], $0xffff;
	_ =	sdelay $0x4  }
0x290: {  	v35 =	vadd.s32 v30, v34;
	v32 =	vmul.f32 v32, v21  }
0x291: {  	v33 =	vmul.f32 v33, v22;
	_ =	sdelay $0x1  }
0x292: {  	v36 =	vadd.s32 s24, v14;
	v32 =	vadd.f32 v33, v32;
	v33 =	vadd.s32 s24, v13;
	_ =	sdelay $0x1  }
0x293: {  	v32 =	vadd.f32 v32, v23;
	_ =	sdelay $0x1  }
0x294: {  	[tilespmem:v35+s30+$0x0] =	vst.idx.msk vm1, v32  }
0x295: {  	v32 =	vld.idx.msk [tilespmem:v33+s3+$0x0], $0xffff  }
0x296: {  	v33 =	vld.idx.msk [tilespmem:v36+s3+$0x0], $0xffff;
	_ =	sdelay $0x3  }
0x297: {  	v35 =	vadd.s32 v24, v34  }
0x298: {  	v32 =	vmul.f32 v32, v15  }
0x299: {  	v33 =	vmul.f32 v33, v16;
	_ =	sdelay $0x1  }
0x29a: {  	v36 =	vadd.s32 s24, v8;
	v32 =	vadd.f32 v33, v32;
	v33 =	vadd.s32 s24, v6;
	_ =	sdelay $0x1  }
0x29b: {  	v32 =	vadd.f32 v32, v17;
	_ =	sdelay $0x1  }
0x29c: {  	[tilespmem:v35+s30+$0x0] =	vst.idx.msk vm2, v32  }
0x29d: {  	v32 =	vld.idx.msk [tilespmem:v33+s3+$0x0], $0xffff  }
0x29e: {  	v33 =	vld.idx.msk [tilespmem:v36+s3+$0x0], $0xffff;
	_ =	sdelay $0x2  }
0x29f: {  	v35 =	vadd.s32 v18, v34;
	_ =	sdelay $0x1  }
0x2a0: {  	v32 =	vmul.f32 v32, v9  }
0x2a1: {  	v33 =	vmul.f32 v33, v10;
	_ =	sdelay $0x1  }
0x2a2: {  	v36 =	vadd.s32 s24, v3;
	v32 =	vadd.f32 v33, v32;
	v33 =	vadd.s32 s24, v2;
	_ =	sdelay $0x1  }
0x2a3: {  	v32 =	vadd.f32 v32, v11;
	_ =	sdelay $0x1  }
0x2a4: {  	[tilespmem:v35+s30+$0x0] =	vst.idx.msk vm3, v32  }
0x2a5: {  	v33 =	vld.idx.msk [tilespmem:v33+s3+$0x0], $0xffff  }
0x2a6: {  	v35 =	vld.idx.msk [tilespmem:v36+s3+$0x0], $0xffff;
	_ =	sdelay $0x1  }
.Ltmp5:
0x2a7: {  	v32 =	vadd.s32 v12, v34;
	(pc) =	sbr.rel @p0 .LBB2_12-.Ltmp5, $3  }
0x2a8: {  	_ =	sdelay $0x1  }
0x2a9: {  	v33 =	vmul.f32 v33, v4  }
0x2aa: {  	s24 =	sshll.u32 s22, $0x4;
	v34 =	vmul.f32 v35, v5  }
0x2ab: {  	s23 =	sadd.s32 $0xC00, s24  }
0x2ac: {  	v35 =	vadd.s32 s23, v25;
	v33 =	vadd.f32 v34, v33  }
0x2ad: {  	v53 =	vadd.s32 s23, v27  }
0x2ae: {  	v33 =	vadd.f32 v33, v7;
	_ =	sdelay $0x1  }
0x2af: {  	[tilespmem:v32+s30+$0x0] =	vst.idx.msk vm4, v33  }
0x2b0: {  	v32 =	vld.idx.msk [tilespmem:v35+s3+$0x0], $0xffff  }
0x2b1: {  	v33 =	vld.idx.msk [tilespmem:v53+s3+$0x0], $0xffff  }
0x2b2: {  	v54 =	vmov s22  }
0x2b3: {  	v34 =	vmul.u32 $0x1E8, v54;
	_ =	sdelay $0x1  }
0x2b4: {  	v34 =	vbroadcast v34, $0x0  }
0x2b5: {  	v32 =	vmul.f32 v32, v26;
	v33 =	vmul.f32 v33, v28  }
0x2b6: {  	v55 =	vadd.s32 v31, v34  }
0x2b7: {  	v56 =	vadd.s32 s23, v19;
	v32 =	vadd.f32 v33, v32  }
0x2b8: {  	v36 =	vadd.s32 s23, v20  }
0x2b9: {  	v32 =	vadd.f32 v32, v29;
	_ =	sdelay $0x1  }
0x2ba: {  	[tilespmem:v55+s30+$0x0] =	vst.idx.msk vm0, v32  }
0x2bb: {  	v32 =	vld.idx.msk [tilespmem:v56+s3+$0x0], $0xffff  }
0x2bc: {  	v57 =	vld.idx.msk [tilespmem:v36+s3+$0x0], $0xffff;
	_ =	sdelay $0x4  }
0x2bd: {  	v32 =	vmul.f32 v32, v21;
	v33 =	vmul.f32 v57, v22  }
0x2be: {  	v58 =	vadd.s32 v30, v34  }
0x2bf: {  	v59 =	vadd.s32 s23, v13;
	v32 =	vadd.f32 v33, v32  }
0x2c0: {  	v60 =	vadd.s32 s23, v14  }
0x2c1: {  	v32 =	vadd.f32 v32, v23;
	_ =	sdelay $0x1  }
0x2c2: {  	[tilespmem:v58+s30+$0x0] =	vst.idx.msk vm1, v32  }
0x2c3: {  	v32 =	vld.idx.msk [tilespmem:v59+s3+$0x0], $0xffff  }
0x2c4: {  	v61 =	vld.idx.msk [tilespmem:v60+s3+$0x0], $0xffff;
	_ =	sdelay $0x4  }
0x2c5: {  	v32 =	vmul.f32 v32, v15;
	v33 =	vmul.f32 v61, v16  }
0x2c6: {  	v62 =	vadd.s32 v24, v34  }
0x2c7: {  	v63 =	vadd.s32 s23, v6;
	v32 =	vadd.f32 v33, v32  }
0x2c8: {  	v40 =	vadd.s32 s23, v8  }
0x2c9: {  	v32 =	vadd.f32 v32, v17;
	_ =	sdelay $0x1  }
0x2ca: {  	[tilespmem:v62+s30+$0x0] =	vst.idx.msk vm2, v32  }
0x2cb: {  	v32 =	vld.idx.msk [tilespmem:v63+s3+$0x0], $0xffff  }
0x2cc: {  	v41 =	vld.idx.msk [tilespmem:v40+s3+$0x0], $0xffff;
	_ =	sdelay $0x4  }
0x2cd: {  	v32 =	vmul.f32 v32, v9;
	v33 =	vmul.f32 v41, v10  }
0x2ce: {  	v42 =	vadd.s32 v18, v34  }
0x2cf: {  	v43 =	vadd.s32 s23, v2;
	v32 =	vadd.f32 v33, v32  }
0x2d0: {  	v44 =	vadd.s32 s23, v3  }
0x2d1: {  	v32 =	vadd.f32 v32, v11;
	_ =	sdelay $0x1  }
0x2d2: {  	[tilespmem:v42+s30+$0x0] =	vst.idx.msk vm3, v32  }
0x2d3: {  	v32 =	vld.idx.msk [tilespmem:v43+s3+$0x0], $0xffff  }
0x2d4: {  	v45 =	vld.idx.msk [tilespmem:v44+s3+$0x0], $0xffff;
	_ =	sdelay $0x4  }
0x2d5: {  	v32 =	vmul.f32 v32, v4;
	v33 =	vmul.f32 v45, v5  }
0x2d6: {  	v34 =	vadd.s32 v12, v34  }
0x2d7: {  	v32 =	vadd.f32 v33, v32;
	_ =	sdelay $0x1  }
0x2d8: {  	v32 =	vadd.f32 v32, v7  }
0x2d9: {  	s24 =	simm.s32 $0x1000  }
0x2da: {  	s25 =	simm.s32 $0x0;
	v46 =	vadd.s32 s24, v25;
	[tilespmem:v34+s30+$0x0] =	vst.idx.msk vm4, v32  }
0x2db: {  	v47 =	vadd.s32 s24, v27;
	[hbm4b:s14+s25] =	stream.linear.scatter [tilespmem:s30], [sflag:$0x3], $0x7A00, $0x38;
	[tilespmem:$0x11630] =	vst v63  }
0x2dc: {  	_ =	swait.ge [sflag:s0], $0x7A00  }
0x2dd: {  	[sflag:s0] =	ssyncset.done $0x0  }
0x2de: {  	[sflag:s0] =	ssyncadd.s32 $0xFFFF8600  }
0x2df: {  	v32 =	vld.idx.msk [tilespmem:v46+s3+$0x0], $0xffff  }
0x2e0: {  	v33 =	vld.idx.msk [tilespmem:v47+s3+$0x0], $0xffff  }
0x2e1: {  	v48 =	vmov s25  }
0x2e2: {  	v34 =	vmul.u32 $0x1E8, v48;
	_ =	sdelay $0x1  }
0x2e3: {  	v34 =	vbroadcast v34, $0x0  }
0x2e4: {  	v32 =	vmul.f32 v32, v26;
	v33 =	vmul.f32 v33, v28  }
0x2e5: {  	v49 =	vadd.s32 v31, v34  }
0x2e6: {  	v50 =	vadd.s32 s24, v19;
	v32 =	vadd.f32 v33, v32  }
0x2e7: {  	v51 =	vadd.s32 s24, v20  }
0x2e8: {  	v32 =	vadd.f32 v32, v29;
	_ =	sdelay $0x1  }
0x2e9: {  	[tilespmem:v49+s29+$0x0] =	vst.idx.msk vm0, v32  }
0x2ea: {  	v32 =	vld.idx.msk [tilespmem:v50+s3+$0x0], $0xffff  }
0x2eb: {  	v52 =	vld.idx.msk [tilespmem:v51+s3+$0x0], $0xffff;
	_ =	sdelay $0x4  }
0x2ec: {  	v32 =	vmul.f32 v32, v21;
	v33 =	vmul.f32 v52, v22  }
0x2ed: {  	v53 =	vadd.s32 v30, v34  }
0x2ee: {  	v54 =	vadd.s32 s24, v13;
	v32 =	vadd.f32 v33, v32  }
0x2ef: {  	v55 =	vadd.s32 s24, v14  }
0x2f0: {  	v32 =	vadd.f32 v32, v23;
	_ =	sdelay $0x1  }
0x2f1: {  	[tilespmem:v53+s29+$0x0] =	vst.idx.msk vm1, v32  }
0x2f2: {  	v32 =	vld.idx.msk [tilespmem:v54+s3+$0x0], $0xffff  }
0x2f3: {  	v56 =	vld.idx.msk [tilespmem:v55+s3+$0x0], $0xffff;
	_ =	sdelay $0x4  }
0x2f4: {  	v32 =	vmul.f32 v32, v15;
	v33 =	vmul.f32 v56, v16  }
0x2f5: {  	v57 =	vadd.s32 v24, v34  }
0x2f6: {  	v58 =	vadd.s32 s24, v6;
	v32 =	vadd.f32 v33, v32  }
0x2f7: {  	v59 =	vadd.s32 s24, v8  }
0x2f8: {  	v32 =	vadd.f32 v32, v17;
	_ =	sdelay $0x1  }
0x2f9: {  	[tilespmem:v57+s29+$0x0] =	vst.idx.msk vm2, v32  }
0x2fa: {  	v32 =	vld.idx.msk [tilespmem:v58+s3+$0x0], $0xffff  }
0x2fb: {  	v60 =	vld.idx.msk [tilespmem:v59+s3+$0x0], $0xffff;
	_ =	sdelay $0x4  }
0x2fc: {  	v32 =	vmul.f32 v32, v9;
	v33 =	vmul.f32 v60, v10  }
0x2fd: {  	v61 =	vadd.s32 v18, v34  }
0x2fe: {  	v62 =	vadd.s32 s24, v2;
	v32 =	vadd.f32 v33, v32  }
0x2ff: {  	v63 =	vadd.s32 s24, v3  }
0x300: {  	v32 =	vadd.f32 v32, v11;
	_ =	sdelay $0x1  }
0x301: {  	[tilespmem:v61+s29+$0x0] =	vst.idx.msk vm3, v32  }
0x302: {  	v33 =	vld.idx.msk [tilespmem:v62+s3+$0x0], $0xffff  }
0x303: {  	v35 =	vld.idx.msk [tilespmem:v63+s3+$0x0], $0xffff;
	_ =	sdelay $0x4  }
0x304: {  	s22 =	simm.s32 $0x1;
	s23 =	simm.s32 $0x2;
	s24 =	simm.s32 $0x10;
	v32 =	vadd.s32 v12, v34;
	v33 =	vmul.f32 v33, v4;
	v34 =	vmul.f32 v35, v5  }
.LBB2_14:
0x305: {  	p0 =	sne.s32 s23, $0x3F  }
0x306: {  	s24 =	sadd.s32 $0x1000, s24;
	s25 =	smov.u32 s23;
	s23 =	sadd.s32 $0x1, s23  }
0x307: {  	v35 =	vadd.s32 s24, v25;
	v36 =	vadd.s32 s24, v27;
	v33 =	vadd.f32 v34, v33;
	_ =	sdelay $0x1  }
0x308: {  	v33 =	vadd.f32 v33, v7;
	_ =	sdelay $0x1  }
0x309: {  	[tilespmem:v32+s29+$0x0] =	vst.idx.msk vm4, v33  }
0x30a: {  	v32 =	vld.idx.msk [tilespmem:v35+s3+$0x0], $0xffff  }
0x30b: {  	v33 =	vld.idx.msk [tilespmem:v36+s3+$0x0], $0xffff  }
0x30c: {  	v34 =	vmov s22;
	s22 =	smov.u32 s25  }
0x30d: {  	v34 =	vmul.u32 $0x1E8, v34;
	_ =	sdelay $0x1  }
0x30e: {  	v34 =	vbroadcast v34, $0x0  }
0x30f: {  	v32 =	vmul.f32 v32, v26  }
0x310: {  	v35 =	vadd.s32 v31, v34;
	v33 =	vmul.f32 v33, v28;
	_ =	sdelay $0x1  }
0x311: {  	v36 =	vadd.s32 s24, v20;
	v32 =	vadd.f32 v33, v32;
	v33 =	vadd.s32 s24, v19;
	_ =	sdelay $0x1  }
0x312: {  	v32 =	vadd.f32 v32, v29;
	_ =	sdelay $0x1  }
0x313: {  	[tilespmem:v35+s29+$0x0] =	vst.idx.msk vm0, v32  }
0x314: {  	v32 =	vld.idx.msk [tilespmem:v33+s3+$0x0], $0xffff  }
0x315: {  	v33 =	vld.idx.msk [tilespmem:v36+s3+$0x0], $0xffff;
	_ =	sdelay $0x4  }
0x316: {  	v35 =	vadd.s32 v30, v34;
	v32 =	vmul.f32 v32, v21  }
0x317: {  	v33 =	vmul.f32 v33, v22;
	_ =	sdelay $0x1  }
0x318: {  	v36 =	vadd.s32 s24, v14;
	v32 =	vadd.f32 v33, v32;
	v33 =	vadd.s32 s24, v13;
	_ =	sdelay $0x1  }
0x319: {  	v32 =	vadd.f32 v32, v23;
	_ =	sdelay $0x1  }
0x31a: {  	[tilespmem:v35+s29+$0x0] =	vst.idx.msk vm1, v32  }
0x31b: {  	v32 =	vld.idx.msk [tilespmem:v33+s3+$0x0], $0xffff  }
0x31c: {  	v33 =	vld.idx.msk [tilespmem:v36+s3+$0x0], $0xffff;
	_ =	sdelay $0x3  }
0x31d: {  	v35 =	vadd.s32 v24, v34  }
0x31e: {  	v32 =	vmul.f32 v32, v15  }
0x31f: {  	v33 =	vmul.f32 v33, v16;
	_ =	sdelay $0x1  }
0x320: {  	v36 =	vadd.s32 s24, v8;
	v32 =	vadd.f32 v33, v32;
	v33 =	vadd.s32 s24, v6;
	_ =	sdelay $0x1  }
0x321: {  	v32 =	vadd.f32 v32, v17;
	_ =	sdelay $0x1  }
0x322: {  	[tilespmem:v35+s29+$0x0] =	vst.idx.msk vm2, v32  }
0x323: {  	v32 =	vld.idx.msk [tilespmem:v33+s3+$0x0], $0xffff  }
0x324: {  	v33 =	vld.idx.msk [tilespmem:v36+s3+$0x0], $0xffff;
	_ =	sdelay $0x2  }
0x325: {  	v35 =	vadd.s32 v18, v34;
	_ =	sdelay $0x1  }
0x326: {  	v32 =	vmul.f32 v32, v9  }
0x327: {  	v33 =	vmul.f32 v33, v10;
	_ =	sdelay $0x1  }
0x328: {  	v36 =	vadd.s32 s24, v3;
	v32 =	vadd.f32 v33, v32;
	v33 =	vadd.s32 s24, v2;
	_ =	sdelay $0x1  }
0x329: {  	v32 =	vadd.f32 v32, v11;
	_ =	sdelay $0x1  }
0x32a: {  	[tilespmem:v35+s29+$0x0] =	vst.idx.msk vm3, v32  }
0x32b: {  	v33 =	vld.idx.msk [tilespmem:v33+s3+$0x0], $0xffff  }
0x32c: {  	v35 =	vld.idx.msk [tilespmem:v36+s3+$0x0], $0xffff;
	_ =	sdelay $0x1  }
.Ltmp6:
0x32d: {  	v32 =	vadd.s32 v12, v34;
	(pc) =	sbr.rel @p0 .LBB2_14-.Ltmp6, $3  }
0x32e: {  	_ =	sdelay $0x1  }
0x32f: {  	v33 =	vmul.f32 v33, v4  }
0x330: {  	s24 =	sshll.u32 s22, $0x4;
	v34 =	vmul.f32 v35, v5  }
0x331: {  	s23 =	sadd.s32 $0x1000, s24  }
0x332: {  	v35 =	vadd.s32 s23, v25;
	v33 =	vadd.f32 v34, v33  }
0x333: {  	v53 =	vadd.s32 s23, v27  }
0x334: {  	v33 =	vadd.f32 v33, v7;
	_ =	sdelay $0x1  }
0x335: {  	[tilespmem:v32+s29+$0x0] =	vst.idx.msk vm4, v33  }
0x336: {  	v32 =	vld.idx.msk [tilespmem:v35+s3+$0x0], $0xffff  }
0x337: {  	v33 =	vld.idx.msk [tilespmem:v53+s3+$0x0], $0xffff  }
0x338: {  	v54 =	vmov s22  }
0x339: {  	v34 =	vmul.u32 $0x1E8, v54;
	_ =	sdelay $0x1  }
0x33a: {  	v34 =	vbroadcast v34, $0x0  }
0x33b: {  	v32 =	vmul.f32 v32, v26;
	v33 =	vmul.f32 v33, v28  }
0x33c: {  	v55 =	vadd.s32 v31, v34  }
0x33d: {  	v56 =	vadd.s32 s23, v19;
	v32 =	vadd.f32 v33, v32  }
0x33e: {  	v36 =	vadd.s32 s23, v20  }
0x33f: {  	v32 =	vadd.f32 v32, v29;
	_ =	sdelay $0x1  }
0x340: {  	[tilespmem:v55+s29+$0x0] =	vst.idx.msk vm0, v32  }
0x341: {  	v32 =	vld.idx.msk [tilespmem:v56+s3+$0x0], $0xffff  }
0x342: {  	v57 =	vld.idx.msk [tilespmem:v36+s3+$0x0], $0xffff;
	_ =	sdelay $0x4  }
0x343: {  	v32 =	vmul.f32 v32, v21;
	v33 =	vmul.f32 v57, v22  }
0x344: {  	v58 =	vadd.s32 v30, v34  }
0x345: {  	v59 =	vadd.s32 s23, v13;
	v32 =	vadd.f32 v33, v32  }
0x346: {  	v60 =	vadd.s32 s23, v14  }
0x347: {  	v32 =	vadd.f32 v32, v23;
	_ =	sdelay $0x1  }
0x348: {  	[tilespmem:v58+s29+$0x0] =	vst.idx.msk vm1, v32  }
0x349: {  	v32 =	vld.idx.msk [tilespmem:v59+s3+$0x0], $0xffff  }
0x34a: {  	v61 =	vld.idx.msk [tilespmem:v60+s3+$0x0], $0xffff;
	_ =	sdelay $0x4  }
0x34b: {  	v32 =	vmul.f32 v32, v15;
	v33 =	vmul.f32 v61, v16  }
0x34c: {  	v62 =	vadd.s32 v24, v34  }
0x34d: {  	v63 =	vadd.s32 s23, v6;
	v32 =	vadd.f32 v33, v32  }
0x34e: {  	v40 =	vadd.s32 s23, v8  }
0x34f: {  	v32 =	vadd.f32 v32, v17;
	_ =	sdelay $0x1  }
0x350: {  	[tilespmem:v62+s29+$0x0] =	vst.idx.msk vm2, v32  }
0x351: {  	v32 =	vld.idx.msk [tilespmem:v63+s3+$0x0], $0xffff  }
0x352: {  	v41 =	vld.idx.msk [tilespmem:v40+s3+$0x0], $0xffff;
	_ =	sdelay $0x4  }
0x353: {  	v32 =	vmul.f32 v32, v9;
	v33 =	vmul.f32 v41, v10  }
0x354: {  	v42 =	vadd.s32 v18, v34  }
0x355: {  	v43 =	vadd.s32 s23, v2;
	v32 =	vadd.f32 v33, v32  }
0x356: {  	v44 =	vadd.s32 s23, v3  }
0x357: {  	v32 =	vadd.f32 v32, v11;
	_ =	sdelay $0x1  }
0x358: {  	[tilespmem:v42+s29+$0x0] =	vst.idx.msk vm3, v32  }
0x359: {  	v32 =	vld.idx.msk [tilespmem:v43+s3+$0x0], $0xffff  }
0x35a: {  	v45 =	vld.idx.msk [tilespmem:v44+s3+$0x0], $0xffff;
	_ =	sdelay $0x4  }
0x35b: {  	v32 =	vmul.f32 v32, v4;
	v33 =	vmul.f32 v45, v5  }
0x35c: {  	v34 =	vadd.s32 v12, v34  }
0x35d: {  	v32 =	vadd.f32 v33, v32;
	_ =	sdelay $0x1  }
0x35e: {  	v32 =	vadd.f32 v32, v7  }
0x35f: {  	s24 =	simm.s32 $0x1400  }
0x360: {  	s25 =	simm.s32 $0x0;
	v46 =	vadd.s32 s24, v25;
	[tilespmem:v34+s29+$0x0] =	vst.idx.msk vm4, v32  }
0x361: {  	v47 =	vadd.s32 s24, v27;
	[hbm4b:s15+s25] =	stream.linear.scatter [tilespmem:s29], [sflag:$0x2], $0x7A00, $0x38;
	[tilespmem:$0x11630] =	vst v63  }
0x362: {  	_ =	swait.ge [sflag:s2], $0x7A00  }
0x363: {  	[sflag:s2] =	ssyncset.done $0x0  }
0x364: {  	[sflag:s2] =	ssyncadd.s32 $0xFFFF8600  }
0x365: {  	v32 =	vld.idx.msk [tilespmem:v46+s3+$0x0], $0xffff  }
0x366: {  	v33 =	vld.idx.msk [tilespmem:v47+s3+$0x0], $0xffff  }
0x367: {  	v48 =	vmov s25  }
0x368: {  	v34 =	vmul.u32 $0x1E8, v48;
	_ =	sdelay $0x1  }
0x369: {  	v34 =	vbroadcast v34, $0x0  }
0x36a: {  	v32 =	vmul.f32 v32, v26;
	v33 =	vmul.f32 v33, v28  }
0x36b: {  	v49 =	vadd.s32 v31, v34  }
0x36c: {  	v50 =	vadd.s32 s24, v19;
	v32 =	vadd.f32 v33, v32  }
0x36d: {  	v51 =	vadd.s32 s24, v20  }
0x36e: {  	v32 =	vadd.f32 v32, v29;
	_ =	sdelay $0x1  }
0x36f: {  	[tilespmem:v49+s30+$0x0] =	vst.idx.msk vm0, v32  }
0x370: {  	v32 =	vld.idx.msk [tilespmem:v50+s3+$0x0], $0xffff  }
0x371: {  	v52 =	vld.idx.msk [tilespmem:v51+s3+$0x0], $0xffff;
	_ =	sdelay $0x4  }
0x372: {  	v32 =	vmul.f32 v32, v21;
	v33 =	vmul.f32 v52, v22  }
0x373: {  	v53 =	vadd.s32 v30, v34  }
0x374: {  	v54 =	vadd.s32 s24, v13;
	v32 =	vadd.f32 v33, v32  }
0x375: {  	v55 =	vadd.s32 s24, v14  }
0x376: {  	v32 =	vadd.f32 v32, v23;
	_ =	sdelay $0x1  }
0x377: {  	[tilespmem:v53+s30+$0x0] =	vst.idx.msk vm1, v32  }
0x378: {  	v32 =	vld.idx.msk [tilespmem:v54+s3+$0x0], $0xffff  }
0x379: {  	v56 =	vld.idx.msk [tilespmem:v55+s3+$0x0], $0xffff;
	_ =	sdelay $0x4  }
0x37a: {  	v32 =	vmul.f32 v32, v15;
	v33 =	vmul.f32 v56, v16  }
0x37b: {  	v57 =	vadd.s32 v24, v34  }
0x37c: {  	v58 =	vadd.s32 s24, v6;
	v32 =	vadd.f32 v33, v32  }
0x37d: {  	v59 =	vadd.s32 s24, v8  }
0x37e: {  	v32 =	vadd.f32 v32, v17;
	_ =	sdelay $0x1  }
0x37f: {  	[tilespmem:v57+s30+$0x0] =	vst.idx.msk vm2, v32  }
0x380: {  	v32 =	vld.idx.msk [tilespmem:v58+s3+$0x0], $0xffff  }
0x381: {  	v60 =	vld.idx.msk [tilespmem:v59+s3+$0x0], $0xffff;
	_ =	sdelay $0x4  }
0x382: {  	v32 =	vmul.f32 v32, v9;
	v33 =	vmul.f32 v60, v10  }
0x383: {  	v61 =	vadd.s32 v18, v34  }
0x384: {  	v62 =	vadd.s32 s24, v2;
	v32 =	vadd.f32 v33, v32  }
0x385: {  	v63 =	vadd.s32 s24, v3  }
0x386: {  	v32 =	vadd.f32 v32, v11;
	_ =	sdelay $0x1  }
0x387: {  	[tilespmem:v61+s30+$0x0] =	vst.idx.msk vm3, v32  }
0x388: {  	v33 =	vld.idx.msk [tilespmem:v62+s3+$0x0], $0xffff  }
0x389: {  	v35 =	vld.idx.msk [tilespmem:v63+s3+$0x0], $0xffff;
	_ =	sdelay $0x4  }
0x38a: {  	s22 =	simm.s32 $0x1;
	s23 =	simm.s32 $0x2;
	s24 =	simm.s32 $0x10;
	v32 =	vadd.s32 v12, v34;
	v33 =	vmul.f32 v33, v4;
	v34 =	vmul.f32 v35, v5  }
.LBB2_16:
0x38b: {  	p0 =	sne.s32 s23, $0x3F  }
0x38c: {  	s24 =	sadd.s32 $0x1400, s24;
	s25 =	smov.u32 s23;
	s23 =	sadd.s32 $0x1, s23  }
0x38d: {  	v35 =	vadd.s32 s24, v25;
	v36 =	vadd.s32 s24, v27;
	v33 =	vadd.f32 v34, v33;
	_ =	sdelay $0x1  }
0x38e: {  	v33 =	vadd.f32 v33, v7;
	_ =	sdelay $0x1  }
0x38f: {  	[tilespmem:v32+s30+$0x0] =	vst.idx.msk vm4, v33  }
0x390: {  	v32 =	vld.idx.msk [tilespmem:v35+s3+$0x0], $0xffff  }
0x391: {  	v33 =	vld.idx.msk [tilespmem:v36+s3+$0x0], $0xffff  }
0x392: {  	v34 =	vmov s22;
	s22 =	smov.u32 s25  }
0x393: {  	v34 =	vmul.u32 $0x1E8, v34;
	_ =	sdelay $0x1  }
0x394: {  	v34 =	vbroadcast v34, $0x0  }
0x395: {  	v32 =	vmul.f32 v32, v26  }
0x396: {  	v35 =	vadd.s32 v31, v34;
	v33 =	vmul.f32 v33, v28;
	_ =	sdelay $0x1  }
0x397: {  	v36 =	vadd.s32 s24, v20;
	v32 =	vadd.f32 v33, v32;
	v33 =	vadd.s32 s24, v19;
	_ =	sdelay $0x1  }
0x398: {  	v32 =	vadd.f32 v32, v29;
	_ =	sdelay $0x1  }
0x399: {  	[tilespmem:v35+s30+$0x0] =	vst.idx.msk vm0, v32  }
0x39a: {  	v32 =	vld.idx.msk [tilespmem:v33+s3+$0x0], $0xffff  }
0x39b: {  	v33 =	vld.idx.msk [tilespmem:v36+s3+$0x0], $0xffff;
	_ =	sdelay $0x4  }
0x39c: {  	v35 =	vadd.s32 v30, v34;
	v32 =	vmul.f32 v32, v21  }
0x39d: {  	v33 =	vmul.f32 v33, v22;
	_ =	sdelay $0x1  }
0x39e: {  	v36 =	vadd.s32 s24, v14;
	v32 =	vadd.f32 v33, v32;
	v33 =	vadd.s32 s24, v13;
	_ =	sdelay $0x1  }
0x39f: {  	v32 =	vadd.f32 v32, v23;
	_ =	sdelay $0x1  }
0x3a0: {  	[tilespmem:v35+s30+$0x0] =	vst.idx.msk vm1, v32  }
0x3a1: {  	v32 =	vld.idx.msk [tilespmem:v33+s3+$0x0], $0xffff  }
0x3a2: {  	v33 =	vld.idx.msk [tilespmem:v36+s3+$0x0], $0xffff;
	_ =	sdelay $0x3  }
0x3a3: {  	v35 =	vadd.s32 v24, v34  }
0x3a4: {  	v32 =	vmul.f32 v32, v15  }
0x3a5: {  	v33 =	vmul.f32 v33, v16;
	_ =	sdelay $0x1  }
0x3a6: {  	v36 =	vadd.s32 s24, v8;
	v32 =	vadd.f32 v33, v32;
	v33 =	vadd.s32 s24, v6;
	_ =	sdelay $0x1  }
0x3a7: {  	v32 =	vadd.f32 v32, v17;
	_ =	sdelay $0x1  }
0x3a8: {  	[tilespmem:v35+s30+$0x0] =	vst.idx.msk vm2, v32  }
0x3a9: {  	v32 =	vld.idx.msk [tilespmem:v33+s3+$0x0], $0xffff  }
0x3aa: {  	v33 =	vld.idx.msk [tilespmem:v36+s3+$0x0], $0xffff;
	_ =	sdelay $0x2  }
0x3ab: {  	v35 =	vadd.s32 v18, v34;
	_ =	sdelay $0x1  }
0x3ac: {  	v32 =	vmul.f32 v32, v9  }
0x3ad: {  	v33 =	vmul.f32 v33, v10;
	_ =	sdelay $0x1  }
0x3ae: {  	v36 =	vadd.s32 s24, v3;
	v32 =	vadd.f32 v33, v32;
	v33 =	vadd.s32 s24, v2;
	_ =	sdelay $0x1  }
0x3af: {  	v32 =	vadd.f32 v32, v11;
	_ =	sdelay $0x1  }
0x3b0: {  	[tilespmem:v35+s30+$0x0] =	vst.idx.msk vm3, v32  }
0x3b1: {  	v33 =	vld.idx.msk [tilespmem:v33+s3+$0x0], $0xffff  }
0x3b2: {  	v35 =	vld.idx.msk [tilespmem:v36+s3+$0x0], $0xffff;
	_ =	sdelay $0x1  }
.Ltmp7:
0x3b3: {  	v32 =	vadd.s32 v12, v34;
	(pc) =	sbr.rel @p0 .LBB2_16-.Ltmp7, $3  }
0x3b4: {  	_ =	sdelay $0x1  }
0x3b5: {  	v33 =	vmul.f32 v33, v4  }
0x3b6: {  	s24 =	sshll.u32 s22, $0x4;
	v34 =	vmul.f32 v35, v5  }
0x3b7: {  	s23 =	sadd.s32 $0x1400, s24  }
0x3b8: {  	v35 =	vadd.s32 s23, v25;
	v33 =	vadd.f32 v34, v33  }
0x3b9: {  	v53 =	vadd.s32 s23, v27  }
0x3ba: {  	v33 =	vadd.f32 v33, v7;
	_ =	sdelay $0x1  }
0x3bb: {  	[tilespmem:v32+s30+$0x0] =	vst.idx.msk vm4, v33  }
0x3bc: {  	v32 =	vld.idx.msk [tilespmem:v35+s3+$0x0], $0xffff  }
0x3bd: {  	v33 =	vld.idx.msk [tilespmem:v53+s3+$0x0], $0xffff  }
0x3be: {  	v54 =	vmov s22  }
0x3bf: {  	v34 =	vmul.u32 $0x1E8, v54;
	_ =	sdelay $0x1  }
0x3c0: {  	v34 =	vbroadcast v34, $0x0  }
0x3c1: {  	v32 =	vmul.f32 v32, v26;
	v33 =	vmul.f32 v33, v28  }
0x3c2: {  	v55 =	vadd.s32 v31, v34  }
0x3c3: {  	v56 =	vadd.s32 s23, v19;
	v32 =	vadd.f32 v33, v32  }
0x3c4: {  	v36 =	vadd.s32 s23, v20  }
0x3c5: {  	v32 =	vadd.f32 v32, v29;
	_ =	sdelay $0x1  }
0x3c6: {  	[tilespmem:v55+s30+$0x0] =	vst.idx.msk vm0, v32  }
0x3c7: {  	v32 =	vld.idx.msk [tilespmem:v56+s3+$0x0], $0xffff  }
0x3c8: {  	v57 =	vld.idx.msk [tilespmem:v36+s3+$0x0], $0xffff;
	_ =	sdelay $0x4  }
0x3c9: {  	v32 =	vmul.f32 v32, v21;
	v33 =	vmul.f32 v57, v22  }
0x3ca: {  	v58 =	vadd.s32 v30, v34  }
0x3cb: {  	v59 =	vadd.s32 s23, v13;
	v32 =	vadd.f32 v33, v32  }
0x3cc: {  	v60 =	vadd.s32 s23, v14  }
0x3cd: {  	v32 =	vadd.f32 v32, v23;
	_ =	sdelay $0x1  }
0x3ce: {  	[tilespmem:v58+s30+$0x0] =	vst.idx.msk vm1, v32  }
0x3cf: {  	v32 =	vld.idx.msk [tilespmem:v59+s3+$0x0], $0xffff  }
0x3d0: {  	v61 =	vld.idx.msk [tilespmem:v60+s3+$0x0], $0xffff;
	_ =	sdelay $0x4  }
0x3d1: {  	v32 =	vmul.f32 v32, v15;
	v33 =	vmul.f32 v61, v16  }
0x3d2: {  	v62 =	vadd.s32 v24, v34  }
0x3d3: {  	v63 =	vadd.s32 s23, v6;
	v32 =	vadd.f32 v33, v32  }
0x3d4: {  	v40 =	vadd.s32 s23, v8  }
0x3d5: {  	v32 =	vadd.f32 v32, v17;
	_ =	sdelay $0x1  }
0x3d6: {  	[tilespmem:v62+s30+$0x0] =	vst.idx.msk vm2, v32  }
0x3d7: {  	v32 =	vld.idx.msk [tilespmem:v63+s3+$0x0], $0xffff  }
0x3d8: {  	v41 =	vld.idx.msk [tilespmem:v40+s3+$0x0], $0xffff;
	_ =	sdelay $0x4  }
0x3d9: {  	v32 =	vmul.f32 v32, v9;
	v33 =	vmul.f32 v41, v10  }
0x3da: {  	v42 =	vadd.s32 v18, v34  }
0x3db: {  	v43 =	vadd.s32 s23, v2;
	v32 =	vadd.f32 v33, v32  }
0x3dc: {  	v44 =	vadd.s32 s23, v3  }
0x3dd: {  	v32 =	vadd.f32 v32, v11;
	_ =	sdelay $0x1  }
0x3de: {  	[tilespmem:v42+s30+$0x0] =	vst.idx.msk vm3, v32  }
0x3df: {  	v32 =	vld.idx.msk [tilespmem:v43+s3+$0x0], $0xffff  }
0x3e0: {  	v45 =	vld.idx.msk [tilespmem:v44+s3+$0x0], $0xffff;
	_ =	sdelay $0x4  }
0x3e1: {  	v32 =	vmul.f32 v32, v4;
	v33 =	vmul.f32 v45, v5  }
0x3e2: {  	v34 =	vadd.s32 v12, v34  }
0x3e3: {  	v32 =	vadd.f32 v33, v32;
	_ =	sdelay $0x1  }
0x3e4: {  	v32 =	vadd.f32 v32, v7  }
0x3e5: {  	s24 =	simm.s32 $0x1800  }
0x3e6: {  	s25 =	simm.s32 $0x0;
	v46 =	vadd.s32 s24, v25;
	[tilespmem:v34+s30+$0x0] =	vst.idx.msk vm4, v32  }
0x3e7: {  	v47 =	vadd.s32 s24, v27;
	[hbm4b:s16+s25] =	stream.linear.scatter [tilespmem:s30], [sflag:$0x3], $0x7A00, $0x38;
	[tilespmem:$0x11630] =	vst v63  }
0x3e8: {  	_ =	swait.ge [sflag:s0], $0x7A00  }
0x3e9: {  	[sflag:s0] =	ssyncset.done $0x0  }
0x3ea: {  	[sflag:s0] =	ssyncadd.s32 $0xFFFF8600  }
0x3eb: {  	v32 =	vld.idx.msk [tilespmem:v46+s3+$0x0], $0xffff  }
0x3ec: {  	v33 =	vld.idx.msk [tilespmem:v47+s3+$0x0], $0xffff  }
0x3ed: {  	v48 =	vmov s25  }
0x3ee: {  	v34 =	vmul.u32 $0x1E8, v48;
	_ =	sdelay $0x1  }
0x3ef: {  	v34 =	vbroadcast v34, $0x0  }
0x3f0: {  	v32 =	vmul.f32 v32, v26;
	v33 =	vmul.f32 v33, v28  }
0x3f1: {  	v49 =	vadd.s32 v31, v34  }
0x3f2: {  	v50 =	vadd.s32 s24, v19;
	v32 =	vadd.f32 v33, v32  }
0x3f3: {  	v51 =	vadd.s32 s24, v20  }
0x3f4: {  	v32 =	vadd.f32 v32, v29;
	_ =	sdelay $0x1  }
0x3f5: {  	[tilespmem:v49+s29+$0x0] =	vst.idx.msk vm0, v32  }
0x3f6: {  	v32 =	vld.idx.msk [tilespmem:v50+s3+$0x0], $0xffff  }
0x3f7: {  	v52 =	vld.idx.msk [tilespmem:v51+s3+$0x0], $0xffff;
	_ =	sdelay $0x4  }
0x3f8: {  	v32 =	vmul.f32 v32, v21;
	v33 =	vmul.f32 v52, v22  }
0x3f9: {  	v53 =	vadd.s32 v30, v34  }
0x3fa: {  	v54 =	vadd.s32 s24, v13;
	v32 =	vadd.f32 v33, v32  }
0x3fb: {  	v55 =	vadd.s32 s24, v14  }
0x3fc: {  	v32 =	vadd.f32 v32, v23;
	_ =	sdelay $0x1  }
0x3fd: {  	[tilespmem:v53+s29+$0x0] =	vst.idx.msk vm1, v32  }
0x3fe: {  	v32 =	vld.idx.msk [tilespmem:v54+s3+$0x0], $0xffff  }
0x3ff: {  	v56 =	vld.idx.msk [tilespmem:v55+s3+$0x0], $0xffff;
	_ =	sdelay $0x4  }
0x400: {  	v32 =	vmul.f32 v32, v15;
	v33 =	vmul.f32 v56, v16  }
0x401: {  	v57 =	vadd.s32 v24, v34  }
0x402: {  	v58 =	vadd.s32 s24, v6;
	v32 =	vadd.f32 v33, v32  }
0x403: {  	v59 =	vadd.s32 s24, v8  }
0x404: {  	v32 =	vadd.f32 v32, v17;
	_ =	sdelay $0x1  }
0x405: {  	[tilespmem:v57+s29+$0x0] =	vst.idx.msk vm2, v32  }
0x406: {  	v32 =	vld.idx.msk [tilespmem:v58+s3+$0x0], $0xffff  }
0x407: {  	v60 =	vld.idx.msk [tilespmem:v59+s3+$0x0], $0xffff;
	_ =	sdelay $0x4  }
0x408: {  	v32 =	vmul.f32 v32, v9;
	v33 =	vmul.f32 v60, v10  }
0x409: {  	v61 =	vadd.s32 v18, v34  }
0x40a: {  	v62 =	vadd.s32 s24, v2;
	v32 =	vadd.f32 v33, v32  }
0x40b: {  	v63 =	vadd.s32 s24, v3  }
0x40c: {  	v32 =	vadd.f32 v32, v11;
	_ =	sdelay $0x1  }
0x40d: {  	[tilespmem:v61+s29+$0x0] =	vst.idx.msk vm3, v32  }
0x40e: {  	v33 =	vld.idx.msk [tilespmem:v62+s3+$0x0], $0xffff  }
0x40f: {  	v35 =	vld.idx.msk [tilespmem:v63+s3+$0x0], $0xffff;
	_ =	sdelay $0x4  }
0x410: {  	s22 =	simm.s32 $0x1;
	s23 =	simm.s32 $0x2;
	s24 =	simm.s32 $0x10;
	v32 =	vadd.s32 v12, v34;
	v33 =	vmul.f32 v33, v4;
	v34 =	vmul.f32 v35, v5  }
.LBB2_18:
0x411: {  	p0 =	sne.s32 s23, $0x3F  }
0x412: {  	s24 =	sadd.s32 $0x1800, s24;
	s25 =	smov.u32 s23;
	s23 =	sadd.s32 $0x1, s23  }
0x413: {  	v35 =	vadd.s32 s24, v25;
	v36 =	vadd.s32 s24, v27;
	v33 =	vadd.f32 v34, v33;
	_ =	sdelay $0x1  }
0x414: {  	v33 =	vadd.f32 v33, v7;
	_ =	sdelay $0x1  }
0x415: {  	[tilespmem:v32+s29+$0x0] =	vst.idx.msk vm4, v33  }
0x416: {  	v32 =	vld.idx.msk [tilespmem:v35+s3+$0x0], $0xffff  }
0x417: {  	v33 =	vld.idx.msk [tilespmem:v36+s3+$0x0], $0xffff  }
0x418: {  	v34 =	vmov s22;
	s22 =	smov.u32 s25  }
0x419: {  	v34 =	vmul.u32 $0x1E8, v34;
	_ =	sdelay $0x1  }
0x41a: {  	v34 =	vbroadcast v34, $0x0  }
0x41b: {  	v32 =	vmul.f32 v32, v26  }
0x41c: {  	v35 =	vadd.s32 v31, v34;
	v33 =	vmul.f32 v33, v28;
	_ =	sdelay $0x1  }
0x41d: {  	v36 =	vadd.s32 s24, v20;
	v32 =	vadd.f32 v33, v32;
	v33 =	vadd.s32 s24, v19;
	_ =	sdelay $0x1  }
0x41e: {  	v32 =	vadd.f32 v32, v29;
	_ =	sdelay $0x1  }
0x41f: {  	[tilespmem:v35+s29+$0x0] =	vst.idx.msk vm0, v32  }
0x420: {  	v32 =	vld.idx.msk [tilespmem:v33+s3+$0x0], $0xffff  }
0x421: {  	v33 =	vld.idx.msk [tilespmem:v36+s3+$0x0], $0xffff;
	_ =	sdelay $0x4  }
0x422: {  	v35 =	vadd.s32 v30, v34;
	v32 =	vmul.f32 v32, v21  }
0x423: {  	v33 =	vmul.f32 v33, v22;
	_ =	sdelay $0x1  }
0x424: {  	v36 =	vadd.s32 s24, v14;
	v32 =	vadd.f32 v33, v32;
	v33 =	vadd.s32 s24, v13;
	_ =	sdelay $0x1  }
0x425: {  	v32 =	vadd.f32 v32, v23;
	_ =	sdelay $0x1  }
0x426: {  	[tilespmem:v35+s29+$0x0] =	vst.idx.msk vm1, v32  }
0x427: {  	v32 =	vld.idx.msk [tilespmem:v33+s3+$0x0], $0xffff  }
0x428: {  	v33 =	vld.idx.msk [tilespmem:v36+s3+$0x0], $0xffff;
	_ =	sdelay $0x3  }
0x429: {  	v35 =	vadd.s32 v24, v34  }
0x42a: {  	v32 =	vmul.f32 v32, v15  }
0x42b: {  	v33 =	vmul.f32 v33, v16;
	_ =	sdelay $0x1  }
0x42c: {  	v36 =	vadd.s32 s24, v8;
	v32 =	vadd.f32 v33, v32;
	v33 =	vadd.s32 s24, v6;
	_ =	sdelay $0x1  }
0x42d: {  	v32 =	vadd.f32 v32, v17;
	_ =	sdelay $0x1  }
0x42e: {  	[tilespmem:v35+s29+$0x0] =	vst.idx.msk vm2, v32  }
0x42f: {  	v32 =	vld.idx.msk [tilespmem:v33+s3+$0x0], $0xffff  }
0x430: {  	v33 =	vld.idx.msk [tilespmem:v36+s3+$0x0], $0xffff;
	_ =	sdelay $0x2  }
0x431: {  	v35 =	vadd.s32 v18, v34;
	_ =	sdelay $0x1  }
0x432: {  	v32 =	vmul.f32 v32, v9  }
0x433: {  	v33 =	vmul.f32 v33, v10;
	_ =	sdelay $0x1  }
0x434: {  	v36 =	vadd.s32 s24, v3;
	v32 =	vadd.f32 v33, v32;
	v33 =	vadd.s32 s24, v2;
	_ =	sdelay $0x1  }
0x435: {  	v32 =	vadd.f32 v32, v11;
	_ =	sdelay $0x1  }
0x436: {  	[tilespmem:v35+s29+$0x0] =	vst.idx.msk vm3, v32  }
0x437: {  	v33 =	vld.idx.msk [tilespmem:v33+s3+$0x0], $0xffff  }
0x438: {  	v35 =	vld.idx.msk [tilespmem:v36+s3+$0x0], $0xffff;
	_ =	sdelay $0x1  }
.Ltmp8:
0x439: {  	v32 =	vadd.s32 v12, v34;
	(pc) =	sbr.rel @p0 .LBB2_18-.Ltmp8, $3  }
0x43a: {  	_ =	sdelay $0x1  }
0x43b: {  	v33 =	vmul.f32 v33, v4  }
0x43c: {  	s24 =	sshll.u32 s22, $0x4;
	v34 =	vmul.f32 v35, v5  }
0x43d: {  	s23 =	sadd.s32 $0x1800, s24  }
0x43e: {  	v35 =	vadd.s32 s23, v25;
	v33 =	vadd.f32 v34, v33  }
0x43f: {  	v53 =	vadd.s32 s23, v27  }
0x440: {  	v33 =	vadd.f32 v33, v7;
	_ =	sdelay $0x1  }
0x441: {  	[tilespmem:v32+s29+$0x0] =	vst.idx.msk vm4, v33  }
0x442: {  	v32 =	vld.idx.msk [tilespmem:v35+s3+$0x0], $0xffff  }
0x443: {  	v33 =	vld.idx.msk [tilespmem:v53+s3+$0x0], $0xffff  }
0x444: {  	v54 =	vmov s22  }
0x445: {  	v34 =	vmul.u32 $0x1E8, v54;
	_ =	sdelay $0x1  }
0x446: {  	v34 =	vbroadcast v34, $0x0  }
0x447: {  	v32 =	vmul.f32 v32, v26;
	v33 =	vmul.f32 v33, v28  }
0x448: {  	v55 =	vadd.s32 v31, v34  }
0x449: {  	v56 =	vadd.s32 s23, v19;
	v32 =	vadd.f32 v33, v32  }
0x44a: {  	v36 =	vadd.s32 s23, v20  }
0x44b: {  	v32 =	vadd.f32 v32, v29;
	_ =	sdelay $0x1  }
0x44c: {  	[tilespmem:v55+s29+$0x0] =	vst.idx.msk vm0, v32  }
0x44d: {  	v32 =	vld.idx.msk [tilespmem:v56+s3+$0x0], $0xffff  }
0x44e: {  	v57 =	vld.idx.msk [tilespmem:v36+s3+$0x0], $0xffff;
	_ =	sdelay $0x4  }
0x44f: {  	v32 =	vmul.f32 v32, v21;
	v33 =	vmul.f32 v57, v22  }
0x450: {  	v58 =	vadd.s32 v30, v34  }
0x451: {  	v59 =	vadd.s32 s23, v13;
	v32 =	vadd.f32 v33, v32  }
0x452: {  	v60 =	vadd.s32 s23, v14  }
0x453: {  	v32 =	vadd.f32 v32, v23;
	_ =	sdelay $0x1  }
0x454: {  	[tilespmem:v58+s29+$0x0] =	vst.idx.msk vm1, v32  }
0x455: {  	v32 =	vld.idx.msk [tilespmem:v59+s3+$0x0], $0xffff  }
0x456: {  	v61 =	vld.idx.msk [tilespmem:v60+s3+$0x0], $0xffff;
	_ =	sdelay $0x4  }
0x457: {  	v32 =	vmul.f32 v32, v15;
	v33 =	vmul.f32 v61, v16  }
0x458: {  	v62 =	vadd.s32 v24, v34  }
0x459: {  	v63 =	vadd.s32 s23, v6;
	v32 =	vadd.f32 v33, v32  }
0x45a: {  	v40 =	vadd.s32 s23, v8  }
0x45b: {  	v32 =	vadd.f32 v32, v17;
	_ =	sdelay $0x1  }
0x45c: {  	[tilespmem:v62+s29+$0x0] =	vst.idx.msk vm2, v32  }
0x45d: {  	v32 =	vld.idx.msk [tilespmem:v63+s3+$0x0], $0xffff  }
0x45e: {  	v41 =	vld.idx.msk [tilespmem:v40+s3+$0x0], $0xffff;
	_ =	sdelay $0x4  }
0x45f: {  	v32 =	vmul.f32 v32, v9;
	v33 =	vmul.f32 v41, v10  }
0x460: {  	v42 =	vadd.s32 v18, v34  }
0x461: {  	v43 =	vadd.s32 s23, v2;
	v32 =	vadd.f32 v33, v32  }
0x462: {  	v44 =	vadd.s32 s23, v3  }
0x463: {  	v32 =	vadd.f32 v32, v11;
	_ =	sdelay $0x1  }
0x464: {  	[tilespmem:v42+s29+$0x0] =	vst.idx.msk vm3, v32  }
0x465: {  	v32 =	vld.idx.msk [tilespmem:v43+s3+$0x0], $0xffff  }
0x466: {  	v45 =	vld.idx.msk [tilespmem:v44+s3+$0x0], $0xffff;
	_ =	sdelay $0x4  }
0x467: {  	v32 =	vmul.f32 v32, v4;
	v33 =	vmul.f32 v45, v5  }
0x468: {  	v34 =	vadd.s32 v12, v34  }
0x469: {  	v32 =	vadd.f32 v33, v32;
	_ =	sdelay $0x1  }
0x46a: {  	v32 =	vadd.f32 v32, v7  }
0x46b: {  	s24 =	simm.s32 $0x1C00  }
0x46c: {  	s25 =	simm.s32 $0x0;
	v46 =	vadd.s32 s24, v25;
	[tilespmem:v34+s29+$0x0] =	vst.idx.msk vm4, v32  }
0x46d: {  	v47 =	vadd.s32 s24, v27;
	[hbm4b:s17+s25] =	stream.linear.scatter [tilespmem:s29], [sflag:$0x2], $0x7A00, $0x38;
	[tilespmem:$0x11630] =	vst v63  }
0x46e: {  	_ =	swait.ge [sflag:s2], $0x7A00  }
0x46f: {  	[sflag:s2] =	ssyncset.done $0x0  }
0x470: {  	[sflag:s2] =	ssyncadd.s32 $0xFFFF8600  }
0x471: {  	v32 =	vld.idx.msk [tilespmem:v46+s3+$0x0], $0xffff  }
0x472: {  	v33 =	vld.idx.msk [tilespmem:v47+s3+$0x0], $0xffff  }
0x473: {  	v48 =	vmov s25  }
0x474: {  	v34 =	vmul.u32 $0x1E8, v48;
	_ =	sdelay $0x1  }
0x475: {  	v34 =	vbroadcast v34, $0x0  }
0x476: {  	v32 =	vmul.f32 v32, v26;
	v33 =	vmul.f32 v33, v28  }
0x477: {  	v49 =	vadd.s32 v31, v34  }
0x478: {  	v50 =	vadd.s32 s24, v19;
	v32 =	vadd.f32 v33, v32  }
0x479: {  	v51 =	vadd.s32 s24, v20  }
0x47a: {  	v32 =	vadd.f32 v32, v29;
	_ =	sdelay $0x1  }
0x47b: {  	[tilespmem:v49+s30+$0x0] =	vst.idx.msk vm0, v32  }
0x47c: {  	v32 =	vld.idx.msk [tilespmem:v50+s3+$0x0], $0xffff  }
0x47d: {  	v52 =	vld.idx.msk [tilespmem:v51+s3+$0x0], $0xffff;
	_ =	sdelay $0x4  }
0x47e: {  	v32 =	vmul.f32 v32, v21;
	v33 =	vmul.f32 v52, v22  }
0x47f: {  	v53 =	vadd.s32 v30, v34  }
0x480: {  	v54 =	vadd.s32 s24, v13;
	v32 =	vadd.f32 v33, v32  }
0x481: {  	v55 =	vadd.s32 s24, v14  }
0x482: {  	v32 =	vadd.f32 v32, v23;
	_ =	sdelay $0x1  }
0x483: {  	[tilespmem:v53+s30+$0x0] =	vst.idx.msk vm1, v32  }
0x484: {  	v32 =	vld.idx.msk [tilespmem:v54+s3+$0x0], $0xffff  }
0x485: {  	v56 =	vld.idx.msk [tilespmem:v55+s3+$0x0], $0xffff;
	_ =	sdelay $0x4  }
0x486: {  	v32 =	vmul.f32 v32, v15;
	v33 =	vmul.f32 v56, v16  }
0x487: {  	v57 =	vadd.s32 v24, v34  }
0x488: {  	v58 =	vadd.s32 s24, v6;
	v32 =	vadd.f32 v33, v32  }
0x489: {  	v59 =	vadd.s32 s24, v8  }
0x48a: {  	v32 =	vadd.f32 v32, v17;
	_ =	sdelay $0x1  }
0x48b: {  	[tilespmem:v57+s30+$0x0] =	vst.idx.msk vm2, v32  }
0x48c: {  	v32 =	vld.idx.msk [tilespmem:v58+s3+$0x0], $0xffff  }
0x48d: {  	v60 =	vld.idx.msk [tilespmem:v59+s3+$0x0], $0xffff;
	_ =	sdelay $0x4  }
0x48e: {  	v32 =	vmul.f32 v32, v9;
	v33 =	vmul.f32 v60, v10  }
0x48f: {  	v61 =	vadd.s32 v18, v34  }
0x490: {  	v62 =	vadd.s32 s24, v2;
	v32 =	vadd.f32 v33, v32  }
0x491: {  	v63 =	vadd.s32 s24, v3  }
0x492: {  	v32 =	vadd.f32 v32, v11;
	_ =	sdelay $0x1  }
0x493: {  	[tilespmem:v61+s30+$0x0] =	vst.idx.msk vm3, v32  }
0x494: {  	v33 =	vld.idx.msk [tilespmem:v62+s3+$0x0], $0xffff  }
0x495: {  	v35 =	vld.idx.msk [tilespmem:v63+s3+$0x0], $0xffff;
	_ =	sdelay $0x4  }
0x496: {  	s22 =	simm.s32 $0x1;
	s23 =	simm.s32 $0x2;
	s24 =	simm.s32 $0x10;
	v32 =	vadd.s32 v12, v34;
	v33 =	vmul.f32 v33, v4;
	v34 =	vmul.f32 v35, v5  }
.LBB2_20:
0x497: {  	p0 =	sne.s32 s23, $0x3F  }
0x498: {  	s24 =	sadd.s32 $0x1C00, s24;
	s25 =	smov.u32 s23;
	s23 =	sadd.s32 $0x1, s23  }
0x499: {  	v35 =	vadd.s32 s24, v25;
	v36 =	vadd.s32 s24, v27;
	v33 =	vadd.f32 v34, v33;
	_ =	sdelay $0x1  }
0x49a: {  	v33 =	vadd.f32 v33, v7;
	_ =	sdelay $0x1  }
0x49b: {  	[tilespmem:v32+s30+$0x0] =	vst.idx.msk vm4, v33  }
0x49c: {  	v32 =	vld.idx.msk [tilespmem:v35+s3+$0x0], $0xffff  }
0x49d: {  	v33 =	vld.idx.msk [tilespmem:v36+s3+$0x0], $0xffff  }
0x49e: {  	v34 =	vmov s22;
	s22 =	smov.u32 s25  }
0x49f: {  	v34 =	vmul.u32 $0x1E8, v34;
	_ =	sdelay $0x1  }
0x4a0: {  	v34 =	vbroadcast v34, $0x0  }
0x4a1: {  	v32 =	vmul.f32 v32, v26  }
0x4a2: {  	v35 =	vadd.s32 v31, v34;
	v33 =	vmul.f32 v33, v28;
	_ =	sdelay $0x1  }
0x4a3: {  	v36 =	vadd.s32 s24, v20;
	v32 =	vadd.f32 v33, v32;
	v33 =	vadd.s32 s24, v19;
	_ =	sdelay $0x1  }
0x4a4: {  	v32 =	vadd.f32 v32, v29;
	_ =	sdelay $0x1  }
0x4a5: {  	[tilespmem:v35+s30+$0x0] =	vst.idx.msk vm0, v32  }
0x4a6: {  	v32 =	vld.idx.msk [tilespmem:v33+s3+$0x0], $0xffff  }
0x4a7: {  	v33 =	vld.idx.msk [tilespmem:v36+s3+$0x0], $0xffff;
	_ =	sdelay $0x4  }
0x4a8: {  	v35 =	vadd.s32 v30, v34;
	v32 =	vmul.f32 v32, v21  }
0x4a9: {  	v33 =	vmul.f32 v33, v22;
	_ =	sdelay $0x1  }
0x4aa: {  	v36 =	vadd.s32 s24, v14;
	v32 =	vadd.f32 v33, v32;
	v33 =	vadd.s32 s24, v13;
	_ =	sdelay $0x1  }
0x4ab: {  	v32 =	vadd.f32 v32, v23;
	_ =	sdelay $0x1  }
0x4ac: {  	[tilespmem:v35+s30+$0x0] =	vst.idx.msk vm1, v32  }
0x4ad: {  	v32 =	vld.idx.msk [tilespmem:v33+s3+$0x0], $0xffff  }
0x4ae: {  	v33 =	vld.idx.msk [tilespmem:v36+s3+$0x0], $0xffff;
	_ =	sdelay $0x3  }
0x4af: {  	v35 =	vadd.s32 v24, v34  }
0x4b0: {  	v32 =	vmul.f32 v32, v15  }
0x4b1: {  	v33 =	vmul.f32 v33, v16;
	_ =	sdelay $0x1  }
0x4b2: {  	v36 =	vadd.s32 s24, v8;
	v32 =	vadd.f32 v33, v32;
	v33 =	vadd.s32 s24, v6;
	_ =	sdelay $0x1  }
0x4b3: {  	v32 =	vadd.f32 v32, v17;
	_ =	sdelay $0x1  }
0x4b4: {  	[tilespmem:v35+s30+$0x0] =	vst.idx.msk vm2, v32  }
0x4b5: {  	v32 =	vld.idx.msk [tilespmem:v33+s3+$0x0], $0xffff  }
0x4b6: {  	v33 =	vld.idx.msk [tilespmem:v36+s3+$0x0], $0xffff;
	_ =	sdelay $0x2  }
0x4b7: {  	v35 =	vadd.s32 v18, v34;
	_ =	sdelay $0x1  }
0x4b8: {  	v32 =	vmul.f32 v32, v9  }
0x4b9: {  	v33 =	vmul.f32 v33, v10;
	_ =	sdelay $0x1  }
0x4ba: {  	v36 =	vadd.s32 s24, v3;
	v32 =	vadd.f32 v33, v32;
	v33 =	vadd.s32 s24, v2;
	_ =	sdelay $0x1  }
0x4bb: {  	v32 =	vadd.f32 v32, v11;
	_ =	sdelay $0x1  }
0x4bc: {  	[tilespmem:v35+s30+$0x0] =	vst.idx.msk vm3, v32  }
0x4bd: {  	v33 =	vld.idx.msk [tilespmem:v33+s3+$0x0], $0xffff  }
0x4be: {  	v35 =	vld.idx.msk [tilespmem:v36+s3+$0x0], $0xffff;
	_ =	sdelay $0x1  }
.Ltmp9:
0x4bf: {  	v32 =	vadd.s32 v12, v34;
	(pc) =	sbr.rel @p0 .LBB2_20-.Ltmp9, $3  }
0x4c0: {  	_ =	sdelay $0x1  }
0x4c1: {  	v33 =	vmul.f32 v33, v4  }
0x4c2: {  	s24 =	sshll.u32 s22, $0x4;
	v34 =	vmul.f32 v35, v5  }
0x4c3: {  	s23 =	sadd.s32 $0x1C00, s24  }
0x4c4: {  	v25 =	vadd.s32 s23, v25;
	v33 =	vadd.f32 v34, v33  }
0x4c5: {  	v27 =	vadd.s32 s23, v27  }
0x4c6: {  	v33 =	vadd.f32 v33, v7;
	_ =	sdelay $0x1  }
0x4c7: {  	[tilespmem:v32+s30+$0x0] =	vst.idx.msk vm4, v33  }
0x4c8: {  	v25 =	vld.idx.msk [tilespmem:v25+s3+$0x0], $0xffff  }
0x4c9: {  	v27 =	vld.idx.msk [tilespmem:v27+s3+$0x0], $0xffff  }
0x4ca: {  	v57 =	vmov s22  }
0x4cb: {  	v32 =	vmul.u32 $0x1E8, v57;
	_ =	sdelay $0x1  }
0x4cc: {  	v32 =	vbroadcast v32, $0x0  }
0x4cd: {  	v25 =	vmul.f32 v25, v26;
	v58 =	vmul.f32 v27, v28  }
0x4ce: {  	v59 =	vadd.s32 v31, v32  }
0x4cf: {  	v19 =	vadd.s32 s23, v19;
	v25 =	vadd.f32 v58, v25  }
0x4d0: {  	v20 =	vadd.s32 s23, v20  }
0x4d1: {  	v25 =	vadd.f32 v25, v29;
	_ =	sdelay $0x1  }
0x4d2: {  	[tilespmem:v59+s30+$0x0] =	vst.idx.msk vm0, v25  }
0x4d3: {  	v19 =	vld.idx.msk [tilespmem:v19+s3+$0x0], $0xffff  }
0x4d4: {  	v20 =	vld.idx.msk [tilespmem:v20+s3+$0x0], $0xffff;
	_ =	sdelay $0x4  }
0x4d5: {  	v19 =	vmul.f32 v19, v21;
	v20 =	vmul.f32 v20, v22  }
0x4d6: {  	v60 =	vadd.s32 v30, v32  }
0x4d7: {  	v13 =	vadd.s32 s23, v13;
	v19 =	vadd.f32 v20, v19  }
0x4d8: {  	v14 =	vadd.s32 s23, v14  }
0x4d9: {  	v19 =	vadd.f32 v19, v23;
	_ =	sdelay $0x1  }
0x4da: {  	[tilespmem:v60+s30+$0x0] =	vst.idx.msk vm1, v19  }
0x4db: {  	v13 =	vld.idx.msk [tilespmem:v13+s3+$0x0], $0xffff  }
0x4dc: {  	v14 =	vld.idx.msk [tilespmem:v14+s3+$0x0], $0xffff;
	_ =	sdelay $0x4  }
0x4dd: {  	v13 =	vmul.f32 v13, v15;
	v14 =	vmul.f32 v14, v16  }
0x4de: {  	v61 =	vadd.s32 v24, v32  }
0x4df: {  	v6 =	vadd.s32 s23, v6;
	v13 =	vadd.f32 v14, v13  }
0x4e0: {  	v8 =	vadd.s32 s23, v8  }
0x4e1: {  	v13 =	vadd.f32 v13, v17;
	_ =	sdelay $0x1  }
0x4e2: {  	[tilespmem:v61+s30+$0x0] =	vst.idx.msk vm2, v13  }
0x4e3: {  	v6 =	vld.idx.msk [tilespmem:v6+s3+$0x0], $0xffff  }
0x4e4: {  	v8 =	vld.idx.msk [tilespmem:v8+s3+$0x0], $0xffff;
	_ =	sdelay $0x4  }
0x4e5: {  	v6 =	vmul.f32 v6, v9;
	v8 =	vmul.f32 v8, v10  }
0x4e6: {  	v62 =	vadd.s32 v18, v32  }
0x4e7: {  	v2 =	vadd.s32 s23, v2;
	v6 =	vadd.f32 v8, v6  }
0x4e8: {  	v3 =	vadd.s32 s23, v3  }
0x4e9: {  	v6 =	vadd.f32 v6, v11;
	_ =	sdelay $0x1  }
0x4ea: {  	[tilespmem:v62+s30+$0x0] =	vst.idx.msk vm3, v6  }
0x4eb: {  	v2 =	vld.idx.msk [tilespmem:v2+s3+$0x0], $0xffff  }
0x4ec: {  	v3 =	vld.idx.msk [tilespmem:v3+s3+$0x0], $0xffff;
	_ =	sdelay $0x4  }
0x4ed: {  	v2 =	vmul.f32 v2, v4;
	v3 =	vmul.f32 v3, v5  }
0x4ee: {  	v63 =	vadd.s32 v12, v32  }
0x4ef: {  	v2 =	vadd.f32 v3, v2;
	_ =	sdelay $0x1  }
0x4f0: {  	v2 =	vadd.f32 v2, v7;
	_ =	sdelay $0x1  }
0x4f1: {  	s20 =	sadd.s32 $0x1, s20;
	[tilespmem:v63+s30+$0x0] =	vst.idx.msk vm4, v2  }
0x4f2: {  	[hbm4b:s18+s3] =	stream.linear.scatter [tilespmem:s30], [sflag:$0x3], $0x7A00, $0x38;
	[tilespmem:$0x11630] =	vst v63  }
0x4f3: {  	p0 =	sne.s32 s20, s19;
	_ =	swait.ge [sflag:s0], $0x7A00  }
.Ltmp10:
0x4f4: {  	[sflag:s0] =	ssyncset.done $0x0;
	(pc) =	sbr.rel @p0 .LBB2_1-.Ltmp10, $4  }
0x4f5: {  	[sflag:s0] =	ssyncadd.s32 $0xFFFF8600  }
0x4f6: {  	_ =	swait.ge [sflag:s2], $0x7A00  }
0x4f7: {  	[sflag:s2] =	ssyncset.done $0x0  }
0x4f8: {  	[sflag:s2] =	ssyncadd.s32 $0xFFFF8600  }
0x4f9: {  	_ =	sfence.sel $0x180000  }
0x4fa: {  	[bflag:$0x0] =	sbarrier.arrive $0xFFFF  }
0x4fb: {  	_ =	strace $0x90000047  }
0x4fc: {  	s0 =	stileid.u32;
	[bflag:$0x2] =	sbarrier.arrive $0xFFFF  }
0x4fd: {  	p0 =	sne.s32 s0, $0x0;
	s0 =	rddreg [dreg:$0x2]  }
0x4fe: {  	s0 =	sadd.s32 @!p0 $0x100000, s0  }
0x4ff: {  	[sflag:s0] =	ssyncadd.tile.s32 @!p0 $0x1;
	_ =	shalt  }
.Lfunc_end2:
_tile_overlayer_lowered:
.L_overlay_start_2:
0x500: {  	(tag) =	ssettag $0x2  }
0x501: {  	s0 =	rddreg [dreg:$0x0];
	s2 =	stileid.u32  }
0x502: {  	s1 =	rddreg [dreg:$0x1];
	p0 =	sne.s32 s2, $0x0  }
0x503: {  	s3 =	rddreg [dreg:$0x2];
	[bflag:$0x3] =	sbarrier.arrive $0xFFFF;
	s2 =	simm.s32 @!p0 $0x1C04  }
0x504: {  	[timem:s3], [sflag:s2] =	dma.local @!p0 [hbm:s0], s1  }
0x505: {  	s0 =	simm.s32 @!p0 $0x4  }
0x506: {  	_ =	swait.ge @!p0 [sflag:s0], s1  }
0x507: {  	s1 =	ssub.s32 @!p0 $0x0, s1;
	[sflag:s0] =	ssyncset.done @!p0 $0x0  }
0x508: {  	[sflag:s0] =	ssyncadd.s32 @!p0 s1  }
0x509: {  	[bflag:$0x3] =	sbarrier.arrive $0xFFFF  }
0x50a: {  	_ =	shalt  }

</sc_bundles>
